<compile_context>
chip_gen: v7x
topology: tpu7x:2x2x1
jax: 0.10.2.dev20260603
libtpu: 0.0.44.dev20260713+nightly
codegen_flags: <defaults>
</compile_context>

<pallas_src>
import functools

import jax
import jax.numpy as jnp
from jax import lax
from jax.experimental import pallas as pl
from jax.experimental.pallas import tpu as pltpu
from jax.experimental.pallas import tpu_sc as plsc

GRID_ROWS, GRID_COLS = 128, 128
SDF_SIZE = GRID_ROWS * GRID_COLS
COLS = 3 * SDF_SIZE + 6
PARAM_BASE = 3 * SDF_SIZE
BATCH = 1024
NC, NS, L = 2, 16, 16
NW = NC * NS
RPW = BATCH // NW

_mesh = plsc.VectorSubcoreMesh(core_axis_name="c", subcore_axis_name="s")


@functools.partial(
    pl.kernel,
    out_type=jax.ShapeDtypeStruct((BATCH,), jnp.float32),
    mesh=_mesh,
    scratch_types=[
        pltpu.VMEM((8, 128), jnp.float32),
        pltpu.VMEM((RPW, 8, 128), jnp.float32),
        pltpu.VMEM((RPW,), jnp.float32),
        pltpu.SemaphoreType.DMA,
    ],
    compiler_params=pltpu.CompilerParams(disable_bounds_checks=True),
)
def _sdf_lookup(xT, out, pbuf, vbuf, obuf, sem):
    wid = lax.axis_index("s") * NC + lax.axis_index("c")
    base = wid * RPW
    rband = pl.multiple_of(base & ~127, 128)
    boff = base & 127
    lanes = lax.iota(jnp.int32, L)

    pbase = pl.multiple_of(PARAM_BASE + wid * 0, 8)
    pltpu.async_copy(
        xT.at[pl.ds(pbase, 8), pl.ds(rband, 128)], pbuf, sem
    ).wait()

    cts, subs, oobs = [], [], []
    for h in range(RPW // L):
        def p(j, _h=h):
            return pbuf[j, pl.ds(boff + _h * L, L)]

        i0 = (p(4) / p(0) + p(2)).astype(jnp.int32)
        i1 = (p(5) / p(1) + p(3)).astype(jnp.int32)
        flat = i0 * GRID_COLS + i1
        oob = (i0 < 0) | (i0 >= GRID_COLS) | (i1 < 0) | (i1 >= GRID_ROWS)
        safe = jnp.clip(flat, 0, SDF_SIZE - 1)
        cts.append(safe & ~7)
        subs.append(safe & 7)
        oobs.append(oob)

    copies = []
    for i in range(RPW):
        h, l = divmod(i, L)
        ct = pl.multiple_of(cts[h][l], 8)
        copies.append(
            pltpu.async_copy(
                xT.at[pl.ds(ct, 8), pl.ds(rband, 128)], vbuf.at[i], sem
            )
        )

    for h in range(RPW // L):
        off = pl.multiple_of(boff + h * L, L)
        vals = jnp.full((L,), 0.0, jnp.float32)
        for l in range(L):
            i = h * L + l
            copies[i].wait()
            v16 = vbuf[i, subs[h][l], pl.ds(off, L)]
            vals = jnp.where(lanes == l, v16, vals)
        obuf[pl.ds(h * L, L)] = jnp.where(oobs[h], jnp.float32(-0.1), vals)

    pltpu.sync_copy(obuf, out.at[pl.ds(base, RPW)])


def kernel(x):
    return _sdf_lookup(x.T)[:, None]

# --- scband reference (transcript-rebuilt; emitter-appended) ---
"""Pipeline reference for scband-sdflookup-56307021251002 (READ-ONLY COPY).

The authoritative reference and input builder live on the scoring server;
editing this copy changes nothing except your own understanding.
"""

import jax, jax.numpy as jnp
import numpy as np

SDF_SHAPE = (128, 128)
B = 1024


def setup_inputs(seed: int = 0) -> dict:
    key = jax.random.key(seed)
    sdf_size = SDF_SHAPE[0] * SDF_SHAPE[1]
    cols = sdf_size * 3 + 6
    x = jax.random.uniform(key, (B, cols), dtype=jnp.float32)
    return {"x": x}


def reference(x):
    rows, cols_sdf = SDF_SHAPE
    sdf_size = rows * cols_sdf
    end_sdf = sdf_size
    end_gradient = end_sdf + 2 * sdf_size
    end_resolution = end_gradient + 2
    end_origin = end_resolution + 2
    end_input_point = end_origin + 2

    sdf_flat = x[:, 0:end_sdf]
    resolution = x[:, end_gradient:end_resolution]
    origin = x[:, end_resolution:end_origin]
    input_points = x[:, end_origin:end_input_point]

    float_input_points = input_points / resolution
    float_offset_input_points = float_input_points + origin
    integer_input_points = float_offset_input_points.astype(jnp.int32)

    flat_idx = integer_input_points[:, 0] * cols_sdf + integer_input_points[:, 1]

    oob_left = integer_input_points[:, 0] < 0
    oob_right = integer_input_points[:, 0] >= cols_sdf
    oob_up = integer_input_points[:, 1] < 0
    oob_down = integer_input_points[:, 1] >= rows
    out_of_bounds = oob_up | oob_down | oob_left | oob_right

    safe_idx = jnp.clip(flat_idx, 0, sdf_size - 1)
    b = x.shape[0]
    sdf_value = sdf_flat[jnp.arange(b), safe_idx][:, None]
    oob_value = jnp.full_like(sdf_value, -0.1)
    sdf_value = jnp.where(out_of_bounds[:, None], oob_value, sdf_value)
    return sdf_value

if __name__ == "__main__":
    import jax
    _d = setup_inputs()
    print(jax.jit(kernel)(*tuple(_d.values())))

</pallas_src>

<mosaic_0001>
#map = affine_map<(d0, d1) -> (0, 0)>
#map1 = affine_map<(d0, d1) -> (0)>
module attributes {stable_mosaic.version = 14 : i64} {
  func.func @_sdf_lookup(%arg0: i32, %arg1: i32, %arg2: memref<49158x1024xf32, #tpu.memory_space<hbm>>, %arg3: memref<1024xf32, #tpu.memory_space<hbm>>, %arg4: memref<8x128xf32, #tpu.memory_space<vmem>>, %arg5: memref<32x8x128xf32, #tpu.memory_space<vmem>>, %arg6: memref<32xf32, #tpu.memory_space<vmem>>, %arg7: memref<!tpu.dma_semaphore, #tpu.memory_space<semaphore_mem>>) attributes {dimension_semantics = [#tpu.dimension_semantics<core_parallel>, #tpu.dimension_semantics<subcore_parallel>], iteration_bounds = array<i64: 2, 16>, scalar_prefetch = 0 : i64, scratch_operands = 4 : i64, tpu.core_type = #tpu.core_type<sc_vector_subcore>, window_params = [{transform_indices = #map}, {transform_indices = #map1}]} {
    %mul3A = arith.constant 2 : i32
    %mul3A_0 = arith.muli %arg1, %mul3A : i32
    %add3A = arith.addi %mul3A_0, %arg0 : i32
    %mul3A_1 = arith.constant 32 : i32
    %mul3A_2 = arith.muli %add3A, %mul3A_1 : i32
    %and3A = arith.constant -128 : i32
    %and3A_3 = arith.andi %mul3A_2, %and3A : i32
    %multiple_of3A = tpu.assume_multiple %and3A_3, 128 : i32
    %and3A_4 = arith.constant 127 : i32
    %and3A_5 = arith.andi %mul3A_2, %and3A_4 : i32
    %iota3A = tpu.iota {dimensions = array<i32: 0>} : vector<16xi32>
    %mul3A_6 = arith.constant 0 : i32
    %mul3A_7 = arith.muli %add3A, %mul3A_6 : i32
    %add3A_8 = arith.constant 49152 : i32
    %add3A_9 = arith.addi %add3A_8, %mul3A_7 : i32
    %multiple_of3A_10 = tpu.assume_multiple %add3A_9, 8 : i32
    %dma_start3A = tpu.memref_slice %arg2[%multiple_of3A_10, %multiple_of3A] : memref<49158x1024xf32, #tpu.memory_space<hbm>> -> memref<8x128xf32, #tpu.memory_space<hbm>>
    %dma_start3A_11 = tpu.memref_slice %arg2[%multiple_of3A_10, %multiple_of3A] : memref<49158x1024xf32, #tpu.memory_space<hbm>> -> memref<8x128xf32, #tpu.memory_space<hbm>>
    tpu.enqueue_dma source(%dma_start3A_11 : memref<8x128xf32, #tpu.memory_space<hbm>>) target(%arg4 : memref<8x128xf32, #tpu.memory_space<vmem>>) target_semaphore(%arg7 : memref<!tpu.dma_semaphore, #tpu.memory_space<semaphore_mem>>)
    %dma_wait3A = tpu.memref_slice %arg2[%multiple_of3A_10, %multiple_of3A] : memref<49158x1024xf32, #tpu.memory_space<hbm>> -> memref<8x128xf32, #tpu.memory_space<hbm>>
    %dma_wait3A_12 = tpu.memref_slice %arg2[%multiple_of3A_10, %multiple_of3A] : memref<49158x1024xf32, #tpu.memory_space<hbm>> -> memref<8x128xf32, #tpu.memory_space<hbm>>
    tpu.wait_dma2 semaphore(%arg7 : memref<!tpu.dma_semaphore, #tpu.memory_space<semaphore_mem>>) src(%dma_wait3A_12 : memref<8x128xf32, #tpu.memory_space<hbm>>) dst(%arg4 : memref<8x128xf32, #tpu.memory_space<vmem>>)
    %add3A_13 = arith.constant 0 : i32
    %add3A_14 = arith.addi %and3A_5, %add3A_13 : i32
    %get3A = arith.constant 4 : i32
    %get3A_15 = arith.index_cast %get3A : i32 to index
    %get3A_16 = arith.index_cast %add3A_14 : i32 to index
    %get3A_17 = tpu.vector_load %arg4[%get3A_15, %get3A_16] {strides = array<i32>} : memref<8x128xf32, #tpu.memory_space<vmem>>, vector<1x16xf32>,
    %get3A_18 = vector.shape_cast %get3A_17 : vector<1x16xf32> to vector<16xf32>
    %add3A_19 = arith.constant 0 : i32
    %add3A_20 = arith.addi %and3A_5, %add3A_19 : i32
    %get3A_21 = arith.constant 0 : i32
    %get3A_22 = arith.index_cast %get3A_21 : i32 to index
    %get3A_23 = arith.index_cast %add3A_20 : i32 to index
    %get3A_24 = tpu.vector_load %arg4[%get3A_22, %get3A_23] {strides = array<i32>} : memref<8x128xf32, #tpu.memory_space<vmem>>, vector<1x16xf32>,
    %get3A_25 = vector.shape_cast %get3A_24 : vector<1x16xf32> to vector<16xf32>
    %div3A = arith.divf %get3A_18, %get3A_25 : vector<16xf32>
    %add3A_26 = arith.constant 0 : i32
    %add3A_27 = arith.addi %and3A_5, %add3A_26 : i32
    %get3A_28 = arith.constant 2 : i32
    %get3A_29 = arith.index_cast %get3A_28 : i32 to index
    %get3A_30 = arith.index_cast %add3A_27 : i32 to index
    %get3A_31 = tpu.vector_load %arg4[%get3A_29, %get3A_30] {strides = array<i32>} : memref<8x128xf32, #tpu.memory_space<vmem>>, vector<1x16xf32>,
    %get3A_32 = vector.shape_cast %get3A_31 : vector<1x16xf32> to vector<16xf32>
    %add3A_33 = arith.addf %div3A, %get3A_32 : vector<16xf32>
    %convert_element_type3A = arith.fptosi %add3A_33 : vector<16xf32> to vector<16xi32>
    %add3A_34 = arith.constant 0 : i32
    %add3A_35 = arith.addi %and3A_5, %add3A_34 : i32
    %get3A_36 = arith.constant 5 : i32
    %get3A_37 = arith.index_cast %get3A_36 : i32 to index
    %get3A_38 = arith.index_cast %add3A_35 : i32 to index
    %get3A_39 = tpu.vector_load %arg4[%get3A_37, %get3A_38] {strides = array<i32>} : memref<8x128xf32, #tpu.memory_space<vmem>>, vector<1x16xf32>,
    %get3A_40 = vector.shape_cast %get3A_39 : vector<1x16xf32> to vector<16xf32>
    %add3A_41 = arith.constant 0 : i32
    %add3A_42 = arith.addi %and3A_5, %add3A_41 : i32
    %get3A_43 = arith.constant 1 : i32
    %get3A_44 = arith.index_cast %get3A_43 : i32 to index
    %get3A_45 = arith.index_cast %add3A_42 : i32 to index
    %get3A_46 = tpu.vector_load %arg4[%get3A_44, %get3A_45] {strides = array<i32>} : memref<8x128xf32, #tpu.memory_space<vmem>>, vector<1x16xf32>,
    %get3A_47 = vector.shape_cast %get3A_46 : vector<1x16xf32> to vector<16xf32>
    %div3A_48 = arith.divf %get3A_40, %get3A_47 : vector<16xf32>
    %add3A_49 = arith.constant 0 : i32
    %add3A_50 = arith.addi %and3A_5, %add3A_49 : i32
    %get3A_51 = arith.constant 3 : i32
    %get3A_52 = arith.index_cast %get3A_51 : i32 to index
    %get3A_53 = arith.index_cast %add3A_50 : i32 to index
    %get3A_54 = tpu.vector_load %arg4[%get3A_52, %get3A_53] {strides = array<i32>} : memref<8x128xf32, #tpu.memory_space<vmem>>, vector<1x16xf32>,
    %get3A_55 = vector.shape_cast %get3A_54 : vector<1x16xf32> to vector<16xf32>
    %add3A_56 = arith.addf %div3A_48, %get3A_55 : vector<16xf32>
    %convert_element_type3A_57 = arith.fptosi %add3A_56 : vector<16xf32> to vector<16xi32>
    %mul3A_58 = arith.constant 128 : i32
    %mul3A_59 = vector.broadcast %mul3A_58 : i32 to vector<16xi32>
    %mul3A_60 = arith.muli %convert_element_type3A, %mul3A_59 : vector<16xi32>
    %add3A_61 = arith.addi %mul3A_60, %convert_element_type3A_57 : vector<16xi32>
    %lt3A = arith.constant 0 : i32
    %lt3A_62 = vector.broadcast %lt3A : i32 to vector<16xi32>
    %lt3A_63 = arith.cmpi slt, %convert_element_type3A, %lt3A_62 : vector<16xi32>
    %ge3A = arith.constant 128 : i32
    %ge3A_64 = vector.broadcast %ge3A : i32 to vector<16xi32>
    %ge3A_65 = arith.cmpi sge, %convert_element_type3A, %ge3A_64 : vector<16xi32>
    %or3A = arith.ori %lt3A_63, %ge3A_65 : vector<16xi1>
    %lt3A_66 = arith.constant 0 : i32
    %lt3A_67 = vector.broadcast %lt3A_66 : i32 to vector<16xi32>
    %lt3A_68 = arith.cmpi slt, %convert_element_type3A_57, %lt3A_67 : vector<16xi32>
    %or3A_69 = arith.ori %or3A, %lt3A_68 : vector<16xi1>
    %ge3A_70 = arith.constant 128 : i32
    %ge3A_71 = vector.broadcast %ge3A_70 : i32 to vector<16xi32>
    %ge3A_72 = arith.cmpi sge, %convert_element_type3A_57, %ge3A_71 : vector<16xi32>
    %or3A_73 = arith.ori %or3A_69, %ge3A_72 : vector<16xi1>
    %jit3A = arith.constant 0 : i32
    %jit3A_74 = arith.constant 16383 : i32
    %max3A = vector.broadcast %jit3A : i32 to vector<16xi32>
    %max3A_75 = arith.maxsi %max3A, %add3A_61 : vector<16xi32>
    %min3A = vector.broadcast %jit3A_74 : i32 to vector<16xi32>
    %min3A_76 = arith.minsi %min3A, %max3A_75 : vector<16xi32>
    %and3A_77 = arith.constant -8 : i32
    %and3A_78 = vector.broadcast %and3A_77 : i32 to vector<16xi32>
    %and3A_79 = arith.andi %min3A_76, %and3A_78 : vector<16xi32>
    %and3A_80 = arith.constant 7 : i32
    %and3A_81 = vector.broadcast %and3A_80 : i32 to vector<16xi32>
    %and3A_82 = arith.andi %min3A_76, %and3A_81 : vector<16xi32>
    %add3A_83 = arith.constant 16 : i32
    %add3A_84 = arith.addi %and3A_5, %add3A_83 : i32
    %get3A_85 = arith.constant 4 : i32
    %get3A_86 = arith.index_cast %get3A_85 : i32 to index
    %get3A_87 = arith.index_cast %add3A_84 : i32 to index
    %get3A_88 = tpu.vector_load %arg4[%get3A_86, %get3A_87] {strides = array<i32>} : memref<8x128xf32, #tpu.memory_space<vmem>>, vector<1x16xf32>,
    %get3A_89 = vector.shape_cast %get3A_88 : vector<1x16xf32> to vector<16xf32>
    %add3A_90 = arith.constant 16 : i32
    %add3A_91 = arith.addi %and3A_5, %add3A_90 : i32
    %get3A_92 = arith.constant 0 : i32
    %get3A_93 = arith.index_cast %get3A_92 : i32 to index
    %get3A_94 = arith.index_cast %add3A_91 : i32 to index
    %get3A_95 = tpu.vector_load %arg4[%get3A_93, %get3A_94] {strides = array<i32>} : memref<8x128xf32, #tpu.memory_space<vmem>>, vector<1x16xf32>,
    %get3A_96 = vector.shape_cast %get3A_95 : vector<1x16xf32> to vector<16xf32>
    %div3A_97 = arith.divf %get3A_89, %get3A_96 : vector<16xf32>
    %add3A_98 = arith.constant 16 : i32
    %add3A_99 = arith.addi %and3A_5, %add3A_98 : i32
    %get3A_100 = arith.constant 2 : i32
    %get3A_101 = arith.index_cast %get3A_100 : i32 to index
    %get3A_102 = arith.index_cast %add3A_99 : i32 to index
    %get3A_103 = tpu.vector_load %arg4[%get3A_101, %get3A_102] {strides = array<i32>} : memref<8x128xf32, #tpu.memory_space<vmem>>, vector<1x16xf32>,
    %get3A_104 = vector.shape_cast %get3A_103 : vector<1x16xf32> to vector<16xf32>
    %add3A_105 = arith.addf %div3A_97, %get3A_104 : vector<16xf32>
    %convert_element_type3A_106 = arith.fptosi %add3A_105 : vector<16xf32> to vector<16xi32>
    %add3A_107 = arith.constant 16 : i32
    %add3A_108 = arith.addi %and3A_5, %add3A_107 : i32
    %get3A_109 = arith.constant 5 : i32
    %get3A_110 = arith.index_cast %get3A_109 : i32 to index
    %get3A_111 = arith.index_cast %add3A_108 : i32 to index
    %get3A_112 = tpu.vector_load %arg4[%get3A_110, %get3A_111] {strides = array<i32>} : memref<8x128xf32, #tpu.memory_space<vmem>>, vector<1x16xf32>,
    %get3A_113 = vector.shape_cast %get3A_112 : vector<1x16xf32> to vector<16xf32>
    %add3A_114 = arith.constant 16 : i32
    %add3A_115 = arith.addi %and3A_5, %add3A_114 : i32
    %get3A_116 = arith.constant 1 : i32
    %get3A_117 = arith.index_cast %get3A_116 : i32 to index
    %get3A_118 = arith.index_cast %add3A_115 : i32 to index
    %get3A_119 = tpu.vector_load %arg4[%get3A_117, %get3A_118] {strides = array<i32>} : memref<8x128xf32, #tpu.memory_space<vmem>>, vector<1x16xf32>,
    %get3A_120 = vector.shape_cast %get3A_119 : vector<1x16xf32> to vector<16xf32>
    %div3A_121 = arith.divf %get3A_113, %get3A_120 : vector<16xf32>
    %add3A_122 = arith.constant 16 : i32
    %add3A_123 = arith.addi %and3A_5, %add3A_122 : i32
    %get3A_124 = arith.constant 3 : i32
    %get3A_125 = arith.index_cast %get3A_124 : i32 to index
    %get3A_126 = arith.index_cast %add3A_123 : i32 to index
    %get3A_127 = tpu.vector_load %arg4[%get3A_125, %get3A_126] {strides = array<i32>} : memref<8x128xf32, #tpu.memory_space<vmem>>, vector<1x16xf32>,
    %get3A_128 = vector.shape_cast %get3A_127 : vector<1x16xf32> to vector<16xf32>
    %add3A_129 = arith.addf %div3A_121, %get3A_128 : vector<16xf32>
    %convert_element_type3A_130 = arith.fptosi %add3A_129 : vector<16xf32> to vector<16xi32>
    %mul3A_131 = arith.constant 128 : i32
    %mul3A_132 = vector.broadcast %mul3A_131 : i32 to vector<16xi32>
    %mul3A_133 = arith.muli %convert_element_type3A_106, %mul3A_132 : vector<16xi32>
    %add3A_134 = arith.addi %mul3A_133, %convert_element_type3A_130 : vector<16xi32>
    %lt3A_135 = arith.constant 0 : i32
    %lt3A_136 = vector.broadcast %lt3A_135 : i32 to vector<16xi32>
    %lt3A_137 = arith.cmpi slt, %convert_element_type3A_106, %lt3A_136 : vector<16xi32>
    %ge3A_138 = arith.constant 128 : i32
    %ge3A_139 = vector.broadcast %ge3A_138 : i32 to vector<16xi32>
    %ge3A_140 = arith.cmpi sge, %convert_element_type3A_106, %ge3A_139 : vector<16xi32>
    %or3A_141 = arith.ori %lt3A_137, %ge3A_140 : vector<16xi1>
    %lt3A_142 = arith.constant 0 : i32
    %lt3A_143 = vector.broadcast %lt3A_142 : i32 to vector<16xi32>
    %lt3A_144 = arith.cmpi slt, %convert_element_type3A_130, %lt3A_143 : vector<16xi32>
    %or3A_145 = arith.ori %or3A_141, %lt3A_144 : vector<16xi1>
    %ge3A_146 = arith.constant 128 : i32
    %ge3A_147 = vector.broadcast %ge3A_146 : i32 to vector<16xi32>
    %ge3A_148 = arith.cmpi sge, %convert_element_type3A_130, %ge3A_147 : vector<16xi32>
    %or3A_149 = arith.ori %or3A_145, %ge3A_148 : vector<16xi1>
    %jit3A_150 = arith.constant 0 : i32
    %jit3A_151 = arith.constant 16383 : i32
    %max3A_152 = vector.broadcast %jit3A_150 : i32 to vector<16xi32>
    %max3A_153 = arith.maxsi %max3A_152, %add3A_134 : vector<16xi32>
    %min3A_154 = vector.broadcast %jit3A_151 : i32 to vector<16xi32>
    %min3A_155 = arith.minsi %min3A_154, %max3A_153 : vector<16xi32>
    %and3A_156 = arith.constant -8 : i32
    %and3A_157 = vector.broadcast %and3A_156 : i32 to vector<16xi32>
    %and3A_158 = arith.andi %min3A_155, %and3A_157 : vector<16xi32>
    %and3A_159 = arith.constant 7 : i32
    %and3A_160 = vector.broadcast %and3A_159 : i32 to vector<16xi32>
    %and3A_161 = arith.andi %min3A_155, %and3A_160 : vector<16xi32>
    %slice3A = vector.extract_strided_slice %and3A_79 {offsets = [0], sizes = [1], strides = [1]} : vector<16xi32> to vector<1xi32>
    %squeeze3A = vector.extract %slice3A[0] : i32 from vector<1xi32>
    %multiple_of3A_162 = tpu.assume_multiple %squeeze3A, 8 : i32
    %dma_start3A_163 = arith.constant 0 : i32
    %dma_start3A_164 = arith.constant 0 : i32
    %dma_start3A_165 = arith.constant 0 : i32
    %dma_start3A_166 = tpu.memref_slice %arg5[%dma_start3A_163, %dma_start3A_164, %dma_start3A_165] : memref<32x8x128xf32, #tpu.memory_space<vmem>> -> memref<1x8x128xf32, #tpu.memory_space<vmem>>
    %dma_start3A_167 = tpu.memref_squeeze %dma_start3A_166 : memref<1x8x128xf32, #tpu.memory_space<vmem>> -> memref<8x128xf32, #tpu.memory_space<vmem>>
    %dma_start3A_168 = tpu.memref_slice %arg2[%multiple_of3A_162, %multiple_of3A] : memref<49158x1024xf32, #tpu.memory_space<hbm>> -> memref<8x128xf32, #tpu.memory_space<hbm>>
    %dma_start3A_169 = arith.constant 0 : i32
    %dma_start3A_170 = arith.constant 0 : i32
    %dma_start3A_171 = tpu.memref_slice %arg5[%dma_start3A_163, %dma_start3A_169, %dma_start3A_170] : memref<32x8x128xf32, #tpu.memory_space<vmem>> -> memref<1x8x128xf32, #tpu.memory_space<vmem>>
    %dma_start3A_172 = tpu.memref_squeeze %dma_start3A_171 : memref<1x8x128xf32, #tpu.memory_space<vmem>> -> memref<8x128xf32, #tpu.memory_space<vmem>>
    %dma_start3A_173 = tpu.memref_slice %arg2[%multiple_of3A_162, %multiple_of3A] : memref<49158x1024xf32, #tpu.memory_space<hbm>> -> memref<8x128xf32, #tpu.memory_space<hbm>>
    tpu.enqueue_dma source(%dma_start3A_173 : memref<8x128xf32, #tpu.memory_space<hbm>>) target(%dma_start3A_172 : memref<8x128xf32, #tpu.memory_space<vmem>>) target_semaphore(%arg7 : memref<!tpu.dma_semaphore, #tpu.memory_space<semaphore_mem>>)
    %slice3A_174 = vector.extract_strided_slice %and3A_79 {offsets = [1], sizes = [1], strides = [1]} : vector<16xi32> to vector<1xi32>
    %squeeze3A_175 = vector.extract %slice3A_174[0] : i32 from vector<1xi32>
    %multiple_of3A_176 = tpu.assume_multiple %squeeze3A_175, 8 : i32
    %dma_start3A_177 = arith.constant 1 : i32
    %dma_start3A_178 = arith.constant 0 : i32
    %dma_start3A_179 = arith.constant 0 : i32
    %dma_start3A_180 = tpu.memref_slice %arg5[%dma_start3A_177, %dma_start3A_178, %dma_start3A_179] : memref<32x8x128xf32, #tpu.memory_space<vmem>> -> memref<1x8x128xf32, #tpu.memory_space<vmem>>
    %dma_start3A_181 = tpu.memref_squeeze %dma_start3A_180 : memref<1x8x128xf32, #tpu.memory_space<vmem>> -> memref<8x128xf32, #tpu.memory_space<vmem>>
    %dma_start3A_182 = tpu.memref_slice %arg2[%multiple_of3A_176, %multiple_of3A] : memref<49158x1024xf32, #tpu.memory_space<hbm>> -> memref<8x128xf32, #tpu.memory_space<hbm>>
    %dma_start3A_183 = arith.constant 0 : i32
    %dma_start3A_184 = arith.constant 0 : i32
    %dma_start3A_185 = tpu.memref_slice %arg5[%dma_start3A_177, %dma_start3A_183, %dma_start3A_184] : memref<32x8x128xf32, #tpu.memory_space<vmem>> -> memref<1x8x128xf32, #tpu.memory_space<vmem>>
    %dma_start3A_186 = tpu.memref_squeeze %dma_start3A_185 : memref<1x8x128xf32, #tpu.memory_space<vmem>> -> memref<8x128xf32, #tpu.memory_space<vmem>>
    %dma_start3A_187 = tpu.memref_slice %arg2[%multiple_of3A_176, %multiple_of3A] : memref<49158x1024xf32, #tpu.memory_space<hbm>> -> memref<8x128xf32, #tpu.memory_space<hbm>>
    tpu.enqueue_dma source(%dma_start3A_187 : memref<8x128xf32, #tpu.memory_space<hbm>>) target(%dma_start3A_186 : memref<8x128xf32, #tpu.memory_space<vmem>>) target_semaphore(%arg7 : memref<!tpu.dma_semaphore, #tpu.memory_space<semaphore_mem>>)
    %slice3A_188 = vector.extract_strided_slice %and3A_79 {offsets = [2], sizes = [1], strides = [1]} : vector<16xi32> to vector<1xi32>
    %squeeze3A_189 = vector.extract %slice3A_188[0] : i32 from vector<1xi32>
    %multiple_of3A_190 = tpu.assume_multiple %squeeze3A_189, 8 : i32
    %dma_start3A_191 = arith.constant 2 : i32
    %dma_start3A_192 = arith.constant 0 : i32
    %dma_start3A_193 = arith.constant 0 : i32
    %dma_start3A_194 = tpu.memref_slice %arg5[%dma_start3A_191, %dma_start3A_192, %dma_start3A_193] : memref<32x8x128xf32, #tpu.memory_space<vmem>> -> memref<1x8x128xf32, #tpu.memory_space<vmem>>
    %dma_start3A_195 = tpu.memref_squeeze %dma_start3A_194 : memref<1x8x128xf32, #tpu.memory_space<vmem>> -> memref<8x128xf32, #tpu.memory_space<vmem>>
    %dma_start3A_196 = tpu.memref_slice %arg2[%multiple_of3A_190, %multiple_of3A] : memref<49158x1024xf32, #tpu.memory_space<hbm>> -> memref<8x128xf32, #tpu.memory_space<hbm>>
    %dma_start3A_197 = arith.constant 0 : i32
    %dma_start3A_198 = arith.constant 0 : i32
    %dma_start3A_199 = tpu.memref_slice %arg5[%dma_start3A_191, %dma_start3A_197, %dma_start3A_198] : memref<32x8x128xf32, #tpu.memory_space<vmem>> -> memref<1x8x128xf32, #tpu.memory_space<vmem>>
    %dma_start3A_200 = tpu.memref_squeeze %dma_start3A_199 : memref<1x8x128xf32, #tpu.memory_space<vmem>> -> memref<8x128xf32, #tpu.memory_space<vmem>>
    %dma_start3A_201 = tpu.memref_slice %arg2[%multiple_of3A_190, %multiple_of3A] : memref<49158x1024xf32, #tpu.memory_space<hbm>> -> memref<8x128xf32, #tpu.memory_space<hbm>>
    tpu.enqueue_dma source(%dma_start3A_201 : memref<8x128xf32, #tpu.memory_space<hbm>>) target(%dma_start3A_200 : memref<8x128xf32, #tpu.memory_space<vmem>>) target_semaphore(%arg7 : memref<!tpu.dma_semaphore, #tpu.memory_space<semaphore_mem>>)
    %slice3A_202 = vector.extract_strided_slice %and3A_79 {offsets = [3], sizes = [1], strides = [1]} : vector<16xi32> to vector<1xi32>
    %squeeze3A_203 = vector.extract %slice3A_202[0] : i32 from vector<1xi32>
    %multiple_of3A_204 = tpu.assume_multiple %squeeze3A_203, 8 : i32
    %dma_start3A_205 = arith.constant 3 : i32
    %dma_start3A_206 = arith.constant 0 : i32
    %dma_start3A_207 = arith.constant 0 : i32
    %dma_start3A_208 = tpu.memref_slice %arg5[%dma_start3A_205, %dma_start3A_206, %dma_start3A_207] : memref<32x8x128xf32, #tpu.memory_space<vmem>> -> memref<1x8x128xf32, #tpu.memory_space<vmem>>
    %dma_start3A_209 = tpu.memref_squeeze %dma_start3A_208 : memref<1x8x128xf32, #tpu.memory_space<vmem>> -> memref<8x128xf32, #tpu.memory_space<vmem>>
    %dma_start3A_210 = tpu.memref_slice %arg2[%multiple_of3A_204, %multiple_of3A] : memref<49158x1024xf32, #tpu.memory_space<hbm>> -> memref<8x128xf32, #tpu.memory_space<hbm>>
    %dma_start3A_211 = arith.constant 0 : i32
    %dma_start3A_212 = arith.constant 0 : i32
    %dma_start3A_213 = tpu.memref_slice %arg5[%dma_start3A_205, %dma_start3A_211, %dma_start3A_212] : memref<32x8x128xf32, #tpu.memory_space<vmem>> -> memref<1x8x128xf32, #tpu.memory_space<vmem>>
    %dma_start3A_214 = tpu.memref_squeeze %dma_start3A_213 : memref<1x8x128xf32, #tpu.memory_space<vmem>> -> memref<8x128xf32, #tpu.memory_space<vmem>>
    %dma_start3A_215 = tpu.memref_slice %arg2[%multiple_of3A_204, %multiple_of3A] : memref<49158x1024xf32, #tpu.memory_space<hbm>> -> memref<8x128xf32, #tpu.memory_space<hbm>>
    tpu.enqueue_dma source(%dma_start3A_215 : memref<8x128xf32, #tpu.memory_space<hbm>>) target(%dma_start3A_214 : memref<8x128xf32, #tpu.memory_space<vmem>>) target_semaphore(%arg7 : memref<!tpu.dma_semaphore, #tpu.memory_space<semaphore_mem>>)
    %slice3A_216 = vector.extract_strided_slice %and3A_79 {offsets = [4], sizes = [1], strides = [1]} : vector<16xi32> to vector<1xi32>
    %squeeze3A_217 = vector.extract %slice3A_216[0] : i32 from vector<1xi32>
    %multiple_of3A_218 = tpu.assume_multiple %squeeze3A_217, 8 : i32
    %dma_start3A_219 = arith.constant 4 : i32
    %dma_start3A_220 = arith.constant 0 : i32
    %dma_start3A_221 = arith.constant 0 : i32
    %dma_start3A_222 = tpu.memref_slice %arg5[%dma_start3A_219, %dma_start3A_220, %dma_start3A_221] : memref<32x8x128xf32, #tpu.memory_space<vmem>> -> memref<1x8x128xf32, #tpu.memory_space<vmem>>
    %dma_start3A_223 = tpu.memref_squeeze %dma_start3A_222 : memref<1x8x128xf32, #tpu.memory_space<vmem>> -> memref<8x128xf32, #tpu.memory_space<vmem>>
    %dma_start3A_224 = tpu.memref_slice %arg2[%multiple_of3A_218, %multiple_of3A] : memref<49158x1024xf32, #tpu.memory_space<hbm>> -> memref<8x128xf32, #tpu.memory_space<hbm>>
    %dma_start3A_225 = arith.constant 0 : i32
    %dma_start3A_226 = arith.constant 0 : i32
    %dma_start3A_227 = tpu.memref_slice %arg5[%dma_start3A_219, %dma_start3A_225, %dma_start3A_226] : memref<32x8x128xf32, #tpu.memory_space<vmem>> -> memref<1x8x128xf32, #tpu.memory_space<vmem>>
    %dma_start3A_228 = tpu.memref_squeeze %dma_start3A_227 : memref<1x8x128xf32, #tpu.memory_space<vmem>> -> memref<8x128xf32, #tpu.memory_space<vmem>>
    %dma_start3A_229 = tpu.memref_slice %arg2[%multiple_of3A_218, %multiple_of3A] : memref<49158x1024xf32, #tpu.memory_space<hbm>> -> memref<8x128xf32, #tpu.memory_space<hbm>>
    tpu.enqueue_dma source(%dma_start3A_229 : memref<8x128xf32, #tpu.memory_space<hbm>>) target(%dma_start3A_228 : memref<8x128xf32, #tpu.memory_space<vmem>>) target_semaphore(%arg7 : memref<!tpu.dma_semaphore, #tpu.memory_space<semaphore_mem>>)
    %slice3A_230 = vector.extract_strided_slice %and3A_79 {offsets = [5], sizes = [1], strides = [1]} : vector<16xi32> to vector<1xi32>
    %squeeze3A_231 = vector.extract %slice3A_230[0] : i32 from vector<1xi32>
    %multiple_of3A_232 = tpu.assume_multiple %squeeze3A_231, 8 : i32
    %dma_start3A_233 = arith.constant 5 : i32
    %dma_start3A_234 = arith.constant 0 : i32
    %dma_start3A_235 = arith.constant 0 : i32
    %dma_start3A_236 = tpu.memref_slice %arg5[%dma_start3A_233, %dma_start3A_234, %dma_start3A_235] : memref<32x8x128xf32, #tpu.memory_space<vmem>> -> memref<1x8x128xf32, #tpu.memory_space<vmem>>
    %dma_start3A_237 = tpu.memref_squeeze %dma_start3A_236 : memref<1x8x128xf32, #tpu.memory_space<vmem>> -> memref<8x128xf32, #tpu.memory_space<vmem>>
    %dma_start3A_238 = tpu.memref_slice %arg2[%multiple_of3A_232, %multiple_of3A] : memref<49158x1024xf32, #tpu.memory_space<hbm>> -> memref<8x128xf32, #tpu.memory_space<hbm>>
    %dma_start3A_239 = arith.constant 0 : i32
    %dma_start3A_240 = arith.constant 0 : i32
    %dma_start3A_241 = tpu.memref_slice %arg5[%dma_start3A_233, %dma_start3A_239, %dma_start3A_240] : memref<32x8x128xf32, #tpu.memory_space<vmem>> -> memref<1x8x128xf32, #tpu.memory_space<vmem>>
    %dma_start3A_242 = tpu.memref_squeeze %dma_start3A_241 : memref<1x8x128xf32, #tpu.memory_space<vmem>> -> memref<8x128xf32, #tpu.memory_space<vmem>>
    %dma_start3A_243 = tpu.memref_slice %arg2[%multiple_of3A_232, %multiple_of3A] : memref<49158x1024xf32, #tpu.memory_space<hbm>> -> memref<8x128xf32, #tpu.memory_space<hbm>>
    tpu.enqueue_dma source(%dma_start3A_243 : memref<8x128xf32, #tpu.memory_space<hbm>>) target(%dma_start3A_242 : memref<8x128xf32, #tpu.memory_space<vmem>>) target_semaphore(%arg7 : memref<!tpu.dma_semaphore, #tpu.memory_space<semaphore_mem>>)
    %slice3A_244 = vector.extract_strided_slice %and3A_79 {offsets = [6], sizes = [1], strides = [1]} : vector<16xi32> to vector<1xi32>
    %squeeze3A_245 = vector.extract %slice3A_244[0] : i32 from vector<1xi32>
    %multiple_of3A_246 = tpu.assume_multiple %squeeze3A_245, 8 : i32
    %dma_start3A_247 = arith.constant 6 : i32
    %dma_start3A_248 = arith.constant 0 : i32
    %dma_start3A_249 = arith.constant 0 : i32
    %dma_start3A_250 = tpu.memref_slice %arg5[%dma_start3A_247, %dma_start3A_248, %dma_start3A_249] : memref<32x8x128xf32, #tpu.memory_space<vmem>> -> memref<1x8x128xf32, #tpu.memory_space<vmem>>
    %dma_start3A_251 = tpu.memref_squeeze %dma_start3A_250 : memref<1x8x128xf32, #tpu.memory_space<vmem>> -> memref<8x128xf32, #tpu.memory_space<vmem>>
    %dma_start3A_252 = tpu.memref_slice %arg2[%multiple_of3A_246, %multiple_of3A] : memref<49158x1024xf32, #tpu.memory_space<hbm>> -> memref<8x128xf32, #tpu.memory_space<hbm>>
    %dma_start3A_253 = arith.constant 0 : i32
    %dma_start3A_254 = arith.constant 0 : i32
    %dma_start3A_255 = tpu.memref_slice %arg5[%dma_start3A_247, %dma_start3A_253, %dma_start3A_254] : memref<32x8x128xf32, #tpu.memory_space<vmem>> -> memref<1x8x128xf32, #tpu.memory_space<vmem>>
    %dma_start3A_256 = tpu.memref_squeeze %dma_start3A_255 : memref<1x8x128xf32, #tpu.memory_space<vmem>> -> memref<8x128xf32, #tpu.memory_space<vmem>>
    %dma_start3A_257 = tpu.memref_slice %arg2[%multiple_of3A_246, %multiple_of3A] : memref<49158x1024xf32, #tpu.memory_space<hbm>> -> memref<8x128xf32, #tpu.memory_space<hbm>>
    tpu.enqueue_dma source(%dma_start3A_257 : memref<8x128xf32, #tpu.memory_space<hbm>>) target(%dma_start3A_256 : memref<8x128xf32, #tpu.memory_space<vmem>>) target_semaphore(%arg7 : memref<!tpu.dma_semaphore, #tpu.memory_space<semaphore_mem>>)
    %slice3A_258 = vector.extract_strided_slice %and3A_79 {offsets = [7], sizes = [1], strides = [1]} : vector<16xi32> to vector<1xi32>
    %squeeze3A_259 = vector.extract %slice3A_258[0] : i32 from vector<1xi32>
    %multiple_of3A_260 = tpu.assume_multiple %squeeze3A_259, 8 : i32
    %dma_start3A_261 = arith.constant 7 : i32
    %dma_start3A_262 = arith.constant 0 : i32
    %dma_start3A_263 = arith.constant 0 : i32
    %dma_start3A_264 = tpu.memref_slice %arg5[%dma_start3A_261, %dma_start3A_262, %dma_start3A_263] : memref<32x8x128xf32, #tpu.memory_space<vmem>> -> memref<1x8x128xf32, #tpu.memory_space<vmem>>
    %dma_start3A_265 = tpu.memref_squeeze %dma_start3A_264 : memref<1x8x128xf32, #tpu.memory_space<vmem>> -> memref<8x128xf32, #tpu.memory_space<vmem>>
    %dma_start3A_266 = tpu.memref_slice %arg2[%multiple_of3A_260, %multiple_of3A] : memref<49158x1024xf32, #tpu.memory_space<hbm>> -> memref<8x128xf32, #tpu.memory_space<hbm>>
    %dma_start3A_267 = arith.constant 0 : i32
    %dma_start3A_268 = arith.constant 0 : i32
    %dma_start3A_269 = tpu.memref_slice %arg5[%dma_start3A_261, %dma_start3A_267, %dma_start3A_268] : memref<32x8x128xf32, #tpu.memory_space<vmem>> -> memref<1x8x128xf32, #tpu.memory_space<vmem>>
    %dma_start3A_270 = tpu.memref_squeeze %dma_start3A_269 : memref<1x8x128xf32, #tpu.memory_space<vmem>> -> memref<8x128xf32, #tpu.memory_space<vmem>>
    %dma_start3A_271 = tpu.memref_slice %arg2[%multiple_of3A_260, %multiple_of3A] : memref<49158x1024xf32, #tpu.memory_space<hbm>> -> memref<8x128xf32, #tpu.memory_space<hbm>>
    tpu.enqueue_dma source(%dma_start3A_271 : memref<8x128xf32, #tpu.memory_space<hbm>>) target(%dma_start3A_270 : memref<8x128xf32, #tpu.memory_space<vmem>>) target_semaphore(%arg7 : memref<!tpu.dma_semaphore, #tpu.memory_space<semaphore_mem>>)
    %slice3A_272 = vector.extract_strided_slice %and3A_79 {offsets = [8], sizes = [1], strides = [1]} : vector<16xi32> to vector<1xi32>
    %squeeze3A_273 = vector.extract %slice3A_272[0] : i32 from vector<1xi32>
    %multiple_of3A_274 = tpu.assume_multiple %squeeze3A_273, 8 : i32
    %dma_start3A_275 = arith.constant 8 : i32
    %dma_start3A_276 = arith.constant 0 : i32
    %dma_start3A_277 = arith.constant 0 : i32
    %dma_start3A_278 = tpu.memref_slice %arg5[%dma_start3A_275, %dma_start3A_276, %dma_start3A_277] : memref<32x8x128xf32, #tpu.memory_space<vmem>> -> memref<1x8x128xf32, #tpu.memory_space<vmem>>
    %dma_start3A_279 = tpu.memref_squeeze %dma_start3A_278 : memref<1x8x128xf32, #tpu.memory_space<vmem>> -> memref<8x128xf32, #tpu.memory_space<vmem>>
    %dma_start3A_280 = tpu.memref_slice %arg2[%multiple_of3A_274, %multiple_of3A] : memref<49158x1024xf32, #tpu.memory_space<hbm>> -> memref<8x128xf32, #tpu.memory_space<hbm>>
    %dma_start3A_281 = arith.constant 0 : i32
    %dma_start3A_282 = arith.constant 0 : i32
    %dma_start3A_283 = tpu.memref_slice %arg5[%dma_start3A_275, %dma_start3A_281, %dma_start3A_282] : memref<32x8x128xf32, #tpu.memory_space<vmem>> -> memref<1x8x128xf32, #tpu.memory_space<vmem>>
    %dma_start3A_284 = tpu.memref_squeeze %dma_start3A_283 : memref<1x8x128xf32, #tpu.memory_space<vmem>> -> memref<8x128xf32, #tpu.memory_space<vmem>>
    %dma_start3A_285 = tpu.memref_slice %arg2[%multiple_of3A_274, %multiple_of3A] : memref<49158x1024xf32, #tpu.memory_space<hbm>> -> memref<8x128xf32, #tpu.memory_space<hbm>>
    tpu.enqueue_dma source(%dma_start3A_285 : memref<8x128xf32, #tpu.memory_space<hbm>>) target(%dma_start3A_284 : memref<8x128xf32, #tpu.memory_space<vmem>>) target_semaphore(%arg7 : memref<!tpu.dma_semaphore, #tpu.memory_space<semaphore_mem>>)
    %slice3A_286 = vector.extract_strided_slice %and3A_79 {offsets = [9], sizes = [1], strides = [1]} : vector<16xi32> to vector<1xi32>
    %squeeze3A_287 = vector.extract %slice3A_286[0] : i32 from vector<1xi32>
    %multiple_of3A_288 = tpu.assume_multiple %squeeze3A_287, 8 : i32
    %dma_start3A_289 = arith.constant 9 : i32
    %dma_start3A_290 = arith.constant 0 : i32
    %dma_start3A_291 = arith.constant 0 : i32
    %dma_start3A_292 = tpu.memref_slice %arg5[%dma_start3A_289, %dma_start3A_290, %dma_start3A_291] : memref<32x8x128xf32, #tpu.memory_space<vmem>> -> memref<1x8x128xf32, #tpu.memory_space<vmem>>
    %dma_start3A_293 = tpu.memref_squeeze %dma_start3A_292 : memref<1x8x128xf32, #tpu.memory_space<vmem>> -> memref<8x128xf32, #tpu.memory_space<vmem>>
    %dma_start3A_294 = tpu.memref_slice %arg2[%multiple_of3A_288, %multiple_of3A] : memref<49158x1024xf32, #tpu.memory_space<hbm>> -> memref<8x128xf32, #tpu.memory_space<hbm>>
    %dma_start3A_295 = arith.constant 0 : i32
    %dma_start3A_296 = arith.constant 0 : i32
    %dma_start3A_297 = tpu.memref_slice %arg5[%dma_start3A_289, %dma_start3A_295, %dma_start3A_296] : memref<32x8x128xf32, #tpu.memory_space<vmem>> -> memref<1x8x128xf32, #tpu.memory_space<vmem>>
    %dma_start3A_298 = tpu.memref_squeeze %dma_start3A_297 : memref<1x8x128xf32, #tpu.memory_space<vmem>> -> memref<8x128xf32, #tpu.memory_space<vmem>>
    %dma_start3A_299 = tpu.memref_slice %arg2[%multiple_of3A_288, %multiple_of3A] : memref<49158x1024xf32, #tpu.memory_space<hbm>> -> memref<8x128xf32, #tpu.memory_space<hbm>>
    tpu.enqueue_dma source(%dma_start3A_299 : memref<8x128xf32, #tpu.memory_space<hbm>>) target(%dma_start3A_298 : memref<8x128xf32, #tpu.memory_space<vmem>>) target_semaphore(%arg7 : memref<!tpu.dma_semaphore, #tpu.memory_space<semaphore_mem>>)
    %slice3A_300 = vector.extract_strided_slice %and3A_79 {offsets = [10], sizes = [1], strides = [1]} : vector<16xi32> to vector<1xi32>
    %squeeze3A_301 = vector.extract %slice3A_300[0] : i32 from vector<1xi32>
    %multiple_of3A_302 = tpu.assume_multiple %squeeze3A_301, 8 : i32
    %dma_start3A_303 = arith.constant 10 : i32
    %dma_start3A_304 = arith.constant 0 : i32
    %dma_start3A_305 = arith.constant 0 : i32
    %dma_start3A_306 = tpu.memref_slice %arg5[%dma_start3A_303, %dma_start3A_304, %dma_start3A_305] : memref<32x8x128xf32, #tpu.memory_space<vmem>> -> memref<1x8x128xf32, #tpu.memory_space<vmem>>
    %dma_start3A_307 = tpu.memref_squeeze %dma_start3A_306 : memref<1x8x128xf32, #tpu.memory_space<vmem>> -> memref<8x128xf32, #tpu.memory_space<vmem>>
    %dma_start3A_308 = tpu.memref_slice %arg2[%multiple_of3A_302, %multiple_of3A] : memref<49158x1024xf32, #tpu.memory_space<hbm>> -> memref<8x128xf32, #tpu.memory_space<hbm>>
    %dma_start3A_309 = arith.constant 0 : i32
    %dma_start3A_310 = arith.constant 0 : i32
    %dma_start3A_311 = tpu.memref_slice %arg5[%dma_start3A_303, %dma_start3A_309, %dma_start3A_310] : memref<32x8x128xf32, #tpu.memory_space<vmem>> -> memref<1x8x128xf32, #tpu.memory_space<vmem>>
    %dma_start3A_312 = tpu.memref_squeeze %dma_start3A_311 : memref<1x8x128xf32, #tpu.memory_space<vmem>> -> memref<8x128xf32, #tpu.memory_space<vmem>>
    %dma_start3A_313 = tpu.memref_slice %arg2[%multiple_of3A_302, %multiple_of3A] : memref<49158x1024xf32, #tpu.memory_space<hbm>> -> memref<8x128xf32, #tpu.memory_space<hbm>>
    tpu.enqueue_dma source(%dma_start3A_313 : memref<8x128xf32, #tpu.memory_space<hbm>>) target(%dma_start3A_312 : memref<8x128xf32, #tpu.memory_space<vmem>>) target_semaphore(%arg7 : memref<!tpu.dma_semaphore, #tpu.memory_space<semaphore_mem>>)
    %slice3A_314 = vector.extract_strided_slice %and3A_79 {offsets = [11], sizes = [1], strides = [1]} : vector<16xi32> to vector<1xi32>
    %squeeze3A_315 = vector.extract %slice3A_314[0] : i32 from vector<1xi32>
    %multiple_of3A_316 = tpu.assume_multiple %squeeze3A_315, 8 : i32
    %dma_start3A_317 = arith.constant 11 : i32
    %dma_start3A_318 = arith.constant 0 : i32
    %dma_start3A_319 = arith.constant 0 : i32
    %dma_start3A_320 = tpu.memref_slice %arg5[%dma_start3A_317, %dma_start3A_318, %dma_start3A_319] : memref<32x8x128xf32, #tpu.memory_space<vmem>> -> memref<1x8x128xf32, #tpu.memory_space<vmem>>
    %dma_start3A_321 = tpu.memref_squeeze %dma_start3A_320 : memref<1x8x128xf32, #tpu.memory_space<vmem>> -> memref<8x128xf32, #tpu.memory_space<vmem>>
    %dma_start3A_322 = tpu.memref_slice %arg2[%multiple_of3A_316, %multiple_of3A] : memref<49158x1024xf32, #tpu.memory_space<hbm>> -> memref<8x128xf32, #tpu.memory_space<hbm>>
    %dma_start3A_323 = arith.constant 0 : i32
    %dma_start3A_324 = arith.constant 0 : i32
    %dma_start3A_325 = tpu.memref_slice %arg5[%dma_start3A_317, %dma_start3A_323, %dma_start3A_324] : memref<32x8x128xf32, #tpu.memory_space<vmem>> -> memref<1x8x128xf32, #tpu.memory_space<vmem>>
    %dma_start3A_326 = tpu.memref_squeeze %dma_start3A_325 : memref<1x8x128xf32, #tpu.memory_space<vmem>> -> memref<8x128xf32, #tpu.memory_space<vmem>>
    %dma_start3A_327 = tpu.memref_slice %arg2[%multiple_of3A_316, %multiple_of3A] : memref<49158x1024xf32, #tpu.memory_space<hbm>> -> memref<8x128xf32, #tpu.memory_space<hbm>>
    tpu.enqueue_dma source(%dma_start3A_327 : memref<8x128xf32, #tpu.memory_space<hbm>>) target(%dma_start3A_326 : memref<8x128xf32, #tpu.memory_space<vmem>>) target_semaphore(%arg7 : memref<!tpu.dma_semaphore, #tpu.memory_space<semaphore_mem>>)
    %slice3A_328 = vector.extract_strided_slice %and3A_79 {offsets = [12], sizes = [1], strides = [1]} : vector<16xi32> to vector<1xi32>
    %squeeze3A_329 = vector.extract %slice3A_328[0] : i32 from vector<1xi32>
    %multiple_of3A_330 = tpu.assume_multiple %squeeze3A_329, 8 : i32
    %dma_start3A_331 = arith.constant 12 : i32
    %dma_start3A_332 = arith.constant 0 : i32
    %dma_start3A_333 = arith.constant 0 : i32
    %dma_start3A_334 = tpu.memref_slice %arg5[%dma_start3A_331, %dma_start3A_332, %dma_start3A_333] : memref<32x8x128xf32, #tpu.memory_space<vmem>> -> memref<1x8x128xf32, #tpu.memory_space<vmem>>
    %dma_start3A_335 = tpu.memref_squeeze %dma_start3A_334 : memref<1x8x128xf32, #tpu.memory_space<vmem>> -> memref<8x128xf32, #tpu.memory_space<vmem>>
    %dma_start3A_336 = tpu.memref_slice %arg2[%multiple_of3A_330, %multiple_of3A] : memref<49158x1024xf32, #tpu.memory_space<hbm>> -> memref<8x128xf32, #tpu.memory_space<hbm>>
    %dma_start3A_337 = arith.constant 0 : i32
    %dma_start3A_338 = arith.constant 0 : i32
    %dma_start3A_339 = tpu.memref_slice %arg5[%dma_start3A_331, %dma_start3A_337, %dma_start3A_338] : memref<32x8x128xf32, #tpu.memory_space<vmem>> -> memref<1x8x128xf32, #tpu.memory_space<vmem>>
    %dma_start3A_340 = tpu.memref_squeeze %dma_start3A_339 : memref<1x8x128xf32, #tpu.memory_space<vmem>> -> memref<8x128xf32, #tpu.memory_space<vmem>>
    %dma_start3A_341 = tpu.memref_slice %arg2[%multiple_of3A_330, %multiple_of3A] : memref<49158x1024xf32, #tpu.memory_space<hbm>> -> memref<8x128xf32, #tpu.memory_space<hbm>>
    tpu.enqueue_dma source(%dma_start3A_341 : memref<8x128xf32, #tpu.memory_space<hbm>>) target(%dma_start3A_340 : memref<8x128xf32, #tpu.memory_space<vmem>>) target_semaphore(%arg7 : memref<!tpu.dma_semaphore, #tpu.memory_space<semaphore_mem>>)
    %slice3A_342 = vector.extract_strided_slice %and3A_79 {offsets = [13], sizes = [1], strides = [1]} : vector<16xi32> to vector<1xi32>
    %squeeze3A_343 = vector.extract %slice3A_342[0] : i32 from vector<1xi32>
    %multiple_of3A_344 = tpu.assume_multiple %squeeze3A_343, 8 : i32
    %dma_start3A_345 = arith.constant 13 : i32
    %dma_start3A_346 = arith.constant 0 : i32
    %dma_start3A_347 = arith.constant 0 : i32
    %dma_start3A_348 = tpu.memref_slice %arg5[%dma_start3A_345, %dma_start3A_346, %dma_start3A_347] : memref<32x8x128xf32, #tpu.memory_space<vmem>> -> memref<1x8x128xf32, #tpu.memory_space<vmem>>
    %dma_start3A_349 = tpu.memref_squeeze %dma_start3A_348 : memref<1x8x128xf32, #tpu.memory_space<vmem>> -> memref<8x128xf32, #tpu.memory_space<vmem>>
    %dma_start3A_350 = tpu.memref_slice %arg2[%multiple_of3A_344, %multiple_of3A] : memref<49158x1024xf32, #tpu.memory_space<hbm>> -> memref<8x128xf32, #tpu.memory_space<hbm>>
    %dma_start3A_351 = arith.constant 0 : i32
    %dma_start3A_352 = arith.constant 0 : i32
    %dma_start3A_353 = tpu.memref_slice %arg5[%dma_start3A_345, %dma_start3A_351, %dma_start3A_352] : memref<32x8x128xf32, #tpu.memory_space<vmem>> -> memref<1x8x128xf32, #tpu.memory_space<vmem>>
    %dma_start3A_354 = tpu.memref_squeeze %dma_start3A_353 : memref<1x8x128xf32, #tpu.memory_space<vmem>> -> memref<8x128xf32, #tpu.memory_space<vmem>>
    %dma_start3A_355 = tpu.memref_slice %arg2[%multiple_of3A_344, %multiple_of3A] : memref<49158x1024xf32, #tpu.memory_space<hbm>> -> memref<8x128xf32, #tpu.memory_space<hbm>>
    tpu.enqueue_dma source(%dma_start3A_355 : memref<8x128xf32, #tpu.memory_space<hbm>>) target(%dma_start3A_354 : memref<8x128xf32, #tpu.memory_space<vmem>>) target_semaphore(%arg7 : memref<!tpu.dma_semaphore, #tpu.memory_space<semaphore_mem>>)
    %slice3A_356 = vector.extract_strided_slice %and3A_79 {offsets = [14], sizes = [1], strides = [1]} : vector<16xi32> to vector<1xi32>
    %squeeze3A_357 = vector.extract %slice3A_356[0] : i32 from vector<1xi32>
    %multiple_of3A_358 = tpu.assume_multiple %squeeze3A_357, 8 : i32
    %dma_start3A_359 = arith.constant 14 : i32
    %dma_start3A_360 = arith.constant 0 : i32
    %dma_start3A_361 = arith.constant 0 : i32
    %dma_start3A_362 = tpu.memref_slice %arg5[%dma_start3A_359, %dma_start3A_360, %dma_start3A_361] : memref<32x8x128xf32, #tpu.memory_space<vmem>> -> memref<1x8x128xf32, #tpu.memory_space<vmem>>
    %dma_start3A_363 = tpu.memref_squeeze %dma_start3A_362 : memref<1x8x128xf32, #tpu.memory_space<vmem>> -> memref<8x128xf32, #tpu.memory_space<vmem>>
    %dma_start3A_364 = tpu.memref_slice %arg2[%multiple_of3A_358, %multiple_of3A] : memref<49158x1024xf32, #tpu.memory_space<hbm>> -> memref<8x128xf32, #tpu.memory_space<hbm>>
    %dma_start3A_365 = arith.constant 0 : i32
    %dma_start3A_366 = arith.constant 0 : i32
    %dma_start3A_367 = tpu.memref_slice %arg5[%dma_start3A_359, %dma_start3A_365, %dma_start3A_366] : memref<32x8x128xf32, #tpu.memory_space<vmem>> -> memref<1x8x128xf32, #tpu.memory_space<vmem>>
    %dma_start3A_368 = tpu.memref_squeeze %dma_start3A_367 : memref<1x8x128xf32, #tpu.memory_space<vmem>> -> memref<8x128xf32, #tpu.memory_space<vmem>>
    %dma_start3A_369 = tpu.memref_slice %arg2[%multiple_of3A_358, %multiple_of3A] : memref<49158x1024xf32, #tpu.memory_space<hbm>> -> memref<8x128xf32, #tpu.memory_space<hbm>>
    tpu.enqueue_dma source(%dma_start3A_369 : memref<8x128xf32, #tpu.memory_space<hbm>>) target(%dma_start3A_368 : memref<8x128xf32, #tpu.memory_space<vmem>>) target_semaphore(%arg7 : memref<!tpu.dma_semaphore, #tpu.memory_space<semaphore_mem>>)
    %slice3A_370 = vector.extract_strided_slice %and3A_79 {offsets = [15], sizes = [1], strides = [1]} : vector<16xi32> to vector<1xi32>
    %squeeze3A_371 = vector.extract %slice3A_370[0] : i32 from vector<1xi32>
    %multiple_of3A_372 = tpu.assume_multiple %squeeze3A_371, 8 : i32
    %dma_start3A_373 = arith.constant 15 : i32
    %dma_start3A_374 = arith.constant 0 : i32
    %dma_start3A_375 = arith.constant 0 : i32
    %dma_start3A_376 = tpu.memref_slice %arg5[%dma_start3A_373, %dma_start3A_374, %dma_start3A_375] : memref<32x8x128xf32, #tpu.memory_space<vmem>> -> memref<1x8x128xf32, #tpu.memory_space<vmem>>
    %dma_start3A_377 = tpu.memref_squeeze %dma_start3A_376 : memref<1x8x128xf32, #tpu.memory_space<vmem>> -> memref<8x128xf32, #tpu.memory_space<vmem>>
    %dma_start3A_378 = tpu.memref_slice %arg2[%multiple_of3A_372, %multiple_of3A] : memref<49158x1024xf32, #tpu.memory_space<hbm>> -> memref<8x128xf32, #tpu.memory_space<hbm>>
    %dma_start3A_379 = arith.constant 0 : i32
    %dma_start3A_380 = arith.constant 0 : i32
    %dma_start3A_381 = tpu.memref_slice %arg5[%dma_start3A_373, %dma_start3A_379, %dma_start3A_380] : memref<32x8x128xf32, #tpu.memory_space<vmem>> -> memref<1x8x128xf32, #tpu.memory_space<vmem>>
    %dma_start3A_382 = tpu.memref_squeeze %dma_start3A_381 : memref<1x8x128xf32, #tpu.memory_space<vmem>> -> memref<8x128xf32, #tpu.memory_space<vmem>>
    %dma_start3A_383 = tpu.memref_slice %arg2[%multiple_of3A_372, %multiple_of3A] : memref<49158x1024xf32, #tpu.memory_space<hbm>> -> memref<8x128xf32, #tpu.memory_space<hbm>>
    tpu.enqueue_dma source(%dma_start3A_383 : memref<8x128xf32, #tpu.memory_space<hbm>>) target(%dma_start3A_382 : memref<8x128xf32, #tpu.memory_space<vmem>>) target_semaphore(%arg7 : memref<!tpu.dma_semaphore, #tpu.memory_space<semaphore_mem>>)
    %slice3A_384 = vector.extract_strided_slice %and3A_158 {offsets = [0], sizes = [1], strides = [1]} : vector<16xi32> to vector<1xi32>
    %squeeze3A_385 = vector.extract %slice3A_384[0] : i32 from vector<1xi32>
    %multiple_of3A_386 = tpu.assume_multiple %squeeze3A_385, 8 : i32
    %dma_start3A_387 = arith.constant 16 : i32
    %dma_start3A_388 = arith.constant 0 : i32
    %dma_start3A_389 = arith.constant 0 : i32
    %dma_start3A_390 = tpu.memref_slice %arg5[%dma_start3A_387, %dma_start3A_388, %dma_start3A_389] : memref<32x8x128xf32, #tpu.memory_space<vmem>> -> memref<1x8x128xf32, #tpu.memory_space<vmem>>
    %dma_start3A_391 = tpu.memref_squeeze %dma_start3A_390 : memref<1x8x128xf32, #tpu.memory_space<vmem>> -> memref<8x128xf32, #tpu.memory_space<vmem>>
    %dma_start3A_392 = tpu.memref_slice %arg2[%multiple_of3A_386, %multiple_of3A] : memref<49158x1024xf32, #tpu.memory_space<hbm>> -> memref<8x128xf32, #tpu.memory_space<hbm>>
    %dma_start3A_393 = arith.constant 0 : i32
    %dma_start3A_394 = arith.constant 0 : i32
    %dma_start3A_395 = tpu.memref_slice %arg5[%dma_start3A_387, %dma_start3A_393, %dma_start3A_394] : memref<32x8x128xf32, #tpu.memory_space<vmem>> -> memref<1x8x128xf32, #tpu.memory_space<vmem>>
    %dma_start3A_396 = tpu.memref_squeeze %dma_start3A_395 : memref<1x8x128xf32, #tpu.memory_space<vmem>> -> memref<8x128xf32, #tpu.memory_space<vmem>>
    %dma_start3A_397 = tpu.memref_slice %arg2[%multiple_of3A_386, %multiple_of3A] : memref<49158x1024xf32, #tpu.memory_space<hbm>> -> memref<8x128xf32, #tpu.memory_space<hbm>>
    tpu.enqueue_dma source(%dma_start3A_397 : memref<8x128xf32, #tpu.memory_space<hbm>>) target(%dma_start3A_396 : memref<8x128xf32, #tpu.memory_space<vmem>>) target_semaphore(%arg7 : memref<!tpu.dma_semaphore, #tpu.memory_space<semaphore_mem>>)
    %slice3A_398 = vector.extract_strided_slice %and3A_158 {offsets = [1], sizes = [1], strides = [1]} : vector<16xi32> to vector<1xi32>
    %squeeze3A_399 = vector.extract %slice3A_398[0] : i32 from vector<1xi32>
    %multiple_of3A_400 = tpu.assume_multiple %squeeze3A_399, 8 : i32
    %dma_start3A_401 = arith.constant 17 : i32
    %dma_start3A_402 = arith.constant 0 : i32
    %dma_start3A_403 = arith.constant 0 : i32
    %dma_start3A_404 = tpu.memref_slice %arg5[%dma_start3A_401, %dma_start3A_402, %dma_start3A_403] : memref<32x8x128xf32, #tpu.memory_space<vmem>> -> memref<1x8x128xf32, #tpu.memory_space<vmem>>
    %dma_start3A_405 = tpu.memref_squeeze %dma_start3A_404 : memref<1x8x128xf32, #tpu.memory_space<vmem>> -> memref<8x128xf32, #tpu.memory_space<vmem>>
    %dma_start3A_406 = tpu.memref_slice %arg2[%multiple_of3A_400, %multiple_of3A] : memref<49158x1024xf32, #tpu.memory_space<hbm>> -> memref<8x128xf32, #tpu.memory_space<hbm>>
    %dma_start3A_407 = arith.constant 0 : i32
    %dma_start3A_408 = arith.constant 0 : i32
    %dma_start3A_409 = tpu.memref_slice %arg5[%dma_start3A_401, %dma_start3A_407, %dma_start3A_408] : memref<32x8x128xf32, #tpu.memory_space<vmem>> -> memref<1x8x128xf32, #tpu.memory_space<vmem>>
    %dma_start3A_410 = tpu.memref_squeeze %dma_start3A_409 : memref<1x8x128xf32, #tpu.memory_space<vmem>> -> memref<8x128xf32, #tpu.memory_space<vmem>>
    %dma_start3A_411 = tpu.memref_slice %arg2[%multiple_of3A_400, %multiple_of3A] : memref<49158x1024xf32, #tpu.memory_space<hbm>> -> memref<8x128xf32, #tpu.memory_space<hbm>>
    tpu.enqueue_dma source(%dma_start3A_411 : memref<8x128xf32, #tpu.memory_space<hbm>>) target(%dma_start3A_410 : memref<8x128xf32, #tpu.memory_space<vmem>>) target_semaphore(%arg7 : memref<!tpu.dma_semaphore, #tpu.memory_space<semaphore_mem>>)
    %slice3A_412 = vector.extract_strided_slice %and3A_158 {offsets = [2], sizes = [1], strides = [1]} : vector<16xi32> to vector<1xi32>
    %squeeze3A_413 = vector.extract %slice3A_412[0] : i32 from vector<1xi32>
    %multiple_of3A_414 = tpu.assume_multiple %squeeze3A_413, 8 : i32
    %dma_start3A_415 = arith.constant 18 : i32
    %dma_start3A_416 = arith.constant 0 : i32
    %dma_start3A_417 = arith.constant 0 : i32
    %dma_start3A_418 = tpu.memref_slice %arg5[%dma_start3A_415, %dma_start3A_416, %dma_start3A_417] : memref<32x8x128xf32, #tpu.memory_space<vmem>> -> memref<1x8x128xf32, #tpu.memory_space<vmem>>
    %dma_start3A_419 = tpu.memref_squeeze %dma_start3A_418 : memref<1x8x128xf32, #tpu.memory_space<vmem>> -> memref<8x128xf32, #tpu.memory_space<vmem>>
    %dma_start3A_420 = tpu.memref_slice %arg2[%multiple_of3A_414, %multiple_of3A] : memref<49158x1024xf32, #tpu.memory_space<hbm>> -> memref<8x128xf32, #tpu.memory_space<hbm>>
    %dma_start3A_421 = arith.constant 0 : i32
    %dma_start3A_422 = arith.constant 0 : i32
    %dma_start3A_423 = tpu.memref_slice %arg5[%dma_start3A_415, %dma_start3A_421, %dma_start3A_422] : memref<32x8x128xf32, #tpu.memory_space<vmem>> -> memref<1x8x128xf32, #tpu.memory_space<vmem>>
    %dma_start3A_424 = tpu.memref_squeeze %dma_start3A_423 : memref<1x8x128xf32, #tpu.memory_space<vmem>> -> memref<8x128xf32, #tpu.memory_space<vmem>>
    %dma_start3A_425 = tpu.memref_slice %arg2[%multiple_of3A_414, %multiple_of3A] : memref<49158x1024xf32, #tpu.memory_space<hbm>> -> memref<8x128xf32, #tpu.memory_space<hbm>>
    tpu.enqueue_dma source(%dma_start3A_425 : memref<8x128xf32, #tpu.memory_space<hbm>>) target(%dma_start3A_424 : memref<8x128xf32, #tpu.memory_space<vmem>>) target_semaphore(%arg7 : memref<!tpu.dma_semaphore, #tpu.memory_space<semaphore_mem>>)
    %slice3A_426 = vector.extract_strided_slice %and3A_158 {offsets = [3], sizes = [1], strides = [1]} : vector<16xi32> to vector<1xi32>
    %squeeze3A_427 = vector.extract %slice3A_426[0] : i32 from vector<1xi32>
    %multiple_of3A_428 = tpu.assume_multiple %squeeze3A_427, 8 : i32
    %dma_start3A_429 = arith.constant 19 : i32
    %dma_start3A_430 = arith.constant 0 : i32
    %dma_start3A_431 = arith.constant 0 : i32
    %dma_start3A_432 = tpu.memref_slice %arg5[%dma_start3A_429, %dma_start3A_430, %dma_start3A_431] : memref<32x8x128xf32, #tpu.memory_space<vmem>> -> memref<1x8x128xf32, #tpu.memory_space<vmem>>
    %dma_start3A_433 = tpu.memref_squeeze %dma_start3A_432 : memref<1x8x128xf32, #tpu.memory_space<vmem>> -> memref<8x128xf32, #tpu.memory_space<vmem>>
    %dma_start3A_434 = tpu.memref_slice %arg2[%multiple_of3A_428, %multiple_of3A] : memref<49158x1024xf32, #tpu.memory_space<hbm>> -> memref<8x128xf32, #tpu.memory_space<hbm>>
    %dma_start3A_435 = arith.constant 0 : i32
    %dma_start3A_436 = arith.constant 0 : i32
    %dma_start3A_437 = tpu.memref_slice %arg5[%dma_start3A_429, %dma_start3A_435, %dma_start3A_436] : memref<32x8x128xf32, #tpu.memory_space<vmem>> -> memref<1x8x128xf32, #tpu.memory_space<vmem>>
    %dma_start3A_438 = tpu.memref_squeeze %dma_start3A_437 : memref<1x8x128xf32, #tpu.memory_space<vmem>> -> memref<8x128xf32, #tpu.memory_space<vmem>>
    %dma_start3A_439 = tpu.memref_slice %arg2[%multiple_of3A_428, %multiple_of3A] : memref<49158x1024xf32, #tpu.memory_space<hbm>> -> memref<8x128xf32, #tpu.memory_space<hbm>>
    tpu.enqueue_dma source(%dma_start3A_439 : memref<8x128xf32, #tpu.memory_space<hbm>>) target(%dma_start3A_438 : memref<8x128xf32, #tpu.memory_space<vmem>>) target_semaphore(%arg7 : memref<!tpu.dma_semaphore, #tpu.memory_space<semaphore_mem>>)
    %slice3A_440 = vector.extract_strided_slice %and3A_158 {offsets = [4], sizes = [1], strides = [1]} : vector<16xi32> to vector<1xi32>
    %squeeze3A_441 = vector.extract %slice3A_440[0] : i32 from vector<1xi32>
    %multiple_of3A_442 = tpu.assume_multiple %squeeze3A_441, 8 : i32
    %dma_start3A_443 = arith.constant 20 : i32
    %dma_start3A_444 = arith.constant 0 : i32
    %dma_start3A_445 = arith.constant 0 : i32
    %dma_start3A_446 = tpu.memref_slice %arg5[%dma_start3A_443, %dma_start3A_444, %dma_start3A_445] : memref<32x8x128xf32, #tpu.memory_space<vmem>> -> memref<1x8x128xf32, #tpu.memory_space<vmem>>
    %dma_start3A_447 = tpu.memref_squeeze %dma_start3A_446 : memref<1x8x128xf32, #tpu.memory_space<vmem>> -> memref<8x128xf32, #tpu.memory_space<vmem>>
    %dma_start3A_448 = tpu.memref_slice %arg2[%multiple_of3A_442, %multiple_of3A] : memref<49158x1024xf32, #tpu.memory_space<hbm>> -> memref<8x128xf32, #tpu.memory_space<hbm>>
    %dma_start3A_449 = arith.constant 0 : i32
    %dma_start3A_450 = arith.constant 0 : i32
    %dma_start3A_451 = tpu.memref_slice %arg5[%dma_start3A_443, %dma_start3A_449, %dma_start3A_450] : memref<32x8x128xf32, #tpu.memory_space<vmem>> -> memref<1x8x128xf32, #tpu.memory_space<vmem>>
    %dma_start3A_452 = tpu.memref_squeeze %dma_start3A_451 : memref<1x8x128xf32, #tpu.memory_space<vmem>> -> memref<8x128xf32, #tpu.memory_space<vmem>>
    %dma_start3A_453 = tpu.memref_slice %arg2[%multiple_of3A_442, %multiple_of3A] : memref<49158x1024xf32, #tpu.memory_space<hbm>> -> memref<8x128xf32, #tpu.memory_space<hbm>>
    tpu.enqueue_dma source(%dma_start3A_453 : memref<8x128xf32, #tpu.memory_space<hbm>>) target(%dma_start3A_452 : memref<8x128xf32, #tpu.memory_space<vmem>>) target_semaphore(%arg7 : memref<!tpu.dma_semaphore, #tpu.memory_space<semaphore_mem>>)
    %slice3A_454 = vector.extract_strided_slice %and3A_158 {offsets = [5], sizes = [1], strides = [1]} : vector<16xi32> to vector<1xi32>
    %squeeze3A_455 = vector.extract %slice3A_454[0] : i32 from vector<1xi32>
    %multiple_of3A_456 = tpu.assume_multiple %squeeze3A_455, 8 : i32
    %dma_start3A_457 = arith.constant 21 : i32
    %dma_start3A_458 = arith.constant 0 : i32
    %dma_start3A_459 = arith.constant 0 : i32
    %dma_start3A_460 = tpu.memref_slice %arg5[%dma_start3A_457, %dma_start3A_458, %dma_start3A_459] : memref<32x8x128xf32, #tpu.memory_space<vmem>> -> memref<1x8x128xf32, #tpu.memory_space<vmem>>
    %dma_start3A_461 = tpu.memref_squeeze %dma_start3A_460 : memref<1x8x128xf32, #tpu.memory_space<vmem>> -> memref<8x128xf32, #tpu.memory_space<vmem>>
    %dma_start3A_462 = tpu.memref_slice %arg2[%multiple_of3A_456, %multiple_of3A] : memref<49158x1024xf32, #tpu.memory_space<hbm>> -> memref<8x128xf32, #tpu.memory_space<hbm>>
    %dma_start3A_463 = arith.constant 0 : i32
    %dma_start3A_464 = arith.constant 0 : i32
    %dma_start3A_465 = tpu.memref_slice %arg5[%dma_start3A_457, %dma_start3A_463, %dma_start3A_464] : memref<32x8x128xf32, #tpu.memory_space<vmem>> -> memref<1x8x128xf32, #tpu.memory_space<vmem>>
    %dma_start3A_466 = tpu.memref_squeeze %dma_start3A_465 : memref<1x8x128xf32, #tpu.memory_space<vmem>> -> memref<8x128xf32, #tpu.memory_space<vmem>>
    %dma_start3A_467 = tpu.memref_slice %arg2[%multiple_of3A_456, %multiple_of3A] : memref<49158x1024xf32, #tpu.memory_space<hbm>> -> memref<8x128xf32, #tpu.memory_space<hbm>>
    tpu.enqueue_dma source(%dma_start3A_467 : memref<8x128xf32, #tpu.memory_space<hbm>>) target(%dma_start3A_466 : memref<8x128xf32, #tpu.memory_space<vmem>>) target_semaphore(%arg7 : memref<!tpu.dma_semaphore, #tpu.memory_space<semaphore_mem>>)
    %slice3A_468 = vector.extract_strided_slice %and3A_158 {offsets = [6], sizes = [1], strides = [1]} : vector<16xi32> to vector<1xi32>
    %squeeze3A_469 = vector.extract %slice3A_468[0] : i32 from vector<1xi32>
    %multiple_of3A_470 = tpu.assume_multiple %squeeze3A_469, 8 : i32
    %dma_start3A_471 = arith.constant 22 : i32
    %dma_start3A_472 = arith.constant 0 : i32
    %dma_start3A_473 = arith.constant 0 : i32
    %dma_start3A_474 = tpu.memref_slice %arg5[%dma_start3A_471, %dma_start3A_472, %dma_start3A_473] : memref<32x8x128xf32, #tpu.memory_space<vmem>> -> memref<1x8x128xf32, #tpu.memory_space<vmem>>
    %dma_start3A_475 = tpu.memref_squeeze %dma_start3A_474 : memref<1x8x128xf32, #tpu.memory_space<vmem>> -> memref<8x128xf32, #tpu.memory_space<vmem>>
    %dma_start3A_476 = tpu.memref_slice %arg2[%multiple_of3A_470, %multiple_of3A] : memref<49158x1024xf32, #tpu.memory_space<hbm>> -> memref<8x128xf32, #tpu.memory_space<hbm>>
    %dma_start3A_477 = arith.constant 0 : i32
    %dma_start3A_478 = arith.constant 0 : i32
    %dma_start3A_479 = tpu.memref_slice %arg5[%dma_start3A_471, %dma_start3A_477, %dma_start3A_478] : memref<32x8x128xf32, #tpu.memory_space<vmem>> -> memref<1x8x128xf32, #tpu.memory_space<vmem>>
    %dma_start3A_480 = tpu.memref_squeeze %dma_start3A_479 : memref<1x8x128xf32, #tpu.memory_space<vmem>> -> memref<8x128xf32, #tpu.memory_space<vmem>>
    %dma_start3A_481 = tpu.memref_slice %arg2[%multiple_of3A_470, %multiple_of3A] : memref<49158x1024xf32, #tpu.memory_space<hbm>> -> memref<8x128xf32, #tpu.memory_space<hbm>>
    tpu.enqueue_dma source(%dma_start3A_481 : memref<8x128xf32, #tpu.memory_space<hbm>>) target(%dma_start3A_480 : memref<8x128xf32, #tpu.memory_space<vmem>>) target_semaphore(%arg7 : memref<!tpu.dma_semaphore, #tpu.memory_space<semaphore_mem>>)
    %slice3A_482 = vector.extract_strided_slice %and3A_158 {offsets = [7], sizes = [1], strides = [1]} : vector<16xi32> to vector<1xi32>
    %squeeze3A_483 = vector.extract %slice3A_482[0] : i32 from vector<1xi32>
    %multiple_of3A_484 = tpu.assume_multiple %squeeze3A_483, 8 : i32
    %dma_start3A_485 = arith.constant 23 : i32
    %dma_start3A_486 = arith.constant 0 : i32
    %dma_start3A_487 = arith.constant 0 : i32
    %dma_start3A_488 = tpu.memref_slice %arg5[%dma_start3A_485, %dma_start3A_486, %dma_start3A_487] : memref<32x8x128xf32, #tpu.memory_space<vmem>> -> memref<1x8x128xf32, #tpu.memory_space<vmem>>
    %dma_start3A_489 = tpu.memref_squeeze %dma_start3A_488 : memref<1x8x128xf32, #tpu.memory_space<vmem>> -> memref<8x128xf32, #tpu.memory_space<vmem>>
    %dma_start3A_490 = tpu.memref_slice %arg2[%multiple_of3A_484, %multiple_of3A] : memref<49158x1024xf32, #tpu.memory_space<hbm>> -> memref<8x128xf32, #tpu.memory_space<hbm>>
    %dma_start3A_491 = arith.constant 0 : i32
    %dma_start3A_492 = arith.constant 0 : i32
    %dma_start3A_493 = tpu.memref_slice %arg5[%dma_start3A_485, %dma_start3A_491, %dma_start3A_492] : memref<32x8x128xf32, #tpu.memory_space<vmem>> -> memref<1x8x128xf32, #tpu.memory_space<vmem>>
    %dma_start3A_494 = tpu.memref_squeeze %dma_start3A_493 : memref<1x8x128xf32, #tpu.memory_space<vmem>> -> memref<8x128xf32, #tpu.memory_space<vmem>>
    %dma_start3A_495 = tpu.memref_slice %arg2[%multiple_of3A_484, %multiple_of3A] : memref<49158x1024xf32, #tpu.memory_space<hbm>> -> memref<8x128xf32, #tpu.memory_space<hbm>>
    tpu.enqueue_dma source(%dma_start3A_495 : memref<8x128xf32, #tpu.memory_space<hbm>>) target(%dma_start3A_494 : memref<8x128xf32, #tpu.memory_space<vmem>>) target_semaphore(%arg7 : memref<!tpu.dma_semaphore, #tpu.memory_space<semaphore_mem>>)
    %slice3A_496 = vector.extract_strided_slice %and3A_158 {offsets = [8], sizes = [1], strides = [1]} : vector<16xi32> to vector<1xi32>
    %squeeze3A_497 = vector.extract %slice3A_496[0] : i32 from vector<1xi32>
    %multiple_of3A_498 = tpu.assume_multiple %squeeze3A_497, 8 : i32
    %dma_start3A_499 = arith.constant 24 : i32
    %dma_start3A_500 = arith.constant 0 : i32
    %dma_start3A_501 = arith.constant 0 : i32
    %dma_start3A_502 = tpu.memref_slice %arg5[%dma_start3A_499, %dma_start3A_500, %dma_start3A_501] : memref<32x8x128xf32, #tpu.memory_space<vmem>> -> memref<1x8x128xf32, #tpu.memory_space<vmem>>
    %dma_start3A_503 = tpu.memref_squeeze %dma_start3A_502 : memref<1x8x128xf32, #tpu.memory_space<vmem>> -> memref<8x128xf32, #tpu.memory_space<vmem>>
    %dma_start3A_504 = tpu.memref_slice %arg2[%multiple_of3A_498, %multiple_of3A] : memref<49158x1024xf32, #tpu.memory_space<hbm>> -> memref<8x128xf32, #tpu.memory_space<hbm>>
    %dma_start3A_505 = arith.constant 0 : i32
    %dma_start3A_506 = arith.constant 0 : i32
    %dma_start3A_507 = tpu.memref_slice %arg5[%dma_start3A_499, %dma_start3A_505, %dma_start3A_506] : memref<32x8x128xf32, #tpu.memory_space<vmem>> -> memref<1x8x128xf32, #tpu.memory_space<vmem>>
    %dma_start3A_508 = tpu.memref_squeeze %dma_start3A_507 : memref<1x8x128xf32, #tpu.memory_space<vmem>> -> memref<8x128xf32, #tpu.memory_space<vmem>>
    %dma_start3A_509 = tpu.memref_slice %arg2[%multiple_of3A_498, %multiple_of3A] : memref<49158x1024xf32, #tpu.memory_space<hbm>> -> memref<8x128xf32, #tpu.memory_space<hbm>>
    tpu.enqueue_dma source(%dma_start3A_509 : memref<8x128xf32, #tpu.memory_space<hbm>>) target(%dma_start3A_508 : memref<8x128xf32, #tpu.memory_space<vmem>>) target_semaphore(%arg7 : memref<!tpu.dma_semaphore, #tpu.memory_space<semaphore_mem>>)
    %slice3A_510 = vector.extract_strided_slice %and3A_158 {offsets = [9], sizes = [1], strides = [1]} : vector<16xi32> to vector<1xi32>
    %squeeze3A_511 = vector.extract %slice3A_510[0] : i32 from vector<1xi32>
    %multiple_of3A_512 = tpu.assume_multiple %squeeze3A_511, 8 : i32
    %dma_start3A_513 = arith.constant 25 : i32
    %dma_start3A_514 = arith.constant 0 : i32
    %dma_start3A_515 = arith.constant 0 : i32
    %dma_start3A_516 = tpu.memref_slice %arg5[%dma_start3A_513, %dma_start3A_514, %dma_start3A_515] : memref<32x8x128xf32, #tpu.memory_space<vmem>> -> memref<1x8x128xf32, #tpu.memory_space<vmem>>
    %dma_start3A_517 = tpu.memref_squeeze %dma_start3A_516 : memref<1x8x128xf32, #tpu.memory_space<vmem>> -> memref<8x128xf32, #tpu.memory_space<vmem>>
    %dma_start3A_518 = tpu.memref_slice %arg2[%multiple_of3A_512, %multiple_of3A] : memref<49158x1024xf32, #tpu.memory_space<hbm>> -> memref<8x128xf32, #tpu.memory_space<hbm>>
    %dma_start3A_519 = arith.constant 0 : i32
    %dma_start3A_520 = arith.constant 0 : i32
    %dma_start3A_521 = tpu.memref_slice %arg5[%dma_start3A_513, %dma_start3A_519, %dma_start3A_520] : memref<32x8x128xf32, #tpu.memory_space<vmem>> -> memref<1x8x128xf32, #tpu.memory_space<vmem>>
    %dma_start3A_522 = tpu.memref_squeeze %dma_start3A_521 : memref<1x8x128xf32, #tpu.memory_space<vmem>> -> memref<8x128xf32, #tpu.memory_space<vmem>>
    %dma_start3A_523 = tpu.memref_slice %arg2[%multiple_of3A_512, %multiple_of3A] : memref<49158x1024xf32, #tpu.memory_space<hbm>> -> memref<8x128xf32, #tpu.memory_space<hbm>>
    tpu.enqueue_dma source(%dma_start3A_523 : memref<8x128xf32, #tpu.memory_space<hbm>>) target(%dma_start3A_522 : memref<8x128xf32, #tpu.memory_space<vmem>>) target_semaphore(%arg7 : memref<!tpu.dma_semaphore, #tpu.memory_space<semaphore_mem>>)
    %slice3A_524 = vector.extract_strided_slice %and3A_158 {offsets = [10], sizes = [1], strides = [1]} : vector<16xi32> to vector<1xi32>
    %squeeze3A_525 = vector.extract %slice3A_524[0] : i32 from vector<1xi32>
    %multiple_of3A_526 = tpu.assume_multiple %squeeze3A_525, 8 : i32
    %dma_start3A_527 = arith.constant 26 : i32
    %dma_start3A_528 = arith.constant 0 : i32
    %dma_start3A_529 = arith.constant 0 : i32
    %dma_start3A_530 = tpu.memref_slice %arg5[%dma_start3A_527, %dma_start3A_528, %dma_start3A_529] : memref<32x8x128xf32, #tpu.memory_space<vmem>> -> memref<1x8x128xf32, #tpu.memory_space<vmem>>
    %dma_start3A_531 = tpu.memref_squeeze %dma_start3A_530 : memref<1x8x128xf32, #tpu.memory_space<vmem>> -> memref<8x128xf32, #tpu.memory_space<vmem>>
    %dma_start3A_532 = tpu.memref_slice %arg2[%multiple_of3A_526, %multiple_of3A] : memref<49158x1024xf32, #tpu.memory_space<hbm>> -> memref<8x128xf32, #tpu.memory_space<hbm>>
    %dma_start3A_533 = arith.constant 0 : i32
    %dma_start3A_534 = arith.constant 0 : i32
    %dma_start3A_535 = tpu.memref_slice %arg5[%dma_start3A_527, %dma_start3A_533, %dma_start3A_534] : memref<32x8x128xf32, #tpu.memory_space<vmem>> -> memref<1x8x128xf32, #tpu.memory_space<vmem>>
    %dma_start3A_536 = tpu.memref_squeeze %dma_start3A_535 : memref<1x8x128xf32, #tpu.memory_space<vmem>> -> memref<8x128xf32, #tpu.memory_space<vmem>>
    %dma_start3A_537 = tpu.memref_slice %arg2[%multiple_of3A_526, %multiple_of3A] : memref<49158x1024xf32, #tpu.memory_space<hbm>> -> memref<8x128xf32, #tpu.memory_space<hbm>>
    tpu.enqueue_dma source(%dma_start3A_537 : memref<8x128xf32, #tpu.memory_space<hbm>>) target(%dma_start3A_536 : memref<8x128xf32, #tpu.memory_space<vmem>>) target_semaphore(%arg7 : memref<!tpu.dma_semaphore, #tpu.memory_space<semaphore_mem>>)
    %slice3A_538 = vector.extract_strided_slice %and3A_158 {offsets = [11], sizes = [1], strides = [1]} : vector<16xi32> to vector<1xi32>
    %squeeze3A_539 = vector.extract %slice3A_538[0] : i32 from vector<1xi32>
    %multiple_of3A_540 = tpu.assume_multiple %squeeze3A_539, 8 : i32
    %dma_start3A_541 = arith.constant 27 : i32
    %dma_start3A_542 = arith.constant 0 : i32
    %dma_start3A_543 = arith.constant 0 : i32
    %dma_start3A_544 = tpu.memref_slice %arg5[%dma_start3A_541, %dma_start3A_542, %dma_start3A_543] : memref<32x8x128xf32, #tpu.memory_space<vmem>> -> memref<1x8x128xf32, #tpu.memory_space<vmem>>
    %dma_start3A_545 = tpu.memref_squeeze %dma_start3A_544 : memref<1x8x128xf32, #tpu.memory_space<vmem>> -> memref<8x128xf32, #tpu.memory_space<vmem>>
    %dma_start3A_546 = tpu.memref_slice %arg2[%multiple_of3A_540, %multiple_of3A] : memref<49158x1024xf32, #tpu.memory_space<hbm>> -> memref<8x128xf32, #tpu.memory_space<hbm>>
    %dma_start3A_547 = arith.constant 0 : i32
    %dma_start3A_548 = arith.constant 0 : i32
    %dma_start3A_549 = tpu.memref_slice %arg5[%dma_start3A_541, %dma_start3A_547, %dma_start3A_548] : memref<32x8x128xf32, #tpu.memory_space<vmem>> -> memref<1x8x128xf32, #tpu.memory_space<vmem>>
    %dma_start3A_550 = tpu.memref_squeeze %dma_start3A_549 : memref<1x8x128xf32, #tpu.memory_space<vmem>> -> memref<8x128xf32, #tpu.memory_space<vmem>>
    %dma_start3A_551 = tpu.memref_slice %arg2[%multiple_of3A_540, %multiple_of3A] : memref<49158x1024xf32, #tpu.memory_space<hbm>> -> memref<8x128xf32, #tpu.memory_space<hbm>>
    tpu.enqueue_dma source(%dma_start3A_551 : memref<8x128xf32, #tpu.memory_space<hbm>>) target(%dma_start3A_550 : memref<8x128xf32, #tpu.memory_space<vmem>>) target_semaphore(%arg7 : memref<!tpu.dma_semaphore, #tpu.memory_space<semaphore_mem>>)
    %slice3A_552 = vector.extract_strided_slice %and3A_158 {offsets = [12], sizes = [1], strides = [1]} : vector<16xi32> to vector<1xi32>
    %squeeze3A_553 = vector.extract %slice3A_552[0] : i32 from vector<1xi32>
    %multiple_of3A_554 = tpu.assume_multiple %squeeze3A_553, 8 : i32
    %dma_start3A_555 = arith.constant 28 : i32
    %dma_start3A_556 = arith.constant 0 : i32
    %dma_start3A_557 = arith.constant 0 : i32
    %dma_start3A_558 = tpu.memref_slice %arg5[%dma_start3A_555, %dma_start3A_556, %dma_start3A_557] : memref<32x8x128xf32, #tpu.memory_space<vmem>> -> memref<1x8x128xf32, #tpu.memory_space<vmem>>
    %dma_start3A_559 = tpu.memref_squeeze %dma_start3A_558 : memref<1x8x128xf32, #tpu.memory_space<vmem>> -> memref<8x128xf32, #tpu.memory_space<vmem>>
    %dma_start3A_560 = tpu.memref_slice %arg2[%multiple_of3A_554, %multiple_of3A] : memref<49158x1024xf32, #tpu.memory_space<hbm>> -> memref<8x128xf32, #tpu.memory_space<hbm>>
    %dma_start3A_561 = arith.constant 0 : i32
    %dma_start3A_562 = arith.constant 0 : i32
    %dma_start3A_563 = tpu.memref_slice %arg5[%dma_start3A_555, %dma_start3A_561, %dma_start3A_562] : memref<32x8x128xf32, #tpu.memory_space<vmem>> -> memref<1x8x128xf32, #tpu.memory_space<vmem>>
    %dma_start3A_564 = tpu.memref_squeeze %dma_start3A_563 : memref<1x8x128xf32, #tpu.memory_space<vmem>> -> memref<8x128xf32, #tpu.memory_space<vmem>>
    %dma_start3A_565 = tpu.memref_slice %arg2[%multiple_of3A_554, %multiple_of3A] : memref<49158x1024xf32, #tpu.memory_space<hbm>> -> memref<8x128xf32, #tpu.memory_space<hbm>>
    tpu.enqueue_dma source(%dma_start3A_565 : memref<8x128xf32, #tpu.memory_space<hbm>>) target(%dma_start3A_564 : memref<8x128xf32, #tpu.memory_space<vmem>>) target_semaphore(%arg7 : memref<!tpu.dma_semaphore, #tpu.memory_space<semaphore_mem>>)
    %slice3A_566 = vector.extract_strided_slice %and3A_158 {offsets = [13], sizes = [1], strides = [1]} : vector<16xi32> to vector<1xi32>
    %squeeze3A_567 = vector.extract %slice3A_566[0] : i32 from vector<1xi32>
    %multiple_of3A_568 = tpu.assume_multiple %squeeze3A_567, 8 : i32
    %dma_start3A_569 = arith.constant 29 : i32
    %dma_start3A_570 = arith.constant 0 : i32
    %dma_start3A_571 = arith.constant 0 : i32
    %dma_start3A_572 = tpu.memref_slice %arg5[%dma_start3A_569, %dma_start3A_570, %dma_start3A_571] : memref<32x8x128xf32, #tpu.memory_space<vmem>> -> memref<1x8x128xf32, #tpu.memory_space<vmem>>
    %dma_start3A_573 = tpu.memref_squeeze %dma_start3A_572 : memref<1x8x128xf32, #tpu.memory_space<vmem>> -> memref<8x128xf32, #tpu.memory_space<vmem>>
    %dma_start3A_574 = tpu.memref_slice %arg2[%multiple_of3A_568, %multiple_of3A] : memref<49158x1024xf32, #tpu.memory_space<hbm>> -> memref<8x128xf32, #tpu.memory_space<hbm>>
    %dma_start3A_575 = arith.constant 0 : i32
    %dma_start3A_576 = arith.constant 0 : i32
    %dma_start3A_577 = tpu.memref_slice %arg5[%dma_start3A_569, %dma_start3A_575, %dma_start3A_576] : memref<32x8x128xf32, #tpu.memory_space<vmem>> -> memref<1x8x128xf32, #tpu.memory_space<vmem>>
    %dma_start3A_578 = tpu.memref_squeeze %dma_start3A_577 : memref<1x8x128xf32, #tpu.memory_space<vmem>> -> memref<8x128xf32, #tpu.memory_space<vmem>>
    %dma_start3A_579 = tpu.memref_slice %arg2[%multiple_of3A_568, %multiple_of3A] : memref<49158x1024xf32, #tpu.memory_space<hbm>> -> memref<8x128xf32, #tpu.memory_space<hbm>>
    tpu.enqueue_dma source(%dma_start3A_579 : memref<8x128xf32, #tpu.memory_space<hbm>>) target(%dma_start3A_578 : memref<8x128xf32, #tpu.memory_space<vmem>>) target_semaphore(%arg7 : memref<!tpu.dma_semaphore, #tpu.memory_space<semaphore_mem>>)
    %slice3A_580 = vector.extract_strided_slice %and3A_158 {offsets = [14], sizes = [1], strides = [1]} : vector<16xi32> to vector<1xi32>
    %squeeze3A_581 = vector.extract %slice3A_580[0] : i32 from vector<1xi32>
    %multiple_of3A_582 = tpu.assume_multiple %squeeze3A_581, 8 : i32
    %dma_start3A_583 = arith.constant 30 : i32
    %dma_start3A_584 = arith.constant 0 : i32
    %dma_start3A_585 = arith.constant 0 : i32
    %dma_start3A_586 = tpu.memref_slice %arg5[%dma_start3A_583, %dma_start3A_584, %dma_start3A_585] : memref<32x8x128xf32, #tpu.memory_space<vmem>> -> memref<1x8x128xf32, #tpu.memory_space<vmem>>
    %dma_start3A_587 = tpu.memref_squeeze %dma_start3A_586 : memref<1x8x128xf32, #tpu.memory_space<vmem>> -> memref<8x128xf32, #tpu.memory_space<vmem>>
    %dma_start3A_588 = tpu.memref_slice %arg2[%multiple_of3A_582, %multiple_of3A] : memref<49158x1024xf32, #tpu.memory_space<hbm>> -> memref<8x128xf32, #tpu.memory_space<hbm>>
    %dma_start3A_589 = arith.constant 0 : i32
    %dma_start3A_590 = arith.constant 0 : i32
    %dma_start3A_591 = tpu.memref_slice %arg5[%dma_start3A_583, %dma_start3A_589, %dma_start3A_590] : memref<32x8x128xf32, #tpu.memory_space<vmem>> -> memref<1x8x128xf32, #tpu.memory_space<vmem>>
    %dma_start3A_592 = tpu.memref_squeeze %dma_start3A_591 : memref<1x8x128xf32, #tpu.memory_space<vmem>> -> memref<8x128xf32, #tpu.memory_space<vmem>>
    %dma_start3A_593 = tpu.memref_slice %arg2[%multiple_of3A_582, %multiple_of3A] : memref<49158x1024xf32, #tpu.memory_space<hbm>> -> memref<8x128xf32, #tpu.memory_space<hbm>>
    tpu.enqueue_dma source(%dma_start3A_593 : memref<8x128xf32, #tpu.memory_space<hbm>>) target(%dma_start3A_592 : memref<8x128xf32, #tpu.memory_space<vmem>>) target_semaphore(%arg7 : memref<!tpu.dma_semaphore, #tpu.memory_space<semaphore_mem>>)
    %slice3A_594 = vector.extract_strided_slice %and3A_158 {offsets = [15], sizes = [1], strides = [1]} : vector<16xi32> to vector<1xi32>
    %squeeze3A_595 = vector.extract %slice3A_594[0] : i32 from vector<1xi32>
    %multiple_of3A_596 = tpu.assume_multiple %squeeze3A_595, 8 : i32
    %dma_start3A_597 = arith.constant 31 : i32
    %dma_start3A_598 = arith.constant 0 : i32
    %dma_start3A_599 = arith.constant 0 : i32
    %dma_start3A_600 = tpu.memref_slice %arg5[%dma_start3A_597, %dma_start3A_598, %dma_start3A_599] : memref<32x8x128xf32, #tpu.memory_space<vmem>> -> memref<1x8x128xf32, #tpu.memory_space<vmem>>
    %dma_start3A_601 = tpu.memref_squeeze %dma_start3A_600 : memref<1x8x128xf32, #tpu.memory_space<vmem>> -> memref<8x128xf32, #tpu.memory_space<vmem>>
    %dma_start3A_602 = tpu.memref_slice %arg2[%multiple_of3A_596, %multiple_of3A] : memref<49158x1024xf32, #tpu.memory_space<hbm>> -> memref<8x128xf32, #tpu.memory_space<hbm>>
    %dma_start3A_603 = arith.constant 0 : i32
    %dma_start3A_604 = arith.constant 0 : i32
    %dma_start3A_605 = tpu.memref_slice %arg5[%dma_start3A_597, %dma_start3A_603, %dma_start3A_604] : memref<32x8x128xf32, #tpu.memory_space<vmem>> -> memref<1x8x128xf32, #tpu.memory_space<vmem>>
    %dma_start3A_606 = tpu.memref_squeeze %dma_start3A_605 : memref<1x8x128xf32, #tpu.memory_space<vmem>> -> memref<8x128xf32, #tpu.memory_space<vmem>>
    %dma_start3A_607 = tpu.memref_slice %arg2[%multiple_of3A_596, %multiple_of3A] : memref<49158x1024xf32, #tpu.memory_space<hbm>> -> memref<8x128xf32, #tpu.memory_space<hbm>>
    tpu.enqueue_dma source(%dma_start3A_607 : memref<8x128xf32, #tpu.memory_space<hbm>>) target(%dma_start3A_606 : memref<8x128xf32, #tpu.memory_space<vmem>>) target_semaphore(%arg7 : memref<!tpu.dma_semaphore, #tpu.memory_space<semaphore_mem>>)
    %add3A_608 = arith.constant 0 : i32
    %add3A_609 = arith.addi %and3A_5, %add3A_608 : i32
    %multiple_of3A_610 = tpu.assume_multiple %add3A_609, 16 : i32
    %broadcast_in_dim3A = arith.constant 0.000000e+00 : f32
    %broadcast_in_dim3A_611 = vector.broadcast %broadcast_in_dim3A : f32 to vector<16xf32>
    %dma_wait3A_612 = arith.constant 0 : i32
    %dma_wait3A_613 = arith.constant 0 : i32
    %dma_wait3A_614 = arith.constant 0 : i32
    %dma_wait3A_615 = tpu.memref_slice %arg5[%dma_wait3A_612, %dma_wait3A_613, %dma_wait3A_614] : memref<32x8x128xf32, #tpu.memory_space<vmem>> -> memref<1x8x128xf32, #tpu.memory_space<vmem>>
    %dma_wait3A_616 = tpu.memref_squeeze %dma_wait3A_615 : memref<1x8x128xf32, #tpu.memory_space<vmem>> -> memref<8x128xf32, #tpu.memory_space<vmem>>
    %dma_wait3A_617 = tpu.memref_slice %arg2[%multiple_of3A_162, %multiple_of3A] : memref<49158x1024xf32, #tpu.memory_space<hbm>> -> memref<8x128xf32, #tpu.memory_space<hbm>>
    %dma_wait3A_618 = arith.constant 0 : i32
    %dma_wait3A_619 = arith.constant 0 : i32
    %dma_wait3A_620 = tpu.memref_slice %arg5[%dma_wait3A_612, %dma_wait3A_618, %dma_wait3A_619] : memref<32x8x128xf32, #tpu.memory_space<vmem>> -> memref<1x8x128xf32, #tpu.memory_space<vmem>>
    %dma_wait3A_621 = tpu.memref_squeeze %dma_wait3A_620 : memref<1x8x128xf32, #tpu.memory_space<vmem>> -> memref<8x128xf32, #tpu.memory_space<vmem>>
    %dma_wait3A_622 = tpu.memref_slice %arg2[%multiple_of3A_162, %multiple_of3A] : memref<49158x1024xf32, #tpu.memory_space<hbm>> -> memref<8x128xf32, #tpu.memory_space<hbm>>
    tpu.wait_dma2 semaphore(%arg7 : memref<!tpu.dma_semaphore, #tpu.memory_space<semaphore_mem>>) src(%dma_wait3A_622 : memref<8x128xf32, #tpu.memory_space<hbm>>) dst(%dma_wait3A_621 : memref<8x128xf32, #tpu.memory_space<vmem>>)
    %slice3A_623 = vector.extract_strided_slice %and3A_82 {offsets = [0], sizes = [1], strides = [1]} : vector<16xi32> to vector<1xi32>
    %squeeze3A_624 = vector.extract %slice3A_623[0] : i32 from vector<1xi32>
    %get3A_625 = arith.constant 0 : i32
    %get3A_626 = arith.index_cast %get3A_625 : i32 to index
    %get3A_627 = arith.index_cast %squeeze3A_624 : i32 to index
    %get3A_628 = arith.index_cast %multiple_of3A_610 : i32 to index
    %get3A_629 = tpu.vector_load %arg5[%get3A_626, %get3A_627, %get3A_628] {strides = array<i32>} : memref<32x8x128xf32, #tpu.memory_space<vmem>>, vector<1x1x16xf32>,
    %get3A_630 = vector.shape_cast %get3A_629 : vector<1x1x16xf32> to vector<16xf32>
    %eq3A = arith.constant 0 : i32
    %eq3A_631 = vector.broadcast %eq3A : i32 to vector<16xi32>
    %eq3A_632 = arith.cmpi eq, %iota3A, %eq3A_631 : vector<16xi32>
    %select_n3A = arith.select %eq3A_632, %get3A_630, %broadcast_in_dim3A_611 : vector<16xi1>, vector<16xf32>
    %dma_wait3A_633 = arith.constant 1 : i32
    %dma_wait3A_634 = arith.constant 0 : i32
    %dma_wait3A_635 = arith.constant 0 : i32
    %dma_wait3A_636 = tpu.memref_slice %arg5[%dma_wait3A_633, %dma_wait3A_634, %dma_wait3A_635] : memref<32x8x128xf32, #tpu.memory_space<vmem>> -> memref<1x8x128xf32, #tpu.memory_space<vmem>>
    %dma_wait3A_637 = tpu.memref_squeeze %dma_wait3A_636 : memref<1x8x128xf32, #tpu.memory_space<vmem>> -> memref<8x128xf32, #tpu.memory_space<vmem>>
    %dma_wait3A_638 = tpu.memref_slice %arg2[%multiple_of3A_176, %multiple_of3A] : memref<49158x1024xf32, #tpu.memory_space<hbm>> -> memref<8x128xf32, #tpu.memory_space<hbm>>
    %dma_wait3A_639 = arith.constant 0 : i32
    %dma_wait3A_640 = arith.constant 0 : i32
    %dma_wait3A_641 = tpu.memref_slice %arg5[%dma_wait3A_633, %dma_wait3A_639, %dma_wait3A_640] : memref<32x8x128xf32, #tpu.memory_space<vmem>> -> memref<1x8x128xf32, #tpu.memory_space<vmem>>
    %dma_wait3A_642 = tpu.memref_squeeze %dma_wait3A_641 : memref<1x8x128xf32, #tpu.memory_space<vmem>> -> memref<8x128xf32, #tpu.memory_space<vmem>>
    %dma_wait3A_643 = tpu.memref_slice %arg2[%multiple_of3A_176, %multiple_of3A] : memref<49158x1024xf32, #tpu.memory_space<hbm>> -> memref<8x128xf32, #tpu.memory_space<hbm>>
    tpu.wait_dma2 semaphore(%arg7 : memref<!tpu.dma_semaphore, #tpu.memory_space<semaphore_mem>>) src(%dma_wait3A_643 : memref<8x128xf32, #tpu.memory_space<hbm>>) dst(%dma_wait3A_642 : memref<8x128xf32, #tpu.memory_space<vmem>>)
    %slice3A_644 = vector.extract_strided_slice %and3A_82 {offsets = [1], sizes = [1], strides = [1]} : vector<16xi32> to vector<1xi32>
    %squeeze3A_645 = vector.extract %slice3A_644[0] : i32 from vector<1xi32>
    %get3A_646 = arith.constant 1 : i32
    %get3A_647 = arith.index_cast %get3A_646 : i32 to index
    %get3A_648 = arith.index_cast %squeeze3A_645 : i32 to index
    %get3A_649 = arith.index_cast %multiple_of3A_610 : i32 to index
    %get3A_650 = tpu.vector_load %arg5[%get3A_647, %get3A_648, %get3A_649] {strides = array<i32>} : memref<32x8x128xf32, #tpu.memory_space<vmem>>, vector<1x1x16xf32>,
    %get3A_651 = vector.shape_cast %get3A_650 : vector<1x1x16xf32> to vector<16xf32>
    %eq3A_652 = arith.constant 1 : i32
    %eq3A_653 = vector.broadcast %eq3A_652 : i32 to vector<16xi32>
    %eq3A_654 = arith.cmpi eq, %iota3A, %eq3A_653 : vector<16xi32>
    %select_n3A_655 = arith.select %eq3A_654, %get3A_651, %select_n3A : vector<16xi1>, vector<16xf32>
    %dma_wait3A_656 = arith.constant 2 : i32
    %dma_wait3A_657 = arith.constant 0 : i32
    %dma_wait3A_658 = arith.constant 0 : i32
    %dma_wait3A_659 = tpu.memref_slice %arg5[%dma_wait3A_656, %dma_wait3A_657, %dma_wait3A_658] : memref<32x8x128xf32, #tpu.memory_space<vmem>> -> memref<1x8x128xf32, #tpu.memory_space<vmem>>
    %dma_wait3A_660 = tpu.memref_squeeze %dma_wait3A_659 : memref<1x8x128xf32, #tpu.memory_space<vmem>> -> memref<8x128xf32, #tpu.memory_space<vmem>>
    %dma_wait3A_661 = tpu.memref_slice %arg2[%multiple_of3A_190, %multiple_of3A] : memref<49158x1024xf32, #tpu.memory_space<hbm>> -> memref<8x128xf32, #tpu.memory_space<hbm>>
    %dma_wait3A_662 = arith.constant 0 : i32
    %dma_wait3A_663 = arith.constant 0 : i32
    %dma_wait3A_664 = tpu.memref_slice %arg5[%dma_wait3A_656, %dma_wait3A_662, %dma_wait3A_663] : memref<32x8x128xf32, #tpu.memory_space<vmem>> -> memref<1x8x128xf32, #tpu.memory_space<vmem>>
    %dma_wait3A_665 = tpu.memref_squeeze %dma_wait3A_664 : memref<1x8x128xf32, #tpu.memory_space<vmem>> -> memref<8x128xf32, #tpu.memory_space<vmem>>
    %dma_wait3A_666 = tpu.memref_slice %arg2[%multiple_of3A_190, %multiple_of3A] : memref<49158x1024xf32, #tpu.memory_space<hbm>> -> memref<8x128xf32, #tpu.memory_space<hbm>>
    tpu.wait_dma2 semaphore(%arg7 : memref<!tpu.dma_semaphore, #tpu.memory_space<semaphore_mem>>) src(%dma_wait3A_666 : memref<8x128xf32, #tpu.memory_space<hbm>>) dst(%dma_wait3A_665 : memref<8x128xf32, #tpu.memory_space<vmem>>)
    %slice3A_667 = vector.extract_strided_slice %and3A_82 {offsets = [2], sizes = [1], strides = [1]} : vector<16xi32> to vector<1xi32>
    %squeeze3A_668 = vector.extract %slice3A_667[0] : i32 from vector<1xi32>
    %get3A_669 = arith.constant 2 : i32
    %get3A_670 = arith.index_cast %get3A_669 : i32 to index
    %get3A_671 = arith.index_cast %squeeze3A_668 : i32 to index
    %get3A_672 = arith.index_cast %multiple_of3A_610 : i32 to index
    %get3A_673 = tpu.vector_load %arg5[%get3A_670, %get3A_671, %get3A_672] {strides = array<i32>} : memref<32x8x128xf32, #tpu.memory_space<vmem>>, vector<1x1x16xf32>,
    %get3A_674 = vector.shape_cast %get3A_673 : vector<1x1x16xf32> to vector<16xf32>
    %eq3A_675 = arith.constant 2 : i32
    %eq3A_676 = vector.broadcast %eq3A_675 : i32 to vector<16xi32>
    %eq3A_677 = arith.cmpi eq, %iota3A, %eq3A_676 : vector<16xi32>
    %select_n3A_678 = arith.select %eq3A_677, %get3A_674, %select_n3A_655 : vector<16xi1>, vector<16xf32>
    %dma_wait3A_679 = arith.constant 3 : i32
    %dma_wait3A_680 = arith.constant 0 : i32
    %dma_wait3A_681 = arith.constant 0 : i32
    %dma_wait3A_682 = tpu.memref_slice %arg5[%dma_wait3A_679, %dma_wait3A_680, %dma_wait3A_681] : memref<32x8x128xf32, #tpu.memory_space<vmem>> -> memref<1x8x128xf32, #tpu.memory_space<vmem>>
    %dma_wait3A_683 = tpu.memref_squeeze %dma_wait3A_682 : memref<1x8x128xf32, #tpu.memory_space<vmem>> -> memref<8x128xf32, #tpu.memory_space<vmem>>
    %dma_wait3A_684 = tpu.memref_slice %arg2[%multiple_of3A_204, %multiple_of3A] : memref<49158x1024xf32, #tpu.memory_space<hbm>> -> memref<8x128xf32, #tpu.memory_space<hbm>>
    %dma_wait3A_685 = arith.constant 0 : i32
    %dma_wait3A_686 = arith.constant 0 : i32
    %dma_wait3A_687 = tpu.memref_slice %arg5[%dma_wait3A_679, %dma_wait3A_685, %dma_wait3A_686] : memref<32x8x128xf32, #tpu.memory_space<vmem>> -> memref<1x8x128xf32, #tpu.memory_space<vmem>>
    %dma_wait3A_688 = tpu.memref_squeeze %dma_wait3A_687 : memref<1x8x128xf32, #tpu.memory_space<vmem>> -> memref<8x128xf32, #tpu.memory_space<vmem>>
    %dma_wait3A_689 = tpu.memref_slice %arg2[%multiple_of3A_204, %multiple_of3A] : memref<49158x1024xf32, #tpu.memory_space<hbm>> -> memref<8x128xf32, #tpu.memory_space<hbm>>
    tpu.wait_dma2 semaphore(%arg7 : memref<!tpu.dma_semaphore, #tpu.memory_space<semaphore_mem>>) src(%dma_wait3A_689 : memref<8x128xf32, #tpu.memory_space<hbm>>) dst(%dma_wait3A_688 : memref<8x128xf32, #tpu.memory_space<vmem>>)
    %slice3A_690 = vector.extract_strided_slice %and3A_82 {offsets = [3], sizes = [1], strides = [1]} : vector<16xi32> to vector<1xi32>
    %squeeze3A_691 = vector.extract %slice3A_690[0] : i32 from vector<1xi32>
    %get3A_692 = arith.constant 3 : i32
    %get3A_693 = arith.index_cast %get3A_692 : i32 to index
    %get3A_694 = arith.index_cast %squeeze3A_691 : i32 to index
    %get3A_695 = arith.index_cast %multiple_of3A_610 : i32 to index
    %get3A_696 = tpu.vector_load %arg5[%get3A_693, %get3A_694, %get3A_695] {strides = array<i32>} : memref<32x8x128xf32, #tpu.memory_space<vmem>>, vector<1x1x16xf32>,
    %get3A_697 = vector.shape_cast %get3A_696 : vector<1x1x16xf32> to vector<16xf32>
    %eq3A_698 = arith.constant 3 : i32
    %eq3A_699 = vector.broadcast %eq3A_698 : i32 to vector<16xi32>
    %eq3A_700 = arith.cmpi eq, %iota3A, %eq3A_699 : vector<16xi32>
    %select_n3A_701 = arith.select %eq3A_700, %get3A_697, %select_n3A_678 : vector<16xi1>, vector<16xf32>
    %dma_wait3A_702 = arith.constant 4 : i32
    %dma_wait3A_703 = arith.constant 0 : i32
    %dma_wait3A_704 = arith.constant 0 : i32
    %dma_wait3A_705 = tpu.memref_slice %arg5[%dma_wait3A_702, %dma_wait3A_703, %dma_wait3A_704] : memref<32x8x128xf32, #tpu.memory_space<vmem>> -> memref<1x8x128xf32, #tpu.memory_space<vmem>>
    %dma_wait3A_706 = tpu.memref_squeeze %dma_wait3A_705 : memref<1x8x128xf32, #tpu.memory_space<vmem>> -> memref<8x128xf32, #tpu.memory_space<vmem>>
    %dma_wait3A_707 = tpu.memref_slice %arg2[%multiple_of3A_218, %multiple_of3A] : memref<49158x1024xf32, #tpu.memory_space<hbm>> -> memref<8x128xf32, #tpu.memory_space<hbm>>
    %dma_wait3A_708 = arith.constant 0 : i32
    %dma_wait3A_709 = arith.constant 0 : i32
    %dma_wait3A_710 = tpu.memref_slice %arg5[%dma_wait3A_702, %dma_wait3A_708, %dma_wait3A_709] : memref<32x8x128xf32, #tpu.memory_space<vmem>> -> memref<1x8x128xf32, #tpu.memory_space<vmem>>
    %dma_wait3A_711 = tpu.memref_squeeze %dma_wait3A_710 : memref<1x8x128xf32, #tpu.memory_space<vmem>> -> memref<8x128xf32, #tpu.memory_space<vmem>>
    %dma_wait3A_712 = tpu.memref_slice %arg2[%multiple_of3A_218, %multiple_of3A] : memref<49158x1024xf32, #tpu.memory_space<hbm>> -> memref<8x128xf32, #tpu.memory_space<hbm>>
    tpu.wait_dma2 semaphore(%arg7 : memref<!tpu.dma_semaphore, #tpu.memory_space<semaphore_mem>>) src(%dma_wait3A_712 : memref<8x128xf32, #tpu.memory_space<hbm>>) dst(%dma_wait3A_711 : memref<8x128xf32, #tpu.memory_space<vmem>>)
    %slice3A_713 = vector.extract_strided_slice %and3A_82 {offsets = [4], sizes = [1], strides = [1]} : vector<16xi32> to vector<1xi32>
    %squeeze3A_714 = vector.extract %slice3A_713[0] : i32 from vector<1xi32>
    %get3A_715 = arith.constant 4 : i32
    %get3A_716 = arith.index_cast %get3A_715 : i32 to index
    %get3A_717 = arith.index_cast %squeeze3A_714 : i32 to index
    %get3A_718 = arith.index_cast %multiple_of3A_610 : i32 to index
    %get3A_719 = tpu.vector_load %arg5[%get3A_716, %get3A_717, %get3A_718] {strides = array<i32>} : memref<32x8x128xf32, #tpu.memory_space<vmem>>, vector<1x1x16xf32>,
    %get3A_720 = vector.shape_cast %get3A_719 : vector<1x1x16xf32> to vector<16xf32>
    %eq3A_721 = arith.constant 4 : i32
    %eq3A_722 = vector.broadcast %eq3A_721 : i32 to vector<16xi32>
    %eq3A_723 = arith.cmpi eq, %iota3A, %eq3A_722 : vector<16xi32>
    %select_n3A_724 = arith.select %eq3A_723, %get3A_720, %select_n3A_701 : vector<16xi1>, vector<16xf32>
    %dma_wait3A_725 = arith.constant 5 : i32
    %dma_wait3A_726 = arith.constant 0 : i32
    %dma_wait3A_727 = arith.constant 0 : i32
    %dma_wait3A_728 = tpu.memref_slice %arg5[%dma_wait3A_725, %dma_wait3A_726, %dma_wait3A_727] : memref<32x8x128xf32, #tpu.memory_space<vmem>> -> memref<1x8x128xf32, #tpu.memory_space<vmem>>
    %dma_wait3A_729 = tpu.memref_squeeze %dma_wait3A_728 : memref<1x8x128xf32, #tpu.memory_space<vmem>> -> memref<8x128xf32, #tpu.memory_space<vmem>>
    %dma_wait3A_730 = tpu.memref_slice %arg2[%multiple_of3A_232, %multiple_of3A] : memref<49158x1024xf32, #tpu.memory_space<hbm>> -> memref<8x128xf32, #tpu.memory_space<hbm>>
    %dma_wait3A_731 = arith.constant 0 : i32
    %dma_wait3A_732 = arith.constant 0 : i32
    %dma_wait3A_733 = tpu.memref_slice %arg5[%dma_wait3A_725, %dma_wait3A_731, %dma_wait3A_732] : memref<32x8x128xf32, #tpu.memory_space<vmem>> -> memref<1x8x128xf32, #tpu.memory_space<vmem>>
    %dma_wait3A_734 = tpu.memref_squeeze %dma_wait3A_733 : memref<1x8x128xf32, #tpu.memory_space<vmem>> -> memref<8x128xf32, #tpu.memory_space<vmem>>
    %dma_wait3A_735 = tpu.memref_slice %arg2[%multiple_of3A_232, %multiple_of3A] : memref<49158x1024xf32, #tpu.memory_space<hbm>> -> memref<8x128xf32, #tpu.memory_space<hbm>>
    tpu.wait_dma2 semaphore(%arg7 : memref<!tpu.dma_semaphore, #tpu.memory_space<semaphore_mem>>) src(%dma_wait3A_735 : memref<8x128xf32, #tpu.memory_space<hbm>>) dst(%dma_wait3A_734 : memref<8x128xf32, #tpu.memory_space<vmem>>)
    %slice3A_736 = vector.extract_strided_slice %and3A_82 {offsets = [5], sizes = [1], strides = [1]} : vector<16xi32> to vector<1xi32>
    %squeeze3A_737 = vector.extract %slice3A_736[0] : i32 from vector<1xi32>
    %get3A_738 = arith.constant 5 : i32
    %get3A_739 = arith.index_cast %get3A_738 : i32 to index
    %get3A_740 = arith.index_cast %squeeze3A_737 : i32 to index
    %get3A_741 = arith.index_cast %multiple_of3A_610 : i32 to index
    %get3A_742 = tpu.vector_load %arg5[%get3A_739, %get3A_740, %get3A_741] {strides = array<i32>} : memref<32x8x128xf32, #tpu.memory_space<vmem>>, vector<1x1x16xf32>,
    %get3A_743 = vector.shape_cast %get3A_742 : vector<1x1x16xf32> to vector<16xf32>
    %eq3A_744 = arith.constant 5 : i32
    %eq3A_745 = vector.broadcast %eq3A_744 : i32 to vector<16xi32>
    %eq3A_746 = arith.cmpi eq, %iota3A, %eq3A_745 : vector<16xi32>
    %select_n3A_747 = arith.select %eq3A_746, %get3A_743, %select_n3A_724 : vector<16xi1>, vector<16xf32>
    %dma_wait3A_748 = arith.constant 6 : i32
    %dma_wait3A_749 = arith.constant 0 : i32
    %dma_wait3A_750 = arith.constant 0 : i32
    %dma_wait3A_751 = tpu.memref_slice %arg5[%dma_wait3A_748, %dma_wait3A_749, %dma_wait3A_750] : memref<32x8x128xf32, #tpu.memory_space<vmem>> -> memref<1x8x128xf32, #tpu.memory_space<vmem>>
    %dma_wait3A_752 = tpu.memref_squeeze %dma_wait3A_751 : memref<1x8x128xf32, #tpu.memory_space<vmem>> -> memref<8x128xf32, #tpu.memory_space<vmem>>
    %dma_wait3A_753 = tpu.memref_slice %arg2[%multiple_of3A_246, %multiple_of3A] : memref<49158x1024xf32, #tpu.memory_space<hbm>> -> memref<8x128xf32, #tpu.memory_space<hbm>>
    %dma_wait3A_754 = arith.constant 0 : i32
    %dma_wait3A_755 = arith.constant 0 : i32
    %dma_wait3A_756 = tpu.memref_slice %arg5[%dma_wait3A_748, %dma_wait3A_754, %dma_wait3A_755] : memref<32x8x128xf32, #tpu.memory_space<vmem>> -> memref<1x8x128xf32, #tpu.memory_space<vmem>>
    %dma_wait3A_757 = tpu.memref_squeeze %dma_wait3A_756 : memref<1x8x128xf32, #tpu.memory_space<vmem>> -> memref<8x128xf32, #tpu.memory_space<vmem>>
    %dma_wait3A_758 = tpu.memref_slice %arg2[%multiple_of3A_246, %multiple_of3A] : memref<49158x1024xf32, #tpu.memory_space<hbm>> -> memref<8x128xf32, #tpu.memory_space<hbm>>
    tpu.wait_dma2 semaphore(%arg7 : memref<!tpu.dma_semaphore, #tpu.memory_space<semaphore_mem>>) src(%dma_wait3A_758 : memref<8x128xf32, #tpu.memory_space<hbm>>) dst(%dma_wait3A_757 : memref<8x128xf32, #tpu.memory_space<vmem>>)
    %slice3A_759 = vector.extract_strided_slice %and3A_82 {offsets = [6], sizes = [1], strides = [1]} : vector<16xi32> to vector<1xi32>
    %squeeze3A_760 = vector.extract %slice3A_759[0] : i32 from vector<1xi32>
    %get3A_761 = arith.constant 6 : i32
    %get3A_762 = arith.index_cast %get3A_761 : i32 to index
    %get3A_763 = arith.index_cast %squeeze3A_760 : i32 to index
    %get3A_764 = arith.index_cast %multiple_of3A_610 : i32 to index
    %get3A_765 = tpu.vector_load %arg5[%get3A_762, %get3A_763, %get3A_764] {strides = array<i32>} : memref<32x8x128xf32, #tpu.memory_space<vmem>>, vector<1x1x16xf32>,
    %get3A_766 = vector.shape_cast %get3A_765 : vector<1x1x16xf32> to vector<16xf32>
    %eq3A_767 = arith.constant 6 : i32
    %eq3A_768 = vector.broadcast %eq3A_767 : i32 to vector<16xi32>
    %eq3A_769 = arith.cmpi eq, %iota3A, %eq3A_768 : vector<16xi32>
    %select_n3A_770 = arith.select %eq3A_769, %get3A_766, %select_n3A_747 : vector<16xi1>, vector<16xf32>
    %dma_wait3A_771 = arith.constant 7 : i32
    %dma_wait3A_772 = arith.constant 0 : i32
    %dma_wait3A_773 = arith.constant 0 : i32
    %dma_wait3A_774 = tpu.memref_slice %arg5[%dma_wait3A_771, %dma_wait3A_772, %dma_wait3A_773] : memref<32x8x128xf32, #tpu.memory_space<vmem>> -> memref<1x8x128xf32, #tpu.memory_space<vmem>>
    %dma_wait3A_775 = tpu.memref_squeeze %dma_wait3A_774 : memref<1x8x128xf32, #tpu.memory_space<vmem>> -> memref<8x128xf32, #tpu.memory_space<vmem>>
    %dma_wait3A_776 = tpu.memref_slice %arg2[%multiple_of3A_260, %multiple_of3A] : memref<49158x1024xf32, #tpu.memory_space<hbm>> -> memref<8x128xf32, #tpu.memory_space<hbm>>
    %dma_wait3A_777 = arith.constant 0 : i32
    %dma_wait3A_778 = arith.constant 0 : i32
    %dma_wait3A_779 = tpu.memref_slice %arg5[%dma_wait3A_771, %dma_wait3A_777, %dma_wait3A_778] : memref<32x8x128xf32, #tpu.memory_space<vmem>> -> memref<1x8x128xf32, #tpu.memory_space<vmem>>
    %dma_wait3A_780 = tpu.memref_squeeze %dma_wait3A_779 : memref<1x8x128xf32, #tpu.memory_space<vmem>> -> memref<8x128xf32, #tpu.memory_space<vmem>>
    %dma_wait3A_781 = tpu.memref_slice %arg2[%multiple_of3A_260, %multiple_of3A] : memref<49158x1024xf32, #tpu.memory_space<hbm>> -> memref<8x128xf32, #tpu.memory_space<hbm>>
    tpu.wait_dma2 semaphore(%arg7 : memref<!tpu.dma_semaphore, #tpu.memory_space<semaphore_mem>>) src(%dma_wait3A_781 : memref<8x128xf32, #tpu.memory_space<hbm>>) dst(%dma_wait3A_780 : memref<8x128xf32, #tpu.memory_space<vmem>>)
    %slice3A_782 = vector.extract_strided_slice %and3A_82 {offsets = [7], sizes = [1], strides = [1]} : vector<16xi32> to vector<1xi32>
    %squeeze3A_783 = vector.extract %slice3A_782[0] : i32 from vector<1xi32>
    %get3A_784 = arith.constant 7 : i32
    %get3A_785 = arith.index_cast %get3A_784 : i32 to index
    %get3A_786 = arith.index_cast %squeeze3A_783 : i32 to index
    %get3A_787 = arith.index_cast %multiple_of3A_610 : i32 to index
    %get3A_788 = tpu.vector_load %arg5[%get3A_785, %get3A_786, %get3A_787] {strides = array<i32>} : memref<32x8x128xf32, #tpu.memory_space<vmem>>, vector<1x1x16xf32>,
    %get3A_789 = vector.shape_cast %get3A_788 : vector<1x1x16xf32> to vector<16xf32>
    %eq3A_790 = arith.constant 7 : i32
    %eq3A_791 = vector.broadcast %eq3A_790 : i32 to vector<16xi32>
    %eq3A_792 = arith.cmpi eq, %iota3A, %eq3A_791 : vector<16xi32>
    %select_n3A_793 = arith.select %eq3A_792, %get3A_789, %select_n3A_770 : vector<16xi1>, vector<16xf32>
    %dma_wait3A_794 = arith.constant 8 : i32
    %dma_wait3A_795 = arith.constant 0 : i32
    %dma_wait3A_796 = arith.constant 0 : i32
    %dma_wait3A_797 = tpu.memref_slice %arg5[%dma_wait3A_794, %dma_wait3A_795, %dma_wait3A_796] : memref<32x8x128xf32, #tpu.memory_space<vmem>> -> memref<1x8x128xf32, #tpu.memory_space<vmem>>
    %dma_wait3A_798 = tpu.memref_squeeze %dma_wait3A_797 : memref<1x8x128xf32, #tpu.memory_space<vmem>> -> memref<8x128xf32, #tpu.memory_space<vmem>>
    %dma_wait3A_799 = tpu.memref_slice %arg2[%multiple_of3A_274, %multiple_of3A] : memref<49158x1024xf32, #tpu.memory_space<hbm>> -> memref<8x128xf32, #tpu.memory_space<hbm>>
    %dma_wait3A_800 = arith.constant 0 : i32
    %dma_wait3A_801 = arith.constant 0 : i32
    %dma_wait3A_802 = tpu.memref_slice %arg5[%dma_wait3A_794, %dma_wait3A_800, %dma_wait3A_801] : memref<32x8x128xf32, #tpu.memory_space<vmem>> -> memref<1x8x128xf32, #tpu.memory_space<vmem>>
    %dma_wait3A_803 = tpu.memref_squeeze %dma_wait3A_802 : memref<1x8x128xf32, #tpu.memory_space<vmem>> -> memref<8x128xf32, #tpu.memory_space<vmem>>
    %dma_wait3A_804 = tpu.memref_slice %arg2[%multiple_of3A_274, %multiple_of3A] : memref<49158x1024xf32, #tpu.memory_space<hbm>> -> memref<8x128xf32, #tpu.memory_space<hbm>>
    tpu.wait_dma2 semaphore(%arg7 : memref<!tpu.dma_semaphore, #tpu.memory_space<semaphore_mem>>) src(%dma_wait3A_804 : memref<8x128xf32, #tpu.memory_space<hbm>>) dst(%dma_wait3A_803 : memref<8x128xf32, #tpu.memory_space<vmem>>)
    %slice3A_805 = vector.extract_strided_slice %and3A_82 {offsets = [8], sizes = [1], strides = [1]} : vector<16xi32> to vector<1xi32>
    %squeeze3A_806 = vector.extract %slice3A_805[0] : i32 from vector<1xi32>
    %get3A_807 = arith.constant 8 : i32
    %get3A_808 = arith.index_cast %get3A_807 : i32 to index
    %get3A_809 = arith.index_cast %squeeze3A_806 : i32 to index
    %get3A_810 = arith.index_cast %multiple_of3A_610 : i32 to index
    %get3A_811 = tpu.vector_load %arg5[%get3A_808, %get3A_809, %get3A_810] {strides = array<i32>} : memref<32x8x128xf32, #tpu.memory_space<vmem>>, vector<1x1x16xf32>,
    %get3A_812 = vector.shape_cast %get3A_811 : vector<1x1x16xf32> to vector<16xf32>
    %eq3A_813 = arith.constant 8 : i32
    %eq3A_814 = vector.broadcast %eq3A_813 : i32 to vector<16xi32>
    %eq3A_815 = arith.cmpi eq, %iota3A, %eq3A_814 : vector<16xi32>
    %select_n3A_816 = arith.select %eq3A_815, %get3A_812, %select_n3A_793 : vector<16xi1>, vector<16xf32>
    %dma_wait3A_817 = arith.constant 9 : i32
    %dma_wait3A_818 = arith.constant 0 : i32
    %dma_wait3A_819 = arith.constant 0 : i32
    %dma_wait3A_820 = tpu.memref_slice %arg5[%dma_wait3A_817, %dma_wait3A_818, %dma_wait3A_819] : memref<32x8x128xf32, #tpu.memory_space<vmem>> -> memref<1x8x128xf32, #tpu.memory_space<vmem>>
    %dma_wait3A_821 = tpu.memref_squeeze %dma_wait3A_820 : memref<1x8x128xf32, #tpu.memory_space<vmem>> -> memref<8x128xf32, #tpu.memory_space<vmem>>
    %dma_wait3A_822 = tpu.memref_slice %arg2[%multiple_of3A_288, %multiple_of3A] : memref<49158x1024xf32, #tpu.memory_space<hbm>> -> memref<8x128xf32, #tpu.memory_space<hbm>>
    %dma_wait3A_823 = arith.constant 0 : i32
    %dma_wait3A_824 = arith.constant 0 : i32
    %dma_wait3A_825 = tpu.memref_slice %arg5[%dma_wait3A_817, %dma_wait3A_823, %dma_wait3A_824] : memref<32x8x128xf32, #tpu.memory_space<vmem>> -> memref<1x8x128xf32, #tpu.memory_space<vmem>>
    %dma_wait3A_826 = tpu.memref_squeeze %dma_wait3A_825 : memref<1x8x128xf32, #tpu.memory_space<vmem>> -> memref<8x128xf32, #tpu.memory_space<vmem>>
    %dma_wait3A_827 = tpu.memref_slice %arg2[%multiple_of3A_288, %multiple_of3A] : memref<49158x1024xf32, #tpu.memory_space<hbm>> -> memref<8x128xf32, #tpu.memory_space<hbm>>
    tpu.wait_dma2 semaphore(%arg7 : memref<!tpu.dma_semaphore, #tpu.memory_space<semaphore_mem>>) src(%dma_wait3A_827 : memref<8x128xf32, #tpu.memory_space<hbm>>) dst(%dma_wait3A_826 : memref<8x128xf32, #tpu.memory_space<vmem>>)
    %slice3A_828 = vector.extract_strided_slice %and3A_82 {offsets = [9], sizes = [1], strides = [1]} : vector<16xi32> to vector<1xi32>
    %squeeze3A_829 = vector.extract %slice3A_828[0] : i32 from vector<1xi32>
    %get3A_830 = arith.constant 9 : i32
    %get3A_831 = arith.index_cast %get3A_830 : i32 to index
    %get3A_832 = arith.index_cast %squeeze3A_829 : i32 to index
    %get3A_833 = arith.index_cast %multiple_of3A_610 : i32 to index
    %get3A_834 = tpu.vector_load %arg5[%get3A_831, %get3A_832, %get3A_833] {strides = array<i32>} : memref<32x8x128xf32, #tpu.memory_space<vmem>>, vector<1x1x16xf32>,
    %get3A_835 = vector.shape_cast %get3A_834 : vector<1x1x16xf32> to vector<16xf32>
    %eq3A_836 = arith.constant 9 : i32
    %eq3A_837 = vector.broadcast %eq3A_836 : i32 to vector<16xi32>
    %eq3A_838 = arith.cmpi eq, %iota3A, %eq3A_837 : vector<16xi32>
    %select_n3A_839 = arith.select %eq3A_838, %get3A_835, %select_n3A_816 : vector<16xi1>, vector<16xf32>
    %dma_wait3A_840 = arith.constant 10 : i32
    %dma_wait3A_841 = arith.constant 0 : i32
    %dma_wait3A_842 = arith.constant 0 : i32
    %dma_wait3A_843 = tpu.memref_slice %arg5[%dma_wait3A_840, %dma_wait3A_841, %dma_wait3A_842] : memref<32x8x128xf32, #tpu.memory_space<vmem>> -> memref<1x8x128xf32, #tpu.memory_space<vmem>>
    %dma_wait3A_844 = tpu.memref_squeeze %dma_wait3A_843 : memref<1x8x128xf32, #tpu.memory_space<vmem>> -> memref<8x128xf32, #tpu.memory_space<vmem>>
    %dma_wait3A_845 = tpu.memref_slice %arg2[%multiple_of3A_302, %multiple_of3A] : memref<49158x1024xf32, #tpu.memory_space<hbm>> -> memref<8x128xf32, #tpu.memory_space<hbm>>
    %dma_wait3A_846 = arith.constant 0 : i32
    %dma_wait3A_847 = arith.constant 0 : i32
    %dma_wait3A_848 = tpu.memref_slice %arg5[%dma_wait3A_840, %dma_wait3A_846, %dma_wait3A_847] : memref<32x8x128xf32, #tpu.memory_space<vmem>> -> memref<1x8x128xf32, #tpu.memory_space<vmem>>
    %dma_wait3A_849 = tpu.memref_squeeze %dma_wait3A_848 : memref<1x8x128xf32, #tpu.memory_space<vmem>> -> memref<8x128xf32, #tpu.memory_space<vmem>>
    %dma_wait3A_850 = tpu.memref_slice %arg2[%multiple_of3A_302, %multiple_of3A] : memref<49158x1024xf32, #tpu.memory_space<hbm>> -> memref<8x128xf32, #tpu.memory_space<hbm>>
    tpu.wait_dma2 semaphore(%arg7 : memref<!tpu.dma_semaphore, #tpu.memory_space<semaphore_mem>>) src(%dma_wait3A_850 : memref<8x128xf32, #tpu.memory_space<hbm>>) dst(%dma_wait3A_849 : memref<8x128xf32, #tpu.memory_space<vmem>>)
    %slice3A_851 = vector.extract_strided_slice %and3A_82 {offsets = [10], sizes = [1], strides = [1]} : vector<16xi32> to vector<1xi32>
    %squeeze3A_852 = vector.extract %slice3A_851[0] : i32 from vector<1xi32>
    %get3A_853 = arith.constant 10 : i32
    %get3A_854 = arith.index_cast %get3A_853 : i32 to index
    %get3A_855 = arith.index_cast %squeeze3A_852 : i32 to index
    %get3A_856 = arith.index_cast %multiple_of3A_610 : i32 to index
    %get3A_857 = tpu.vector_load %arg5[%get3A_854, %get3A_855, %get3A_856] {strides = array<i32>} : memref<32x8x128xf32, #tpu.memory_space<vmem>>, vector<1x1x16xf32>,
    %get3A_858 = vector.shape_cast %get3A_857 : vector<1x1x16xf32> to vector<16xf32>
    %eq3A_859 = arith.constant 10 : i32
    %eq3A_860 = vector.broadcast %eq3A_859 : i32 to vector<16xi32>
    %eq3A_861 = arith.cmpi eq, %iota3A, %eq3A_860 : vector<16xi32>
    %select_n3A_862 = arith.select %eq3A_861, %get3A_858, %select_n3A_839 : vector<16xi1>, vector<16xf32>
    %dma_wait3A_863 = arith.constant 11 : i32
    %dma_wait3A_864 = arith.constant 0 : i32
    %dma_wait3A_865 = arith.constant 0 : i32
    %dma_wait3A_866 = tpu.memref_slice %arg5[%dma_wait3A_863, %dma_wait3A_864, %dma_wait3A_865] : memref<32x8x128xf32, #tpu.memory_space<vmem>> -> memref<1x8x128xf32, #tpu.memory_space<vmem>>
    %dma_wait3A_867 = tpu.memref_squeeze %dma_wait3A_866 : memref<1x8x128xf32, #tpu.memory_space<vmem>> -> memref<8x128xf32, #tpu.memory_space<vmem>>
    %dma_wait3A_868 = tpu.memref_slice %arg2[%multiple_of3A_316, %multiple_of3A] : memref<49158x1024xf32, #tpu.memory_space<hbm>> -> memref<8x128xf32, #tpu.memory_space<hbm>>
    %dma_wait3A_869 = arith.constant 0 : i32
    %dma_wait3A_870 = arith.constant 0 : i32
    %dma_wait3A_871 = tpu.memref_slice %arg5[%dma_wait3A_863, %dma_wait3A_869, %dma_wait3A_870] : memref<32x8x128xf32, #tpu.memory_space<vmem>> -> memref<1x8x128xf32, #tpu.memory_space<vmem>>
    %dma_wait3A_872 = tpu.memref_squeeze %dma_wait3A_871 : memref<1x8x128xf32, #tpu.memory_space<vmem>> -> memref<8x128xf32, #tpu.memory_space<vmem>>
    %dma_wait3A_873 = tpu.memref_slice %arg2[%multiple_of3A_316, %multiple_of3A] : memref<49158x1024xf32, #tpu.memory_space<hbm>> -> memref<8x128xf32, #tpu.memory_space<hbm>>
    tpu.wait_dma2 semaphore(%arg7 : memref<!tpu.dma_semaphore, #tpu.memory_space<semaphore_mem>>) src(%dma_wait3A_873 : memref<8x128xf32, #tpu.memory_space<hbm>>) dst(%dma_wait3A_872 : memref<8x128xf32, #tpu.memory_space<vmem>>)
    %slice3A_874 = vector.extract_strided_slice %and3A_82 {offsets = [11], sizes = [1], strides = [1]} : vector<16xi32> to vector<1xi32>
    %squeeze3A_875 = vector.extract %slice3A_874[0] : i32 from vector<1xi32>
    %get3A_876 = arith.constant 11 : i32
    %get3A_877 = arith.index_cast %get3A_876 : i32 to index
    %get3A_878 = arith.index_cast %squeeze3A_875 : i32 to index
    %get3A_879 = arith.index_cast %multiple_of3A_610 : i32 to index
    %get3A_880 = tpu.vector_load %arg5[%get3A_877, %get3A_878, %get3A_879] {strides = array<i32>} : memref<32x8x128xf32, #tpu.memory_space<vmem>>, vector<1x1x16xf32>,
    %get3A_881 = vector.shape_cast %get3A_880 : vector<1x1x16xf32> to vector<16xf32>
    %eq3A_882 = arith.constant 11 : i32
    %eq3A_883 = vector.broadcast %eq3A_882 : i32 to vector<16xi32>
    %eq3A_884 = arith.cmpi eq, %iota3A, %eq3A_883 : vector<16xi32>
    %select_n3A_885 = arith.select %eq3A_884, %get3A_881, %select_n3A_862 : vector<16xi1>, vector<16xf32>
    %dma_wait3A_886 = arith.constant 12 : i32
    %dma_wait3A_887 = arith.constant 0 : i32
    %dma_wait3A_888 = arith.constant 0 : i32
    %dma_wait3A_889 = tpu.memref_slice %arg5[%dma_wait3A_886, %dma_wait3A_887, %dma_wait3A_888] : memref<32x8x128xf32, #tpu.memory_space<vmem>> -> memref<1x8x128xf32, #tpu.memory_space<vmem>>
    %dma_wait3A_890 = tpu.memref_squeeze %dma_wait3A_889 : memref<1x8x128xf32, #tpu.memory_space<vmem>> -> memref<8x128xf32, #tpu.memory_space<vmem>>
    %dma_wait3A_891 = tpu.memref_slice %arg2[%multiple_of3A_330, %multiple_of3A] : memref<49158x1024xf32, #tpu.memory_space<hbm>> -> memref<8x128xf32, #tpu.memory_space<hbm>>
    %dma_wait3A_892 = arith.constant 0 : i32
    %dma_wait3A_893 = arith.constant 0 : i32
    %dma_wait3A_894 = tpu.memref_slice %arg5[%dma_wait3A_886, %dma_wait3A_892, %dma_wait3A_893] : memref<32x8x128xf32, #tpu.memory_space<vmem>> -> memref<1x8x128xf32, #tpu.memory_space<vmem>>
    %dma_wait3A_895 = tpu.memref_squeeze %dma_wait3A_894 : memref<1x8x128xf32, #tpu.memory_space<vmem>> -> memref<8x128xf32, #tpu.memory_space<vmem>>
    %dma_wait3A_896 = tpu.memref_slice %arg2[%multiple_of3A_330, %multiple_of3A] : memref<49158x1024xf32, #tpu.memory_space<hbm>> -> memref<8x128xf32, #tpu.memory_space<hbm>>
    tpu.wait_dma2 semaphore(%arg7 : memref<!tpu.dma_semaphore, #tpu.memory_space<semaphore_mem>>) src(%dma_wait3A_896 : memref<8x128xf32, #tpu.memory_space<hbm>>) dst(%dma_wait3A_895 : memref<8x128xf32, #tpu.memory_space<vmem>>)
    %slice3A_897 = vector.extract_strided_slice %and3A_82 {offsets = [12], sizes = [1], strides = [1]} : vector<16xi32> to vector<1xi32>
    %squeeze3A_898 = vector.extract %slice3A_897[0] : i32 from vector<1xi32>
    %get3A_899 = arith.constant 12 : i32
    %get3A_900 = arith.index_cast %get3A_899 : i32 to index
    %get3A_901 = arith.index_cast %squeeze3A_898 : i32 to index
    %get3A_902 = arith.index_cast %multiple_of3A_610 : i32 to index
    %get3A_903 = tpu.vector_load %arg5[%get3A_900, %get3A_901, %get3A_902] {strides = array<i32>} : memref<32x8x128xf32, #tpu.memory_space<vmem>>, vector<1x1x16xf32>,
    %get3A_904 = vector.shape_cast %get3A_903 : vector<1x1x16xf32> to vector<16xf32>
    %eq3A_905 = arith.constant 12 : i32
    %eq3A_906 = vector.broadcast %eq3A_905 : i32 to vector<16xi32>
    %eq3A_907 = arith.cmpi eq, %iota3A, %eq3A_906 : vector<16xi32>
    %select_n3A_908 = arith.select %eq3A_907, %get3A_904, %select_n3A_885 : vector<16xi1>, vector<16xf32>
    %dma_wait3A_909 = arith.constant 13 : i32
    %dma_wait3A_910 = arith.constant 0 : i32
    %dma_wait3A_911 = arith.constant 0 : i32
    %dma_wait3A_912 = tpu.memref_slice %arg5[%dma_wait3A_909, %dma_wait3A_910, %dma_wait3A_911] : memref<32x8x128xf32, #tpu.memory_space<vmem>> -> memref<1x8x128xf32, #tpu.memory_space<vmem>>
    %dma_wait3A_913 = tpu.memref_squeeze %dma_wait3A_912 : memref<1x8x128xf32, #tpu.memory_space<vmem>> -> memref<8x128xf32, #tpu.memory_space<vmem>>
    %dma_wait3A_914 = tpu.memref_slice %arg2[%multiple_of3A_344, %multiple_of3A] : memref<49158x1024xf32, #tpu.memory_space<hbm>> -> memref<8x128xf32, #tpu.memory_space<hbm>>
    %dma_wait3A_915 = arith.constant 0 : i32
    %dma_wait3A_916 = arith.constant 0 : i32
    %dma_wait3A_917 = tpu.memref_slice %arg5[%dma_wait3A_909, %dma_wait3A_915, %dma_wait3A_916] : memref<32x8x128xf32, #tpu.memory_space<vmem>> -> memref<1x8x128xf32, #tpu.memory_space<vmem>>
    %dma_wait3A_918 = tpu.memref_squeeze %dma_wait3A_917 : memref<1x8x128xf32, #tpu.memory_space<vmem>> -> memref<8x128xf32, #tpu.memory_space<vmem>>
    %dma_wait3A_919 = tpu.memref_slice %arg2[%multiple_of3A_344, %multiple_of3A] : memref<49158x1024xf32, #tpu.memory_space<hbm>> -> memref<8x128xf32, #tpu.memory_space<hbm>>
    tpu.wait_dma2 semaphore(%arg7 : memref<!tpu.dma_semaphore, #tpu.memory_space<semaphore_mem>>) src(%dma_wait3A_919 : memref<8x128xf32, #tpu.memory_space<hbm>>) dst(%dma_wait3A_918 : memref<8x128xf32, #tpu.memory_space<vmem>>)
    %slice3A_920 = vector.extract_strided_slice %and3A_82 {offsets = [13], sizes = [1], strides = [1]} : vector<16xi32> to vector<1xi32>
    %squeeze3A_921 = vector.extract %slice3A_920[0] : i32 from vector<1xi32>
    %get3A_922 = arith.constant 13 : i32
    %get3A_923 = arith.index_cast %get3A_922 : i32 to index
    %get3A_924 = arith.index_cast %squeeze3A_921 : i32 to index
    %get3A_925 = arith.index_cast %multiple_of3A_610 : i32 to index
    %get3A_926 = tpu.vector_load %arg5[%get3A_923, %get3A_924, %get3A_925] {strides = array<i32>} : memref<32x8x128xf32, #tpu.memory_space<vmem>>, vector<1x1x16xf32>,
    %get3A_927 = vector.shape_cast %get3A_926 : vector<1x1x16xf32> to vector<16xf32>
    %eq3A_928 = arith.constant 13 : i32
    %eq3A_929 = vector.broadcast %eq3A_928 : i32 to vector<16xi32>
    %eq3A_930 = arith.cmpi eq, %iota3A, %eq3A_929 : vector<16xi32>
    %select_n3A_931 = arith.select %eq3A_930, %get3A_927, %select_n3A_908 : vector<16xi1>, vector<16xf32>
    %dma_wait3A_932 = arith.constant 14 : i32
    %dma_wait3A_933 = arith.constant 0 : i32
    %dma_wait3A_934 = arith.constant 0 : i32
    %dma_wait3A_935 = tpu.memref_slice %arg5[%dma_wait3A_932, %dma_wait3A_933, %dma_wait3A_934] : memref<32x8x128xf32, #tpu.memory_space<vmem>> -> memref<1x8x128xf32, #tpu.memory_space<vmem>>
    %dma_wait3A_936 = tpu.memref_squeeze %dma_wait3A_935 : memref<1x8x128xf32, #tpu.memory_space<vmem>> -> memref<8x128xf32, #tpu.memory_space<vmem>>
    %dma_wait3A_937 = tpu.memref_slice %arg2[%multiple_of3A_358, %multiple_of3A] : memref<49158x1024xf32, #tpu.memory_space<hbm>> -> memref<8x128xf32, #tpu.memory_space<hbm>>
    %dma_wait3A_938 = arith.constant 0 : i32
    %dma_wait3A_939 = arith.constant 0 : i32
    %dma_wait3A_940 = tpu.memref_slice %arg5[%dma_wait3A_932, %dma_wait3A_938, %dma_wait3A_939] : memref<32x8x128xf32, #tpu.memory_space<vmem>> -> memref<1x8x128xf32, #tpu.memory_space<vmem>>
    %dma_wait3A_941 = tpu.memref_squeeze %dma_wait3A_940 : memref<1x8x128xf32, #tpu.memory_space<vmem>> -> memref<8x128xf32, #tpu.memory_space<vmem>>
    %dma_wait3A_942 = tpu.memref_slice %arg2[%multiple_of3A_358, %multiple_of3A] : memref<49158x1024xf32, #tpu.memory_space<hbm>> -> memref<8x128xf32, #tpu.memory_space<hbm>>
    tpu.wait_dma2 semaphore(%arg7 : memref<!tpu.dma_semaphore, #tpu.memory_space<semaphore_mem>>) src(%dma_wait3A_942 : memref<8x128xf32, #tpu.memory_space<hbm>>) dst(%dma_wait3A_941 : memref<8x128xf32, #tpu.memory_space<vmem>>)
    %slice3A_943 = vector.extract_strided_slice %and3A_82 {offsets = [14], sizes = [1], strides = [1]} : vector<16xi32> to vector<1xi32>
    %squeeze3A_944 = vector.extract %slice3A_943[0] : i32 from vector<1xi32>
    %get3A_945 = arith.constant 14 : i32
    %get3A_946 = arith.index_cast %get3A_945 : i32 to index
    %get3A_947 = arith.index_cast %squeeze3A_944 : i32 to index
    %get3A_948 = arith.index_cast %multiple_of3A_610 : i32 to index
    %get3A_949 = tpu.vector_load %arg5[%get3A_946, %get3A_947, %get3A_948] {strides = array<i32>} : memref<32x8x128xf32, #tpu.memory_space<vmem>>, vector<1x1x16xf32>,
    %get3A_950 = vector.shape_cast %get3A_949 : vector<1x1x16xf32> to vector<16xf32>
    %eq3A_951 = arith.constant 14 : i32
    %eq3A_952 = vector.broadcast %eq3A_951 : i32 to vector<16xi32>
    %eq3A_953 = arith.cmpi eq, %iota3A, %eq3A_952 : vector<16xi32>
    %select_n3A_954 = arith.select %eq3A_953, %get3A_950, %select_n3A_931 : vector<16xi1>, vector<16xf32>
    %dma_wait3A_955 = arith.constant 15 : i32
    %dma_wait3A_956 = arith.constant 0 : i32
    %dma_wait3A_957 = arith.constant 0 : i32
    %dma_wait3A_958 = tpu.memref_slice %arg5[%dma_wait3A_955, %dma_wait3A_956, %dma_wait3A_957] : memref<32x8x128xf32, #tpu.memory_space<vmem>> -> memref<1x8x128xf32, #tpu.memory_space<vmem>>
    %dma_wait3A_959 = tpu.memref_squeeze %dma_wait3A_958 : memref<1x8x128xf32, #tpu.memory_space<vmem>> -> memref<8x128xf32, #tpu.memory_space<vmem>>
    %dma_wait3A_960 = tpu.memref_slice %arg2[%multiple_of3A_372, %multiple_of3A] : memref<49158x1024xf32, #tpu.memory_space<hbm>> -> memref<8x128xf32, #tpu.memory_space<hbm>>
    %dma_wait3A_961 = arith.constant 0 : i32
    %dma_wait3A_962 = arith.constant 0 : i32
    %dma_wait3A_963 = tpu.memref_slice %arg5[%dma_wait3A_955, %dma_wait3A_961, %dma_wait3A_962] : memref<32x8x128xf32, #tpu.memory_space<vmem>> -> memref<1x8x128xf32, #tpu.memory_space<vmem>>
    %dma_wait3A_964 = tpu.memref_squeeze %dma_wait3A_963 : memref<1x8x128xf32, #tpu.memory_space<vmem>> -> memref<8x128xf32, #tpu.memory_space<vmem>>
    %dma_wait3A_965 = tpu.memref_slice %arg2[%multiple_of3A_372, %multiple_of3A] : memref<49158x1024xf32, #tpu.memory_space<hbm>> -> memref<8x128xf32, #tpu.memory_space<hbm>>
    tpu.wait_dma2 semaphore(%arg7 : memref<!tpu.dma_semaphore, #tpu.memory_space<semaphore_mem>>) src(%dma_wait3A_965 : memref<8x128xf32, #tpu.memory_space<hbm>>) dst(%dma_wait3A_964 : memref<8x128xf32, #tpu.memory_space<vmem>>)
    %slice3A_966 = vector.extract_strided_slice %and3A_82 {offsets = [15], sizes = [1], strides = [1]} : vector<16xi32> to vector<1xi32>
    %squeeze3A_967 = vector.extract %slice3A_966[0] : i32 from vector<1xi32>
    %get3A_968 = arith.constant 15 : i32
    %get3A_969 = arith.index_cast %get3A_968 : i32 to index
    %get3A_970 = arith.index_cast %squeeze3A_967 : i32 to index
    %get3A_971 = arith.index_cast %multiple_of3A_610 : i32 to index
    %get3A_972 = tpu.vector_load %arg5[%get3A_969, %get3A_970, %get3A_971] {strides = array<i32>} : memref<32x8x128xf32, #tpu.memory_space<vmem>>, vector<1x1x16xf32>,
    %get3A_973 = vector.shape_cast %get3A_972 : vector<1x1x16xf32> to vector<16xf32>
    %eq3A_974 = arith.constant 15 : i32
    %eq3A_975 = vector.broadcast %eq3A_974 : i32 to vector<16xi32>
    %eq3A_976 = arith.cmpi eq, %iota3A, %eq3A_975 : vector<16xi32>
    %select_n3A_977 = arith.select %eq3A_976, %get3A_973, %select_n3A_954 : vector<16xi1>, vector<16xf32>
    %jit3A_978 = arith.constant -1.000000e-01 : f32
    %broadcast_in_dim3A_979 = vector.broadcast %jit3A_978 : f32 to vector<16xf32>
    %select_n3A_980 = arith.select %or3A_73, %broadcast_in_dim3A_979, %select_n3A_977 : vector<16xi1>, vector<16xf32>
    %swap3A = arith.constant 0 : index
    %swap3A_981 = tpu.vector_load %arg6[%swap3A] {strides = array<i32>} : memref<32xf32, #tpu.memory_space<vmem>>, vector<16xf32>,
    %swap3A_982 = vector.shape_cast %swap3A_981 : vector<16xf32> to vector<16xf32>
    %swap3A_983 = vector.shape_cast %select_n3A_980 : vector<16xf32> to vector<16xf32>
    tpu.vector_store %arg6[%swap3A], %swap3A_983 {strides = array<i32>} : memref<32xf32, #tpu.memory_space<vmem>>, vector<16xf32>,
    %add3A_984 = arith.constant 16 : i32
    %add3A_985 = arith.addi %and3A_5, %add3A_984 : i32
    %multiple_of3A_986 = tpu.assume_multiple %add3A_985, 16 : i32
    %broadcast_in_dim3A_987 = arith.constant 0.000000e+00 : f32
    %broadcast_in_dim3A_988 = vector.broadcast %broadcast_in_dim3A_987 : f32 to vector<16xf32>
    %dma_wait3A_989 = arith.constant 16 : i32
    %dma_wait3A_990 = arith.constant 0 : i32
    %dma_wait3A_991 = arith.constant 0 : i32
    %dma_wait3A_992 = tpu.memref_slice %arg5[%dma_wait3A_989, %dma_wait3A_990, %dma_wait3A_991] : memref<32x8x128xf32, #tpu.memory_space<vmem>> -> memref<1x8x128xf32, #tpu.memory_space<vmem>>
    %dma_wait3A_993 = tpu.memref_squeeze %dma_wait3A_992 : memref<1x8x128xf32, #tpu.memory_space<vmem>> -> memref<8x128xf32, #tpu.memory_space<vmem>>
    %dma_wait3A_994 = tpu.memref_slice %arg2[%multiple_of3A_386, %multiple_of3A] : memref<49158x1024xf32, #tpu.memory_space<hbm>> -> memref<8x128xf32, #tpu.memory_space<hbm>>
    %dma_wait3A_995 = arith.constant 0 : i32
    %dma_wait3A_996 = arith.constant 0 : i32
    %dma_wait3A_997 = tpu.memref_slice %arg5[%dma_wait3A_989, %dma_wait3A_995, %dma_wait3A_996] : memref<32x8x128xf32, #tpu.memory_space<vmem>> -> memref<1x8x128xf32, #tpu.memory_space<vmem>>
    %dma_wait3A_998 = tpu.memref_squeeze %dma_wait3A_997 : memref<1x8x128xf32, #tpu.memory_space<vmem>> -> memref<8x128xf32, #tpu.memory_space<vmem>>
    %dma_wait3A_999 = tpu.memref_slice %arg2[%multiple_of3A_386, %multiple_of3A] : memref<49158x1024xf32, #tpu.memory_space<hbm>> -> memref<8x128xf32, #tpu.memory_space<hbm>>
    tpu.wait_dma2 semaphore(%arg7 : memref<!tpu.dma_semaphore, #tpu.memory_space<semaphore_mem>>) src(%dma_wait3A_999 : memref<8x128xf32, #tpu.memory_space<hbm>>) dst(%dma_wait3A_998 : memref<8x128xf32, #tpu.memory_space<vmem>>)
    %slice3A_1000 = vector.extract_strided_slice %and3A_161 {offsets = [0], sizes = [1], strides = [1]} : vector<16xi32> to vector<1xi32>
    %squeeze3A_1001 = vector.extract %slice3A_1000[0] : i32 from vector<1xi32>
    %get3A_1002 = arith.constant 16 : i32
    %get3A_1003 = arith.index_cast %get3A_1002 : i32 to index
    %get3A_1004 = arith.index_cast %squeeze3A_1001 : i32 to index
    %get3A_1005 = arith.index_cast %multiple_of3A_986 : i32 to index
    %get3A_1006 = tpu.vector_load %arg5[%get3A_1003, %get3A_1004, %get3A_1005] {strides = array<i32>} : memref<32x8x128xf32, #tpu.memory_space<vmem>>, vector<1x1x16xf32>,
    %get3A_1007 = vector.shape_cast %get3A_1006 : vector<1x1x16xf32> to vector<16xf32>
    %eq3A_1008 = arith.constant 0 : i32
    %eq3A_1009 = vector.broadcast %eq3A_1008 : i32 to vector<16xi32>
    %eq3A_1010 = arith.cmpi eq, %iota3A, %eq3A_1009 : vector<16xi32>
    %select_n3A_1011 = arith.select %eq3A_1010, %get3A_1007, %broadcast_in_dim3A_988 : vector<16xi1>, vector<16xf32>
    %dma_wait3A_1012 = arith.constant 17 : i32
    %dma_wait3A_1013 = arith.constant 0 : i32
    %dma_wait3A_1014 = arith.constant 0 : i32
    %dma_wait3A_1015 = tpu.memref_slice %arg5[%dma_wait3A_1012, %dma_wait3A_1013, %dma_wait3A_1014] : memref<32x8x128xf32, #tpu.memory_space<vmem>> -> memref<1x8x128xf32, #tpu.memory_space<vmem>>
    %dma_wait3A_1016 = tpu.memref_squeeze %dma_wait3A_1015 : memref<1x8x128xf32, #tpu.memory_space<vmem>> -> memref<8x128xf32, #tpu.memory_space<vmem>>
    %dma_wait3A_1017 = tpu.memref_slice %arg2[%multiple_of3A_400, %multiple_of3A] : memref<49158x1024xf32, #tpu.memory_space<hbm>> -> memref<8x128xf32, #tpu.memory_space<hbm>>
    %dma_wait3A_1018 = arith.constant 0 : i32
    %dma_wait3A_1019 = arith.constant 0 : i32
    %dma_wait3A_1020 = tpu.memref_slice %arg5[%dma_wait3A_1012, %dma_wait3A_1018, %dma_wait3A_1019] : memref<32x8x128xf32, #tpu.memory_space<vmem>> -> memref<1x8x128xf32, #tpu.memory_space<vmem>>
    %dma_wait3A_1021 = tpu.memref_squeeze %dma_wait3A_1020 : memref<1x8x128xf32, #tpu.memory_space<vmem>> -> memref<8x128xf32, #tpu.memory_space<vmem>>
    %dma_wait3A_1022 = tpu.memref_slice %arg2[%multiple_of3A_400, %multiple_of3A] : memref<49158x1024xf32, #tpu.memory_space<hbm>> -> memref<8x128xf32, #tpu.memory_space<hbm>>
    tpu.wait_dma2 semaphore(%arg7 : memref<!tpu.dma_semaphore, #tpu.memory_space<semaphore_mem>>) src(%dma_wait3A_1022 : memref<8x128xf32, #tpu.memory_space<hbm>>) dst(%dma_wait3A_1021 : memref<8x128xf32, #tpu.memory_space<vmem>>)
    %slice3A_1023 = vector.extract_strided_slice %and3A_161 {offsets = [1], sizes = [1], strides = [1]} : vector<16xi32> to vector<1xi32>
    %squeeze3A_1024 = vector.extract %slice3A_1023[0] : i32 from vector<1xi32>
    %get3A_1025 = arith.constant 17 : i32
    %get3A_1026 = arith.index_cast %get3A_1025 : i32 to index
    %get3A_1027 = arith.index_cast %squeeze3A_1024 : i32 to index
    %get3A_1028 = arith.index_cast %multiple_of3A_986 : i32 to index
    %get3A_1029 = tpu.vector_load %arg5[%get3A_1026, %get3A_1027, %get3A_1028] {strides = array<i32>} : memref<32x8x128xf32, #tpu.memory_space<vmem>>, vector<1x1x16xf32>,
    %get3A_1030 = vector.shape_cast %get3A_1029 : vector<1x1x16xf32> to vector<16xf32>
    %eq3A_1031 = arith.constant 1 : i32
    %eq3A_1032 = vector.broadcast %eq3A_1031 : i32 to vector<16xi32>
    %eq3A_1033 = arith.cmpi eq, %iota3A, %eq3A_1032 : vector<16xi32>
    %select_n3A_1034 = arith.select %eq3A_1033, %get3A_1030, %select_n3A_1011 : vector<16xi1>, vector<16xf32>
    %dma_wait3A_1035 = arith.constant 18 : i32
    %dma_wait3A_1036 = arith.constant 0 : i32
    %dma_wait3A_1037 = arith.constant 0 : i32
    %dma_wait3A_1038 = tpu.memref_slice %arg5[%dma_wait3A_1035, %dma_wait3A_1036, %dma_wait3A_1037] : memref<32x8x128xf32, #tpu.memory_space<vmem>> -> memref<1x8x128xf32, #tpu.memory_space<vmem>>
    %dma_wait3A_1039 = tpu.memref_squeeze %dma_wait3A_1038 : memref<1x8x128xf32, #tpu.memory_space<vmem>> -> memref<8x128xf32, #tpu.memory_space<vmem>>
    %dma_wait3A_1040 = tpu.memref_slice %arg2[%multiple_of3A_414, %multiple_of3A] : memref<49158x1024xf32, #tpu.memory_space<hbm>> -> memref<8x128xf32, #tpu.memory_space<hbm>>
    %dma_wait3A_1041 = arith.constant 0 : i32
    %dma_wait3A_1042 = arith.constant 0 : i32
    %dma_wait3A_1043 = tpu.memref_slice %arg5[%dma_wait3A_1035, %dma_wait3A_1041, %dma_wait3A_1042] : memref<32x8x128xf32, #tpu.memory_space<vmem>> -> memref<1x8x128xf32, #tpu.memory_space<vmem>>
    %dma_wait3A_1044 = tpu.memref_squeeze %dma_wait3A_1043 : memref<1x8x128xf32, #tpu.memory_space<vmem>> -> memref<8x128xf32, #tpu.memory_space<vmem>>
    %dma_wait3A_1045 = tpu.memref_slice %arg2[%multiple_of3A_414, %multiple_of3A] : memref<49158x1024xf32, #tpu.memory_space<hbm>> -> memref<8x128xf32, #tpu.memory_space<hbm>>
    tpu.wait_dma2 semaphore(%arg7 : memref<!tpu.dma_semaphore, #tpu.memory_space<semaphore_mem>>) src(%dma_wait3A_1045 : memref<8x128xf32, #tpu.memory_space<hbm>>) dst(%dma_wait3A_1044 : memref<8x128xf32, #tpu.memory_space<vmem>>)
    %slice3A_1046 = vector.extract_strided_slice %and3A_161 {offsets = [2], sizes = [1], strides = [1]} : vector<16xi32> to vector<1xi32>
    %squeeze3A_1047 = vector.extract %slice3A_1046[0] : i32 from vector<1xi32>
    %get3A_1048 = arith.constant 18 : i32
    %get3A_1049 = arith.index_cast %get3A_1048 : i32 to index
    %get3A_1050 = arith.index_cast %squeeze3A_1047 : i32 to index
    %get3A_1051 = arith.index_cast %multiple_of3A_986 : i32 to index
    %get3A_1052 = tpu.vector_load %arg5[%get3A_1049, %get3A_1050, %get3A_1051] {strides = array<i32>} : memref<32x8x128xf32, #tpu.memory_space<vmem>>, vector<1x1x16xf32>,
    %get3A_1053 = vector.shape_cast %get3A_1052 : vector<1x1x16xf32> to vector<16xf32>
    %eq3A_1054 = arith.constant 2 : i32
    %eq3A_1055 = vector.broadcast %eq3A_1054 : i32 to vector<16xi32>
    %eq3A_1056 = arith.cmpi eq, %iota3A, %eq3A_1055 : vector<16xi32>
    %select_n3A_1057 = arith.select %eq3A_1056, %get3A_1053, %select_n3A_1034 : vector<16xi1>, vector<16xf32>
    %dma_wait3A_1058 = arith.constant 19 : i32
    %dma_wait3A_1059 = arith.constant 0 : i32
    %dma_wait3A_1060 = arith.constant 0 : i32
    %dma_wait3A_1061 = tpu.memref_slice %arg5[%dma_wait3A_1058, %dma_wait3A_1059, %dma_wait3A_1060] : memref<32x8x128xf32, #tpu.memory_space<vmem>> -> memref<1x8x128xf32, #tpu.memory_space<vmem>>
    %dma_wait3A_1062 = tpu.memref_squeeze %dma_wait3A_1061 : memref<1x8x128xf32, #tpu.memory_space<vmem>> -> memref<8x128xf32, #tpu.memory_space<vmem>>
    %dma_wait3A_1063 = tpu.memref_slice %arg2[%multiple_of3A_428, %multiple_of3A] : memref<49158x1024xf32, #tpu.memory_space<hbm>> -> memref<8x128xf32, #tpu.memory_space<hbm>>
    %dma_wait3A_1064 = arith.constant 0 : i32
    %dma_wait3A_1065 = arith.constant 0 : i32
    %dma_wait3A_1066 = tpu.memref_slice %arg5[%dma_wait3A_1058, %dma_wait3A_1064, %dma_wait3A_1065] : memref<32x8x128xf32, #tpu.memory_space<vmem>> -> memref<1x8x128xf32, #tpu.memory_space<vmem>>
    %dma_wait3A_1067 = tpu.memref_squeeze %dma_wait3A_1066 : memref<1x8x128xf32, #tpu.memory_space<vmem>> -> memref<8x128xf32, #tpu.memory_space<vmem>>
    %dma_wait3A_1068 = tpu.memref_slice %arg2[%multiple_of3A_428, %multiple_of3A] : memref<49158x1024xf32, #tpu.memory_space<hbm>> -> memref<8x128xf32, #tpu.memory_space<hbm>>
    tpu.wait_dma2 semaphore(%arg7 : memref<!tpu.dma_semaphore, #tpu.memory_space<semaphore_mem>>) src(%dma_wait3A_1068 : memref<8x128xf32, #tpu.memory_space<hbm>>) dst(%dma_wait3A_1067 : memref<8x128xf32, #tpu.memory_space<vmem>>)
    %slice3A_1069 = vector.extract_strided_slice %and3A_161 {offsets = [3], sizes = [1], strides = [1]} : vector<16xi32> to vector<1xi32>
    %squeeze3A_1070 = vector.extract %slice3A_1069[0] : i32 from vector<1xi32>
    %get3A_1071 = arith.constant 19 : i32
    %get3A_1072 = arith.index_cast %get3A_1071 : i32 to index
    %get3A_1073 = arith.index_cast %squeeze3A_1070 : i32 to index
    %get3A_1074 = arith.index_cast %multiple_of3A_986 : i32 to index
    %get3A_1075 = tpu.vector_load %arg5[%get3A_1072, %get3A_1073, %get3A_1074] {strides = array<i32>} : memref<32x8x128xf32, #tpu.memory_space<vmem>>, vector<1x1x16xf32>,
    %get3A_1076 = vector.shape_cast %get3A_1075 : vector<1x1x16xf32> to vector<16xf32>
    %eq3A_1077 = arith.constant 3 : i32
    %eq3A_1078 = vector.broadcast %eq3A_1077 : i32 to vector<16xi32>
    %eq3A_1079 = arith.cmpi eq, %iota3A, %eq3A_1078 : vector<16xi32>
    %select_n3A_1080 = arith.select %eq3A_1079, %get3A_1076, %select_n3A_1057 : vector<16xi1>, vector<16xf32>
    %dma_wait3A_1081 = arith.constant 20 : i32
    %dma_wait3A_1082 = arith.constant 0 : i32
    %dma_wait3A_1083 = arith.constant 0 : i32
    %dma_wait3A_1084 = tpu.memref_slice %arg5[%dma_wait3A_1081, %dma_wait3A_1082, %dma_wait3A_1083] : memref<32x8x128xf32, #tpu.memory_space<vmem>> -> memref<1x8x128xf32, #tpu.memory_space<vmem>>
    %dma_wait3A_1085 = tpu.memref_squeeze %dma_wait3A_1084 : memref<1x8x128xf32, #tpu.memory_space<vmem>> -> memref<8x128xf32, #tpu.memory_space<vmem>>
    %dma_wait3A_1086 = tpu.memref_slice %arg2[%multiple_of3A_442, %multiple_of3A] : memref<49158x1024xf32, #tpu.memory_space<hbm>> -> memref<8x128xf32, #tpu.memory_space<hbm>>
    %dma_wait3A_1087 = arith.constant 0 : i32
    %dma_wait3A_1088 = arith.constant 0 : i32
    %dma_wait3A_1089 = tpu.memref_slice %arg5[%dma_wait3A_1081, %dma_wait3A_1087, %dma_wait3A_1088] : memref<32x8x128xf32, #tpu.memory_space<vmem>> -> memref<1x8x128xf32, #tpu.memory_space<vmem>>
    %dma_wait3A_1090 = tpu.memref_squeeze %dma_wait3A_1089 : memref<1x8x128xf32, #tpu.memory_space<vmem>> -> memref<8x128xf32, #tpu.memory_space<vmem>>
    %dma_wait3A_1091 = tpu.memref_slice %arg2[%multiple_of3A_442, %multiple_of3A] : memref<49158x1024xf32, #tpu.memory_space<hbm>> -> memref<8x128xf32, #tpu.memory_space<hbm>>
    tpu.wait_dma2 semaphore(%arg7 : memref<!tpu.dma_semaphore, #tpu.memory_space<semaphore_mem>>) src(%dma_wait3A_1091 : memref<8x128xf32, #tpu.memory_space<hbm>>) dst(%dma_wait3A_1090 : memref<8x128xf32, #tpu.memory_space<vmem>>)
    %slice3A_1092 = vector.extract_strided_slice %and3A_161 {offsets = [4], sizes = [1], strides = [1]} : vector<16xi32> to vector<1xi32>
    %squeeze3A_1093 = vector.extract %slice3A_1092[0] : i32 from vector<1xi32>
    %get3A_1094 = arith.constant 20 : i32
    %get3A_1095 = arith.index_cast %get3A_1094 : i32 to index
    %get3A_1096 = arith.index_cast %squeeze3A_1093 : i32 to index
    %get3A_1097 = arith.index_cast %multiple_of3A_986 : i32 to index
    %get3A_1098 = tpu.vector_load %arg5[%get3A_1095, %get3A_1096, %get3A_1097] {strides = array<i32>} : memref<32x8x128xf32, #tpu.memory_space<vmem>>, vector<1x1x16xf32>,
    %get3A_1099 = vector.shape_cast %get3A_1098 : vector<1x1x16xf32> to vector<16xf32>
    %eq3A_1100 = arith.constant 4 : i32
    %eq3A_1101 = vector.broadcast %eq3A_1100 : i32 to vector<16xi32>
    %eq3A_1102 = arith.cmpi eq, %iota3A, %eq3A_1101 : vector<16xi32>
    %select_n3A_1103 = arith.select %eq3A_1102, %get3A_1099, %select_n3A_1080 : vector<16xi1>, vector<16xf32>
    %dma_wait3A_1104 = arith.constant 21 : i32
    %dma_wait3A_1105 = arith.constant 0 : i32
    %dma_wait3A_1106 = arith.constant 0 : i32
    %dma_wait3A_1107 = tpu.memref_slice %arg5[%dma_wait3A_1104, %dma_wait3A_1105, %dma_wait3A_1106] : memref<32x8x128xf32, #tpu.memory_space<vmem>> -> memref<1x8x128xf32, #tpu.memory_space<vmem>>
    %dma_wait3A_1108 = tpu.memref_squeeze %dma_wait3A_1107 : memref<1x8x128xf32, #tpu.memory_space<vmem>> -> memref<8x128xf32, #tpu.memory_space<vmem>>
    %dma_wait3A_1109 = tpu.memref_slice %arg2[%multiple_of3A_456, %multiple_of3A] : memref<49158x1024xf32, #tpu.memory_space<hbm>> -> memref<8x128xf32, #tpu.memory_space<hbm>>
    %dma_wait3A_1110 = arith.constant 0 : i32
    %dma_wait3A_1111 = arith.constant 0 : i32
    %dma_wait3A_1112 = tpu.memref_slice %arg5[%dma_wait3A_1104, %dma_wait3A_1110, %dma_wait3A_1111] : memref<32x8x128xf32, #tpu.memory_space<vmem>> -> memref<1x8x128xf32, #tpu.memory_space<vmem>>
    %dma_wait3A_1113 = tpu.memref_squeeze %dma_wait3A_1112 : memref<1x8x128xf32, #tpu.memory_space<vmem>> -> memref<8x128xf32, #tpu.memory_space<vmem>>
    %dma_wait3A_1114 = tpu.memref_slice %arg2[%multiple_of3A_456, %multiple_of3A] : memref<49158x1024xf32, #tpu.memory_space<hbm>> -> memref<8x128xf32, #tpu.memory_space<hbm>>
    tpu.wait_dma2 semaphore(%arg7 : memref<!tpu.dma_semaphore, #tpu.memory_space<semaphore_mem>>) src(%dma_wait3A_1114 : memref<8x128xf32, #tpu.memory_space<hbm>>) dst(%dma_wait3A_1113 : memref<8x128xf32, #tpu.memory_space<vmem>>)
    %slice3A_1115 = vector.extract_strided_slice %and3A_161 {offsets = [5], sizes = [1], strides = [1]} : vector<16xi32> to vector<1xi32>
    %squeeze3A_1116 = vector.extract %slice3A_1115[0] : i32 from vector<1xi32>
    %get3A_1117 = arith.constant 21 : i32
    %get3A_1118 = arith.index_cast %get3A_1117 : i32 to index
    %get3A_1119 = arith.index_cast %squeeze3A_1116 : i32 to index
    %get3A_1120 = arith.index_cast %multiple_of3A_986 : i32 to index
    %get3A_1121 = tpu.vector_load %arg5[%get3A_1118, %get3A_1119, %get3A_1120] {strides = array<i32>} : memref<32x8x128xf32, #tpu.memory_space<vmem>>, vector<1x1x16xf32>,
    %get3A_1122 = vector.shape_cast %get3A_1121 : vector<1x1x16xf32> to vector<16xf32>
    %eq3A_1123 = arith.constant 5 : i32
    %eq3A_1124 = vector.broadcast %eq3A_1123 : i32 to vector<16xi32>
    %eq3A_1125 = arith.cmpi eq, %iota3A, %eq3A_1124 : vector<16xi32>
    %select_n3A_1126 = arith.select %eq3A_1125, %get3A_1122, %select_n3A_1103 : vector<16xi1>, vector<16xf32>
    %dma_wait3A_1127 = arith.constant 22 : i32
    %dma_wait3A_1128 = arith.constant 0 : i32
    %dma_wait3A_1129 = arith.constant 0 : i32
    %dma_wait3A_1130 = tpu.memref_slice %arg5[%dma_wait3A_1127, %dma_wait3A_1128, %dma_wait3A_1129] : memref<32x8x128xf32, #tpu.memory_space<vmem>> -> memref<1x8x128xf32, #tpu.memory_space<vmem>>
    %dma_wait3A_1131 = tpu.memref_squeeze %dma_wait3A_1130 : memref<1x8x128xf32, #tpu.memory_space<vmem>> -> memref<8x128xf32, #tpu.memory_space<vmem>>
    %dma_wait3A_1132 = tpu.memref_slice %arg2[%multiple_of3A_470, %multiple_of3A] : memref<49158x1024xf32, #tpu.memory_space<hbm>> -> memref<8x128xf32, #tpu.memory_space<hbm>>
    %dma_wait3A_1133 = arith.constant 0 : i32
    %dma_wait3A_1134 = arith.constant 0 : i32
    %dma_wait3A_1135 = tpu.memref_slice %arg5[%dma_wait3A_1127, %dma_wait3A_1133, %dma_wait3A_1134] : memref<32x8x128xf32, #tpu.memory_space<vmem>> -> memref<1x8x128xf32, #tpu.memory_space<vmem>>
    %dma_wait3A_1136 = tpu.memref_squeeze %dma_wait3A_1135 : memref<1x8x128xf32, #tpu.memory_space<vmem>> -> memref<8x128xf32, #tpu.memory_space<vmem>>
    %dma_wait3A_1137 = tpu.memref_slice %arg2[%multiple_of3A_470, %multiple_of3A] : memref<49158x1024xf32, #tpu.memory_space<hbm>> -> memref<8x128xf32, #tpu.memory_space<hbm>>
    tpu.wait_dma2 semaphore(%arg7 : memref<!tpu.dma_semaphore, #tpu.memory_space<semaphore_mem>>) src(%dma_wait3A_1137 : memref<8x128xf32, #tpu.memory_space<hbm>>) dst(%dma_wait3A_1136 : memref<8x128xf32, #tpu.memory_space<vmem>>)
    %slice3A_1138 = vector.extract_strided_slice %and3A_161 {offsets = [6], sizes = [1], strides = [1]} : vector<16xi32> to vector<1xi32>
    %squeeze3A_1139 = vector.extract %slice3A_1138[0] : i32 from vector<1xi32>
    %get3A_1140 = arith.constant 22 : i32
    %get3A_1141 = arith.index_cast %get3A_1140 : i32 to index
    %get3A_1142 = arith.index_cast %squeeze3A_1139 : i32 to index
    %get3A_1143 = arith.index_cast %multiple_of3A_986 : i32 to index
    %get3A_1144 = tpu.vector_load %arg5[%get3A_1141, %get3A_1142, %get3A_1143] {strides = array<i32>} : memref<32x8x128xf32, #tpu.memory_space<vmem>>, vector<1x1x16xf32>,
    %get3A_1145 = vector.shape_cast %get3A_1144 : vector<1x1x16xf32> to vector<16xf32>
    %eq3A_1146 = arith.constant 6 : i32
    %eq3A_1147 = vector.broadcast %eq3A_1146 : i32 to vector<16xi32>
    %eq3A_1148 = arith.cmpi eq, %iota3A, %eq3A_1147 : vector<16xi32>
    %select_n3A_1149 = arith.select %eq3A_1148, %get3A_1145, %select_n3A_1126 : vector<16xi1>, vector<16xf32>
    %dma_wait3A_1150 = arith.constant 23 : i32
    %dma_wait3A_1151 = arith.constant 0 : i32
    %dma_wait3A_1152 = arith.constant 0 : i32
    %dma_wait3A_1153 = tpu.memref_slice %arg5[%dma_wait3A_1150, %dma_wait3A_1151, %dma_wait3A_1152] : memref<32x8x128xf32, #tpu.memory_space<vmem>> -> memref<1x8x128xf32, #tpu.memory_space<vmem>>
    %dma_wait3A_1154 = tpu.memref_squeeze %dma_wait3A_1153 : memref<1x8x128xf32, #tpu.memory_space<vmem>> -> memref<8x128xf32, #tpu.memory_space<vmem>>
    %dma_wait3A_1155 = tpu.memref_slice %arg2[%multiple_of3A_484, %multiple_of3A] : memref<49158x1024xf32, #tpu.memory_space<hbm>> -> memref<8x128xf32, #tpu.memory_space<hbm>>
    %dma_wait3A_1156 = arith.constant 0 : i32
    %dma_wait3A_1157 = arith.constant 0 : i32
    %dma_wait3A_1158 = tpu.memref_slice %arg5[%dma_wait3A_1150, %dma_wait3A_1156, %dma_wait3A_1157] : memref<32x8x128xf32, #tpu.memory_space<vmem>> -> memref<1x8x128xf32, #tpu.memory_space<vmem>>
    %dma_wait3A_1159 = tpu.memref_squeeze %dma_wait3A_1158 : memref<1x8x128xf32, #tpu.memory_space<vmem>> -> memref<8x128xf32, #tpu.memory_space<vmem>>
    %dma_wait3A_1160 = tpu.memref_slice %arg2[%multiple_of3A_484, %multiple_of3A] : memref<49158x1024xf32, #tpu.memory_space<hbm>> -> memref<8x128xf32, #tpu.memory_space<hbm>>
    tpu.wait_dma2 semaphore(%arg7 : memref<!tpu.dma_semaphore, #tpu.memory_space<semaphore_mem>>) src(%dma_wait3A_1160 : memref<8x128xf32, #tpu.memory_space<hbm>>) dst(%dma_wait3A_1159 : memref<8x128xf32, #tpu.memory_space<vmem>>)
    %slice3A_1161 = vector.extract_strided_slice %and3A_161 {offsets = [7], sizes = [1], strides = [1]} : vector<16xi32> to vector<1xi32>
    %squeeze3A_1162 = vector.extract %slice3A_1161[0] : i32 from vector<1xi32>
    %get3A_1163 = arith.constant 23 : i32
    %get3A_1164 = arith.index_cast %get3A_1163 : i32 to index
    %get3A_1165 = arith.index_cast %squeeze3A_1162 : i32 to index
    %get3A_1166 = arith.index_cast %multiple_of3A_986 : i32 to index
    %get3A_1167 = tpu.vector_load %arg5[%get3A_1164, %get3A_1165, %get3A_1166] {strides = array<i32>} : memref<32x8x128xf32, #tpu.memory_space<vmem>>, vector<1x1x16xf32>,
    %get3A_1168 = vector.shape_cast %get3A_1167 : vector<1x1x16xf32> to vector<16xf32>
    %eq3A_1169 = arith.constant 7 : i32
    %eq3A_1170 = vector.broadcast %eq3A_1169 : i32 to vector<16xi32>
    %eq3A_1171 = arith.cmpi eq, %iota3A, %eq3A_1170 : vector<16xi32>
    %select_n3A_1172 = arith.select %eq3A_1171, %get3A_1168, %select_n3A_1149 : vector<16xi1>, vector<16xf32>
    %dma_wait3A_1173 = arith.constant 24 : i32
    %dma_wait3A_1174 = arith.constant 0 : i32
    %dma_wait3A_1175 = arith.constant 0 : i32
    %dma_wait3A_1176 = tpu.memref_slice %arg5[%dma_wait3A_1173, %dma_wait3A_1174, %dma_wait3A_1175] : memref<32x8x128xf32, #tpu.memory_space<vmem>> -> memref<1x8x128xf32, #tpu.memory_space<vmem>>
    %dma_wait3A_1177 = tpu.memref_squeeze %dma_wait3A_1176 : memref<1x8x128xf32, #tpu.memory_space<vmem>> -> memref<8x128xf32, #tpu.memory_space<vmem>>
    %dma_wait3A_1178 = tpu.memref_slice %arg2[%multiple_of3A_498, %multiple_of3A] : memref<49158x1024xf32, #tpu.memory_space<hbm>> -> memref<8x128xf32, #tpu.memory_space<hbm>>
    %dma_wait3A_1179 = arith.constant 0 : i32
    %dma_wait3A_1180 = arith.constant 0 : i32
    %dma_wait3A_1181 = tpu.memref_slice %arg5[%dma_wait3A_1173, %dma_wait3A_1179, %dma_wait3A_1180] : memref<32x8x128xf32, #tpu.memory_space<vmem>> -> memref<1x8x128xf32, #tpu.memory_space<vmem>>
    %dma_wait3A_1182 = tpu.memref_squeeze %dma_wait3A_1181 : memref<1x8x128xf32, #tpu.memory_space<vmem>> -> memref<8x128xf32, #tpu.memory_space<vmem>>
    %dma_wait3A_1183 = tpu.memref_slice %arg2[%multiple_of3A_498, %multiple_of3A] : memref<49158x1024xf32, #tpu.memory_space<hbm>> -> memref<8x128xf32, #tpu.memory_space<hbm>>
    tpu.wait_dma2 semaphore(%arg7 : memref<!tpu.dma_semaphore, #tpu.memory_space<semaphore_mem>>) src(%dma_wait3A_1183 : memref<8x128xf32, #tpu.memory_space<hbm>>) dst(%dma_wait3A_1182 : memref<8x128xf32, #tpu.memory_space<vmem>>)
    %slice3A_1184 = vector.extract_strided_slice %and3A_161 {offsets = [8], sizes = [1], strides = [1]} : vector<16xi32> to vector<1xi32>
    %squeeze3A_1185 = vector.extract %slice3A_1184[0] : i32 from vector<1xi32>
    %get3A_1186 = arith.constant 24 : i32
    %get3A_1187 = arith.index_cast %get3A_1186 : i32 to index
    %get3A_1188 = arith.index_cast %squeeze3A_1185 : i32 to index
    %get3A_1189 = arith.index_cast %multiple_of3A_986 : i32 to index
    %get3A_1190 = tpu.vector_load %arg5[%get3A_1187, %get3A_1188, %get3A_1189] {strides = array<i32>} : memref<32x8x128xf32, #tpu.memory_space<vmem>>, vector<1x1x16xf32>,
    %get3A_1191 = vector.shape_cast %get3A_1190 : vector<1x1x16xf32> to vector<16xf32>
    %eq3A_1192 = arith.constant 8 : i32
    %eq3A_1193 = vector.broadcast %eq3A_1192 : i32 to vector<16xi32>
    %eq3A_1194 = arith.cmpi eq, %iota3A, %eq3A_1193 : vector<16xi32>
    %select_n3A_1195 = arith.select %eq3A_1194, %get3A_1191, %select_n3A_1172 : vector<16xi1>, vector<16xf32>
    %dma_wait3A_1196 = arith.constant 25 : i32
    %dma_wait3A_1197 = arith.constant 0 : i32
    %dma_wait3A_1198 = arith.constant 0 : i32
    %dma_wait3A_1199 = tpu.memref_slice %arg5[%dma_wait3A_1196, %dma_wait3A_1197, %dma_wait3A_1198] : memref<32x8x128xf32, #tpu.memory_space<vmem>> -> memref<1x8x128xf32, #tpu.memory_space<vmem>>
    %dma_wait3A_1200 = tpu.memref_squeeze %dma_wait3A_1199 : memref<1x8x128xf32, #tpu.memory_space<vmem>> -> memref<8x128xf32, #tpu.memory_space<vmem>>
    %dma_wait3A_1201 = tpu.memref_slice %arg2[%multiple_of3A_512, %multiple_of3A] : memref<49158x1024xf32, #tpu.memory_space<hbm>> -> memref<8x128xf32, #tpu.memory_space<hbm>>
    %dma_wait3A_1202 = arith.constant 0 : i32
    %dma_wait3A_1203 = arith.constant 0 : i32
    %dma_wait3A_1204 = tpu.memref_slice %arg5[%dma_wait3A_1196, %dma_wait3A_1202, %dma_wait3A_1203] : memref<32x8x128xf32, #tpu.memory_space<vmem>> -> memref<1x8x128xf32, #tpu.memory_space<vmem>>
    %dma_wait3A_1205 = tpu.memref_squeeze %dma_wait3A_1204 : memref<1x8x128xf32, #tpu.memory_space<vmem>> -> memref<8x128xf32, #tpu.memory_space<vmem>>
    %dma_wait3A_1206 = tpu.memref_slice %arg2[%multiple_of3A_512, %multiple_of3A] : memref<49158x1024xf32, #tpu.memory_space<hbm>> -> memref<8x128xf32, #tpu.memory_space<hbm>>
    tpu.wait_dma2 semaphore(%arg7 : memref<!tpu.dma_semaphore, #tpu.memory_space<semaphore_mem>>) src(%dma_wait3A_1206 : memref<8x128xf32, #tpu.memory_space<hbm>>) dst(%dma_wait3A_1205 : memref<8x128xf32, #tpu.memory_space<vmem>>)
    %slice3A_1207 = vector.extract_strided_slice %and3A_161 {offsets = [9], sizes = [1], strides = [1]} : vector<16xi32> to vector<1xi32>
    %squeeze3A_1208 = vector.extract %slice3A_1207[0] : i32 from vector<1xi32>
    %get3A_1209 = arith.constant 25 : i32
    %get3A_1210 = arith.index_cast %get3A_1209 : i32 to index
    %get3A_1211 = arith.index_cast %squeeze3A_1208 : i32 to index
    %get3A_1212 = arith.index_cast %multiple_of3A_986 : i32 to index
    %get3A_1213 = tpu.vector_load %arg5[%get3A_1210, %get3A_1211, %get3A_1212] {strides = array<i32>} : memref<32x8x128xf32, #tpu.memory_space<vmem>>, vector<1x1x16xf32>,
    %get3A_1214 = vector.shape_cast %get3A_1213 : vector<1x1x16xf32> to vector<16xf32>
    %eq3A_1215 = arith.constant 9 : i32
    %eq3A_1216 = vector.broadcast %eq3A_1215 : i32 to vector<16xi32>
    %eq3A_1217 = arith.cmpi eq, %iota3A, %eq3A_1216 : vector<16xi32>
    %select_n3A_1218 = arith.select %eq3A_1217, %get3A_1214, %select_n3A_1195 : vector<16xi1>, vector<16xf32>
    %dma_wait3A_1219 = arith.constant 26 : i32
    %dma_wait3A_1220 = arith.constant 0 : i32
    %dma_wait3A_1221 = arith.constant 0 : i32
    %dma_wait3A_1222 = tpu.memref_slice %arg5[%dma_wait3A_1219, %dma_wait3A_1220, %dma_wait3A_1221] : memref<32x8x128xf32, #tpu.memory_space<vmem>> -> memref<1x8x128xf32, #tpu.memory_space<vmem>>
    %dma_wait3A_1223 = tpu.memref_squeeze %dma_wait3A_1222 : memref<1x8x128xf32, #tpu.memory_space<vmem>> -> memref<8x128xf32, #tpu.memory_space<vmem>>
    %dma_wait3A_1224 = tpu.memref_slice %arg2[%multiple_of3A_526, %multiple_of3A] : memref<49158x1024xf32, #tpu.memory_space<hbm>> -> memref<8x128xf32, #tpu.memory_space<hbm>>
    %dma_wait3A_1225 = arith.constant 0 : i32
    %dma_wait3A_1226 = arith.constant 0 : i32
    %dma_wait3A_1227 = tpu.memref_slice %arg5[%dma_wait3A_1219, %dma_wait3A_1225, %dma_wait3A_1226] : memref<32x8x128xf32, #tpu.memory_space<vmem>> -> memref<1x8x128xf32, #tpu.memory_space<vmem>>
    %dma_wait3A_1228 = tpu.memref_squeeze %dma_wait3A_1227 : memref<1x8x128xf32, #tpu.memory_space<vmem>> -> memref<8x128xf32, #tpu.memory_space<vmem>>
    %dma_wait3A_1229 = tpu.memref_slice %arg2[%multiple_of3A_526, %multiple_of3A] : memref<49158x1024xf32, #tpu.memory_space<hbm>> -> memref<8x128xf32, #tpu.memory_space<hbm>>
    tpu.wait_dma2 semaphore(%arg7 : memref<!tpu.dma_semaphore, #tpu.memory_space<semaphore_mem>>) src(%dma_wait3A_1229 : memref<8x128xf32, #tpu.memory_space<hbm>>) dst(%dma_wait3A_1228 : memref<8x128xf32, #tpu.memory_space<vmem>>)
    %slice3A_1230 = vector.extract_strided_slice %and3A_161 {offsets = [10], sizes = [1], strides = [1]} : vector<16xi32> to vector<1xi32>
    %squeeze3A_1231 = vector.extract %slice3A_1230[0] : i32 from vector<1xi32>
    %get3A_1232 = arith.constant 26 : i32
    %get3A_1233 = arith.index_cast %get3A_1232 : i32 to index
    %get3A_1234 = arith.index_cast %squeeze3A_1231 : i32 to index
    %get3A_1235 = arith.index_cast %multiple_of3A_986 : i32 to index
    %get3A_1236 = tpu.vector_load %arg5[%get3A_1233, %get3A_1234, %get3A_1235] {strides = array<i32>} : memref<32x8x128xf32, #tpu.memory_space<vmem>>, vector<1x1x16xf32>,
    %get3A_1237 = vector.shape_cast %get3A_1236 : vector<1x1x16xf32> to vector<16xf32>
    %eq3A_1238 = arith.constant 10 : i32
    %eq3A_1239 = vector.broadcast %eq3A_1238 : i32 to vector<16xi32>
    %eq3A_1240 = arith.cmpi eq, %iota3A, %eq3A_1239 : vector<16xi32>
    %select_n3A_1241 = arith.select %eq3A_1240, %get3A_1237, %select_n3A_1218 : vector<16xi1>, vector<16xf32>
    %dma_wait3A_1242 = arith.constant 27 : i32
    %dma_wait3A_1243 = arith.constant 0 : i32
    %dma_wait3A_1244 = arith.constant 0 : i32
    %dma_wait3A_1245 = tpu.memref_slice %arg5[%dma_wait3A_1242, %dma_wait3A_1243, %dma_wait3A_1244] : memref<32x8x128xf32, #tpu.memory_space<vmem>> -> memref<1x8x128xf32, #tpu.memory_space<vmem>>
    %dma_wait3A_1246 = tpu.memref_squeeze %dma_wait3A_1245 : memref<1x8x128xf32, #tpu.memory_space<vmem>> -> memref<8x128xf32, #tpu.memory_space<vmem>>
    %dma_wait3A_1247 = tpu.memref_slice %arg2[%multiple_of3A_540, %multiple_of3A] : memref<49158x1024xf32, #tpu.memory_space<hbm>> -> memref<8x128xf32, #tpu.memory_space<hbm>>
    %dma_wait3A_1248 = arith.constant 0 : i32
    %dma_wait3A_1249 = arith.constant 0 : i32
    %dma_wait3A_1250 = tpu.memref_slice %arg5[%dma_wait3A_1242, %dma_wait3A_1248, %dma_wait3A_1249] : memref<32x8x128xf32, #tpu.memory_space<vmem>> -> memref<1x8x128xf32, #tpu.memory_space<vmem>>
    %dma_wait3A_1251 = tpu.memref_squeeze %dma_wait3A_1250 : memref<1x8x128xf32, #tpu.memory_space<vmem>> -> memref<8x128xf32, #tpu.memory_space<vmem>>
    %dma_wait3A_1252 = tpu.memref_slice %arg2[%multiple_of3A_540, %multiple_of3A] : memref<49158x1024xf32, #tpu.memory_space<hbm>> -> memref<8x128xf32, #tpu.memory_space<hbm>>
    tpu.wait_dma2 semaphore(%arg7 : memref<!tpu.dma_semaphore, #tpu.memory_space<semaphore_mem>>) src(%dma_wait3A_1252 : memref<8x128xf32, #tpu.memory_space<hbm>>) dst(%dma_wait3A_1251 : memref<8x128xf32, #tpu.memory_space<vmem>>)
    %slice3A_1253 = vector.extract_strided_slice %and3A_161 {offsets = [11], sizes = [1], strides = [1]} : vector<16xi32> to vector<1xi32>
    %squeeze3A_1254 = vector.extract %slice3A_1253[0] : i32 from vector<1xi32>
    %get3A_1255 = arith.constant 27 : i32
    %get3A_1256 = arith.index_cast %get3A_1255 : i32 to index
    %get3A_1257 = arith.index_cast %squeeze3A_1254 : i32 to index
    %get3A_1258 = arith.index_cast %multiple_of3A_986 : i32 to index
    %get3A_1259 = tpu.vector_load %arg5[%get3A_1256, %get3A_1257, %get3A_1258] {strides = array<i32>} : memref<32x8x128xf32, #tpu.memory_space<vmem>>, vector<1x1x16xf32>,
    %get3A_1260 = vector.shape_cast %get3A_1259 : vector<1x1x16xf32> to vector<16xf32>
    %eq3A_1261 = arith.constant 11 : i32
    %eq3A_1262 = vector.broadcast %eq3A_1261 : i32 to vector<16xi32>
    %eq3A_1263 = arith.cmpi eq, %iota3A, %eq3A_1262 : vector<16xi32>
    %select_n3A_1264 = arith.select %eq3A_1263, %get3A_1260, %select_n3A_1241 : vector<16xi1>, vector<16xf32>
    %dma_wait3A_1265 = arith.constant 28 : i32
    %dma_wait3A_1266 = arith.constant 0 : i32
    %dma_wait3A_1267 = arith.constant 0 : i32
    %dma_wait3A_1268 = tpu.memref_slice %arg5[%dma_wait3A_1265, %dma_wait3A_1266, %dma_wait3A_1267] : memref<32x8x128xf32, #tpu.memory_space<vmem>> -> memref<1x8x128xf32, #tpu.memory_space<vmem>>
    %dma_wait3A_1269 = tpu.memref_squeeze %dma_wait3A_1268 : memref<1x8x128xf32, #tpu.memory_space<vmem>> -> memref<8x128xf32, #tpu.memory_space<vmem>>
    %dma_wait3A_1270 = tpu.memref_slice %arg2[%multiple_of3A_554, %multiple_of3A] : memref<49158x1024xf32, #tpu.memory_space<hbm>> -> memref<8x128xf32, #tpu.memory_space<hbm>>
    %dma_wait3A_1271 = arith.constant 0 : i32
    %dma_wait3A_1272 = arith.constant 0 : i32
    %dma_wait3A_1273 = tpu.memref_slice %arg5[%dma_wait3A_1265, %dma_wait3A_1271, %dma_wait3A_1272] : memref<32x8x128xf32, #tpu.memory_space<vmem>> -> memref<1x8x128xf32, #tpu.memory_space<vmem>>
    %dma_wait3A_1274 = tpu.memref_squeeze %dma_wait3A_1273 : memref<1x8x128xf32, #tpu.memory_space<vmem>> -> memref<8x128xf32, #tpu.memory_space<vmem>>
    %dma_wait3A_1275 = tpu.memref_slice %arg2[%multiple_of3A_554, %multiple_of3A] : memref<49158x1024xf32, #tpu.memory_space<hbm>> -> memref<8x128xf32, #tpu.memory_space<hbm>>
    tpu.wait_dma2 semaphore(%arg7 : memref<!tpu.dma_semaphore, #tpu.memory_space<semaphore_mem>>) src(%dma_wait3A_1275 : memref<8x128xf32, #tpu.memory_space<hbm>>) dst(%dma_wait3A_1274 : memref<8x128xf32, #tpu.memory_space<vmem>>)
    %slice3A_1276 = vector.extract_strided_slice %and3A_161 {offsets = [12], sizes = [1], strides = [1]} : vector<16xi32> to vector<1xi32>
    %squeeze3A_1277 = vector.extract %slice3A_1276[0] : i32 from vector<1xi32>
    %get3A_1278 = arith.constant 28 : i32
    %get3A_1279 = arith.index_cast %get3A_1278 : i32 to index
    %get3A_1280 = arith.index_cast %squeeze3A_1277 : i32 to index
    %get3A_1281 = arith.index_cast %multiple_of3A_986 : i32 to index
    %get3A_1282 = tpu.vector_load %arg5[%get3A_1279, %get3A_1280, %get3A_1281] {strides = array<i32>} : memref<32x8x128xf32, #tpu.memory_space<vmem>>, vector<1x1x16xf32>,
    %get3A_1283 = vector.shape_cast %get3A_1282 : vector<1x1x16xf32> to vector<16xf32>
    %eq3A_1284 = arith.constant 12 : i32
    %eq3A_1285 = vector.broadcast %eq3A_1284 : i32 to vector<16xi32>
    %eq3A_1286 = arith.cmpi eq, %iota3A, %eq3A_1285 : vector<16xi32>
    %select_n3A_1287 = arith.select %eq3A_1286, %get3A_1283, %select_n3A_1264 : vector<16xi1>, vector<16xf32>
    %dma_wait3A_1288 = arith.constant 29 : i32
    %dma_wait3A_1289 = arith.constant 0 : i32
    %dma_wait3A_1290 = arith.constant 0 : i32
    %dma_wait3A_1291 = tpu.memref_slice %arg5[%dma_wait3A_1288, %dma_wait3A_1289, %dma_wait3A_1290] : memref<32x8x128xf32, #tpu.memory_space<vmem>> -> memref<1x8x128xf32, #tpu.memory_space<vmem>>
    %dma_wait3A_1292 = tpu.memref_squeeze %dma_wait3A_1291 : memref<1x8x128xf32, #tpu.memory_space<vmem>> -> memref<8x128xf32, #tpu.memory_space<vmem>>
    %dma_wait3A_1293 = tpu.memref_slice %arg2[%multiple_of3A_568, %multiple_of3A] : memref<49158x1024xf32, #tpu.memory_space<hbm>> -> memref<8x128xf32, #tpu.memory_space<hbm>>
    %dma_wait3A_1294 = arith.constant 0 : i32
    %dma_wait3A_1295 = arith.constant 0 : i32
    %dma_wait3A_1296 = tpu.memref_slice %arg5[%dma_wait3A_1288, %dma_wait3A_1294, %dma_wait3A_1295] : memref<32x8x128xf32, #tpu.memory_space<vmem>> -> memref<1x8x128xf32, #tpu.memory_space<vmem>>
    %dma_wait3A_1297 = tpu.memref_squeeze %dma_wait3A_1296 : memref<1x8x128xf32, #tpu.memory_space<vmem>> -> memref<8x128xf32, #tpu.memory_space<vmem>>
    %dma_wait3A_1298 = tpu.memref_slice %arg2[%multiple_of3A_568, %multiple_of3A] : memref<49158x1024xf32, #tpu.memory_space<hbm>> -> memref<8x128xf32, #tpu.memory_space<hbm>>
    tpu.wait_dma2 semaphore(%arg7 : memref<!tpu.dma_semaphore, #tpu.memory_space<semaphore_mem>>) src(%dma_wait3A_1298 : memref<8x128xf32, #tpu.memory_space<hbm>>) dst(%dma_wait3A_1297 : memref<8x128xf32, #tpu.memory_space<vmem>>)
    %slice3A_1299 = vector.extract_strided_slice %and3A_161 {offsets = [13], sizes = [1], strides = [1]} : vector<16xi32> to vector<1xi32>
    %squeeze3A_1300 = vector.extract %slice3A_1299[0] : i32 from vector<1xi32>
    %get3A_1301 = arith.constant 29 : i32
    %get3A_1302 = arith.index_cast %get3A_1301 : i32 to index
    %get3A_1303 = arith.index_cast %squeeze3A_1300 : i32 to index
    %get3A_1304 = arith.index_cast %multiple_of3A_986 : i32 to index
    %get3A_1305 = tpu.vector_load %arg5[%get3A_1302, %get3A_1303, %get3A_1304] {strides = array<i32>} : memref<32x8x128xf32, #tpu.memory_space<vmem>>, vector<1x1x16xf32>,
    %get3A_1306 = vector.shape_cast %get3A_1305 : vector<1x1x16xf32> to vector<16xf32>
    %eq3A_1307 = arith.constant 13 : i32
    %eq3A_1308 = vector.broadcast %eq3A_1307 : i32 to vector<16xi32>
    %eq3A_1309 = arith.cmpi eq, %iota3A, %eq3A_1308 : vector<16xi32>
    %select_n3A_1310 = arith.select %eq3A_1309, %get3A_1306, %select_n3A_1287 : vector<16xi1>, vector<16xf32>
    %dma_wait3A_1311 = arith.constant 30 : i32
    %dma_wait3A_1312 = arith.constant 0 : i32
    %dma_wait3A_1313 = arith.constant 0 : i32
    %dma_wait3A_1314 = tpu.memref_slice %arg5[%dma_wait3A_1311, %dma_wait3A_1312, %dma_wait3A_1313] : memref<32x8x128xf32, #tpu.memory_space<vmem>> -> memref<1x8x128xf32, #tpu.memory_space<vmem>>
    %dma_wait3A_1315 = tpu.memref_squeeze %dma_wait3A_1314 : memref<1x8x128xf32, #tpu.memory_space<vmem>> -> memref<8x128xf32, #tpu.memory_space<vmem>>
    %dma_wait3A_1316 = tpu.memref_slice %arg2[%multiple_of3A_582, %multiple_of3A] : memref<49158x1024xf32, #tpu.memory_space<hbm>> -> memref<8x128xf32, #tpu.memory_space<hbm>>
    %dma_wait3A_1317 = arith.constant 0 : i32
    %dma_wait3A_1318 = arith.constant 0 : i32
    %dma_wait3A_1319 = tpu.memref_slice %arg5[%dma_wait3A_1311, %dma_wait3A_1317, %dma_wait3A_1318] : memref<32x8x128xf32, #tpu.memory_space<vmem>> -> memref<1x8x128xf32, #tpu.memory_space<vmem>>
    %dma_wait3A_1320 = tpu.memref_squeeze %dma_wait3A_1319 : memref<1x8x128xf32, #tpu.memory_space<vmem>> -> memref<8x128xf32, #tpu.memory_space<vmem>>
    %dma_wait3A_1321 = tpu.memref_slice %arg2[%multiple_of3A_582, %multiple_of3A] : memref<49158x1024xf32, #tpu.memory_space<hbm>> -> memref<8x128xf32, #tpu.memory_space<hbm>>
    tpu.wait_dma2 semaphore(%arg7 : memref<!tpu.dma_semaphore, #tpu.memory_space<semaphore_mem>>) src(%dma_wait3A_1321 : memref<8x128xf32, #tpu.memory_space<hbm>>) dst(%dma_wait3A_1320 : memref<8x128xf32, #tpu.memory_space<vmem>>)
    %slice3A_1322 = vector.extract_strided_slice %and3A_161 {offsets = [14], sizes = [1], strides = [1]} : vector<16xi32> to vector<1xi32>
    %squeeze3A_1323 = vector.extract %slice3A_1322[0] : i32 from vector<1xi32>
    %get3A_1324 = arith.constant 30 : i32
    %get3A_1325 = arith.index_cast %get3A_1324 : i32 to index
    %get3A_1326 = arith.index_cast %squeeze3A_1323 : i32 to index
    %get3A_1327 = arith.index_cast %multiple_of3A_986 : i32 to index
    %get3A_1328 = tpu.vector_load %arg5[%get3A_1325, %get3A_1326, %get3A_1327] {strides = array<i32>} : memref<32x8x128xf32, #tpu.memory_space<vmem>>, vector<1x1x16xf32>,
    %get3A_1329 = vector.shape_cast %get3A_1328 : vector<1x1x16xf32> to vector<16xf32>
    %eq3A_1330 = arith.constant 14 : i32
    %eq3A_1331 = vector.broadcast %eq3A_1330 : i32 to vector<16xi32>
    %eq3A_1332 = arith.cmpi eq, %iota3A, %eq3A_1331 : vector<16xi32>
    %select_n3A_1333 = arith.select %eq3A_1332, %get3A_1329, %select_n3A_1310 : vector<16xi1>, vector<16xf32>
    %dma_wait3A_1334 = arith.constant 31 : i32
    %dma_wait3A_1335 = arith.constant 0 : i32
    %dma_wait3A_1336 = arith.constant 0 : i32
    %dma_wait3A_1337 = tpu.memref_slice %arg5[%dma_wait3A_1334, %dma_wait3A_1335, %dma_wait3A_1336] : memref<32x8x128xf32, #tpu.memory_space<vmem>> -> memref<1x8x128xf32, #tpu.memory_space<vmem>>
    %dma_wait3A_1338 = tpu.memref_squeeze %dma_wait3A_1337 : memref<1x8x128xf32, #tpu.memory_space<vmem>> -> memref<8x128xf32, #tpu.memory_space<vmem>>
    %dma_wait3A_1339 = tpu.memref_slice %arg2[%multiple_of3A_596, %multiple_of3A] : memref<49158x1024xf32, #tpu.memory_space<hbm>> -> memref<8x128xf32, #tpu.memory_space<hbm>>
    %dma_wait3A_1340 = arith.constant 0 : i32
    %dma_wait3A_1341 = arith.constant 0 : i32
    %dma_wait3A_1342 = tpu.memref_slice %arg5[%dma_wait3A_1334, %dma_wait3A_1340, %dma_wait3A_1341] : memref<32x8x128xf32, #tpu.memory_space<vmem>> -> memref<1x8x128xf32, #tpu.memory_space<vmem>>
    %dma_wait3A_1343 = tpu.memref_squeeze %dma_wait3A_1342 : memref<1x8x128xf32, #tpu.memory_space<vmem>> -> memref<8x128xf32, #tpu.memory_space<vmem>>
    %dma_wait3A_1344 = tpu.memref_slice %arg2[%multiple_of3A_596, %multiple_of3A] : memref<49158x1024xf32, #tpu.memory_space<hbm>> -> memref<8x128xf32, #tpu.memory_space<hbm>>
    tpu.wait_dma2 semaphore(%arg7 : memref<!tpu.dma_semaphore, #tpu.memory_space<semaphore_mem>>) src(%dma_wait3A_1344 : memref<8x128xf32, #tpu.memory_space<hbm>>) dst(%dma_wait3A_1343 : memref<8x128xf32, #tpu.memory_space<vmem>>)
    %slice3A_1345 = vector.extract_strided_slice %and3A_161 {offsets = [15], sizes = [1], strides = [1]} : vector<16xi32> to vector<1xi32>
    %squeeze3A_1346 = vector.extract %slice3A_1345[0] : i32 from vector<1xi32>
    %get3A_1347 = arith.constant 31 : i32
    %get3A_1348 = arith.index_cast %get3A_1347 : i32 to index
    %get3A_1349 = arith.index_cast %squeeze3A_1346 : i32 to index
    %get3A_1350 = arith.index_cast %multiple_of3A_986 : i32 to index
    %get3A_1351 = tpu.vector_load %arg5[%get3A_1348, %get3A_1349, %get3A_1350] {strides = array<i32>} : memref<32x8x128xf32, #tpu.memory_space<vmem>>, vector<1x1x16xf32>,
    %get3A_1352 = vector.shape_cast %get3A_1351 : vector<1x1x16xf32> to vector<16xf32>
    %eq3A_1353 = arith.constant 15 : i32
    %eq3A_1354 = vector.broadcast %eq3A_1353 : i32 to vector<16xi32>
    %eq3A_1355 = arith.cmpi eq, %iota3A, %eq3A_1354 : vector<16xi32>
    %select_n3A_1356 = arith.select %eq3A_1355, %get3A_1352, %select_n3A_1333 : vector<16xi1>, vector<16xf32>
    %jit3A_1357 = arith.constant -1.000000e-01 : f32
    %broadcast_in_dim3A_1358 = vector.broadcast %jit3A_1357 : f32 to vector<16xf32>
    %select_n3A_1359 = arith.select %or3A_149, %broadcast_in_dim3A_1358, %select_n3A_1356 : vector<16xi1>, vector<16xf32>
    %swap3A_1360 = arith.constant 16 : index
    %swap3A_1361 = tpu.vector_load %arg6[%swap3A_1360] {strides = array<i32>} : memref<32xf32, #tpu.memory_space<vmem>>, vector<16xf32>,
    %swap3A_1362 = vector.shape_cast %swap3A_1361 : vector<16xf32> to vector<16xf32>
    %swap3A_1363 = vector.shape_cast %select_n3A_1359 : vector<16xf32> to vector<16xf32>
    tpu.vector_store %arg6[%swap3A_1360], %swap3A_1363 {strides = array<i32>} : memref<32xf32, #tpu.memory_space<vmem>>, vector<16xf32>,
    "tpu.region"() ({
      %run_scoped3A = tpu.sem_alloc : memref<!tpu.dma_semaphore, #tpu.memory_space<semaphore_mem>>
      %dma_start3A_1364 = tpu.memref_slice %arg3[%mul3A_2] : memref<1024xf32, #tpu.memory_space<hbm>> -> memref<32xf32, #tpu.memory_space<hbm>>
      %dma_start3A_1365 = tpu.memref_slice %arg3[%mul3A_2] : memref<1024xf32, #tpu.memory_space<hbm>> -> memref<32xf32, #tpu.memory_space<hbm>>
      tpu.enqueue_dma source(%arg6 : memref<32xf32, #tpu.memory_space<vmem>>) target(%dma_start3A_1365 : memref<32xf32, #tpu.memory_space<hbm>>) target_semaphore(%run_scoped3A : memref<!tpu.dma_semaphore, #tpu.memory_space<semaphore_mem>>)
      %dma_wait3A_1366 = tpu.memref_slice %arg3[%mul3A_2] : memref<1024xf32, #tpu.memory_space<hbm>> -> memref<32xf32, #tpu.memory_space<hbm>>
      %dma_wait3A_1367 = tpu.memref_slice %arg3[%mul3A_2] : memref<1024xf32, #tpu.memory_space<hbm>> -> memref<32xf32, #tpu.memory_space<hbm>>
      tpu.wait_dma2 semaphore(%run_scoped3A : memref<!tpu.dma_semaphore, #tpu.memory_space<semaphore_mem>>) src(%arg6 : memref<32xf32, #tpu.memory_space<vmem>>) dst(%dma_wait3A_1367 : memref<32xf32, #tpu.memory_space<hbm>>)
      tpu.yield
    }) : () -> ()
    return
  }
}

</mosaic_0001>

<sc_bundles>
// kernel: kernel.3.cloned.1.call-start
scs
__scs_entry_jumppad:
0x0: {  	(pc) =	sbr.rel $0x88, $3  }
0x1: {  	(tag) =	ssettag $0x0;
	lr =	simm.s32 $0x1  }
0x2: {  	[smem:$0x3FA0] =	sst lr;
	_ =	strace $0xD0000000  }
0x3: {  	_ = 	snop  }
0x4: {  	_ = 	snop  }
0x5: {  	_ = 	snop  }
0x6: {  	_ = 	snop  }
0x7: {  	_ = 	snop  }
__scs_overlays_trampoline_lowered:
0x8: {  	[smem:$0x3FAF] =	sst s0  }
0x9: {  	[smem:$0x3FB0] =	sst s1  }
0xa: {  	[smem:$0x3FB1] =	sst s2  }
0xb: {  	[smem:$0x3FB2] =	sst s3  }
0xc: {  	[smem:$0x3FB3] =	sst s4  }
0xd: {  	[smem:$0x3FB4] =	sst s5  }
0xe: {  	[smem:$0x3FB5] =	sst s6  }
0xf: {  	[smem:$0x3FB6] =	sst s7  }
0x10: {  	[smem:$0x3FB7] =	sst s8  }
0x11: {  	[smem:$0x3FB8] =	sst s9;
	s0 =	simm.s32 @!p0 $0x0  }
0x12: {  	s1 =	sld [smem:$0x3F9E];
	s0 =	simm.s32 @p0 $0x1  }
0x13: {  	[smem:$0x3FB9] =	sst s0;
	s0 =	simm.s32 @!p1 $0x0  }
0x14: {  	s2 =	sld [smem:$0x3F9D];
	s0 =	simm.s32 @p1 $0x1  }
0x15: {  	[smem:$0x3FBA] =	sst s0;
	s0 =	simm.s32 @!p2 $0x0  }
0x16: {  	s3 =	sld [smem:$0x3FDB];
	s0 =	simm.s32 @p2 $0x1  }
0x17: {  	s4 =	simm.s32 $0x1BF5;
	[smem:$0x3FBC] =	sst s0  }
0x18: {  	s0 =	sld [smem:$0x3F9F];
	_ =	swait.ge [sflag:s4], $0x0  }
0x19: {  	s7 =	sld [smem:$0x3FA0]  }
0x1a: {  	s8 =	sadd.s32 $0xFFFFE003, lr  }
0x1b: {  	s9 =	sadd.s32 $0xFFFFFEF7, lr;
	s5 =	simm.s32 $0xFFFFFFFF;
	p2 =	slt.u32 s8, $0xFFFFF086  }
0x1c: {  	p1 =	slt.u32 s9, $0xF7A;
	s5 =	simm.s32 @!p2 $0x0  }
0x1d: {  	s5 =	simm.s32 @p1 $0x1;
	p0 =	seq.s32 s7, s2  }
0x1e: {  	s7 =	smul.u32 @!p0 $0xF7A, s2;
	p2 =	seq.s32 @!p0 s5, $0x0  }
0x1f: {  	s9 =	smul.u32 $0xF7A, s1;
	s8 =	simm.s32 @!p0 $0x1BF5;
	p2 =	por !p2, p0  }
0x20: {  	[sflag:s8] =	ssyncset.s32 @!p0 $0xFFFFF086;
	s6 =	sadd.s32 @!p0 s3, s7;
	s7 =	simm.s32 @!p0 $0x108  }
0x21: {  	s3 =	sadd.s32 s3, s9;
	s6 =	sadd.s32 @!p0 $0x88, s6;
	s7 =	simm.s32 @p2 $0x1082  }
0x22: {  	[simem:s7], [sflag:s8] =	dma.local @!p0 [hbm:s6], $0xF7A  }
0x23: {  	s9 =	sor.u32 $0xD0000000, s2;
	s6 =	simm.s32 $0x108;
	_ =	swait.ge @!p0 [sflag:s8], $0x0  }
0x24: {  	s3 =	sadd.s32 $0x88, s3;
	s6 =	simm.s32 @!p1 $0x1082;
	[sflag:s4] =	ssyncset.s32 $0xFFFFF086  }
0x25: {  	[simem:s6], [sflag:s4] =	dma.local [hbm:s3], $0xF7A  }
0x26: {  	[smem:$0x3FA0] =	sst s1;
	(tag) =	ssettag s2;
	_ =	strace s9  }
0x27: {  	s1 =	sld [smem:$0x3FB0]  }
0x28: {  	s2 =	sld [smem:$0x3FB1]  }
0x29: {  	s4 =	sld [smem:$0x3FB3]  }
0x2a: {  	p0 =	seq.s32 s5, $0x0;
	s5 =	sld [smem:$0x3FB4]  }
0x2b: {  	s6 =	sld [smem:$0x3FB5]  }
0x2c: {  	s7 =	sld [smem:$0x3FB6]  }
0x2d: {  	s3 =	simm.s32 $0x108;
	s8 =	sld [smem:$0x3FB7]  }
0x2e: {  	s3 =	simm.s32 @!p0 $0x1082;
	s9 =	sld [smem:$0x3FB8]  }
0x2f: {  	lr =	sadd.s32 s0, s3;
	s0 =	sld [smem:$0x3FAF]  }
0x30: {  	s3 =	sld [smem:$0x3FB2]  }
0x31: {  	[smem:$0x3FBB] =	sst s10  }
0x32: {  	s10 =	sld [smem:$0x3FB9];
	_ =	sdelay $0x3  }
0x33: {  	p0 =	seq.s32 s10, $0x1;
	s10 =	sld [smem:$0x3FBB];
	_ =	sdelay $0x3  }
0x34: {  	[smem:$0x3FBB] =	sst s10  }
0x35: {  	s10 =	sld [smem:$0x3FBA];
	_ =	sdelay $0x3  }
0x36: {  	p1 =	seq.s32 s10, $0x1;
	s10 =	sld [smem:$0x3FBB];
	_ =	sdelay $0x3  }
0x37: {  	[smem:$0x3FBB] =	sst s10  }
0x38: {  	s10 =	sld [smem:$0x3FBC]  }
0x39: {  	_ = 	snop;
	(pc) =	sbr.ind lr, $3  }
0x3a: {  	_ = 	snop  }
0x3b: {  	_ = 	snop  }
0x3c: {  	p2 =	seq.s32 s10, $0x1;
	s10 =	sld [smem:$0x3FBB]  }
0x3d: {  	_ =	shalt  }
0x3e: {  	_ =	shalt  }
0x3f: {  	_ =	shalt  }
0x40: {  	_ =	shalt  }
0x41: {  	_ =	shalt  }
0x42: {  	_ =	shalt  }
0x43: {  	_ =	shalt  }
0x44: {  	_ =	shalt  }
0x45: {  	_ =	shalt  }
0x46: {  	_ =	shalt  }
0x47: {  	_ =	shalt  }
0x48: {  	_ =	shalt  }
0x49: {  	_ =	shalt  }
0x4a: {  	_ =	shalt  }
0x4b: {  	_ =	shalt  }
0x4c: {  	_ =	shalt  }
0x4d: {  	_ =	shalt  }
0x4e: {  	_ =	shalt  }
0x4f: {  	_ =	shalt  }
0x50: {  	_ =	shalt  }
0x51: {  	_ =	shalt  }
0x52: {  	_ =	shalt  }
0x53: {  	_ =	shalt  }
0x54: {  	_ =	shalt  }
0x55: {  	_ =	shalt  }
0x56: {  	_ =	shalt  }
0x57: {  	_ =	shalt  }
0x58: {  	_ =	shalt  }
0x59: {  	_ =	shalt  }
0x5a: {  	_ =	shalt  }
0x5b: {  	_ =	shalt  }
0x5c: {  	_ =	shalt  }
0x5d: {  	_ =	shalt  }
0x5e: {  	_ =	shalt  }
0x5f: {  	_ =	shalt  }
0x60: {  	_ =	shalt  }
0x61: {  	_ =	shalt  }
0x62: {  	_ =	shalt  }
0x63: {  	_ =	shalt  }
0x64: {  	_ =	shalt  }
0x65: {  	_ =	shalt  }
0x66: {  	_ =	shalt  }
0x67: {  	_ =	shalt  }
0x68: {  	_ =	shalt  }
0x69: {  	_ =	shalt  }
0x6a: {  	_ =	shalt  }
0x6b: {  	_ =	shalt  }
0x6c: {  	_ =	shalt  }
0x6d: {  	_ =	shalt  }
0x6e: {  	_ =	shalt  }
0x6f: {  	_ =	shalt  }
0x70: {  	_ =	shalt  }
0x71: {  	_ =	shalt  }
0x72: {  	_ =	shalt  }
0x73: {  	_ =	shalt  }
0x74: {  	_ =	shalt  }
0x75: {  	_ =	shalt  }
0x76: {  	_ =	shalt  }
0x77: {  	_ =	shalt  }
0x78: {  	_ =	shalt  }
0x79: {  	_ =	shalt  }
0x7a: {  	_ =	shalt  }
0x7b: {  	_ =	shalt  }
0x7c: {  	_ =	shalt  }
0x7d: {  	_ =	shalt  }
0x7e: {  	_ =	shalt  }
0x7f: {  	_ =	shalt  }
0x80: {  	_ =	shalt  }
0x81: {  	_ =	shalt  }
0x82: {  	_ =	shalt  }
0x83: {  	_ =	shalt  }
0x84: {  	_ =	shalt  }
0x85: {  	_ =	shalt  }
0x86: {  	_ =	shalt  }
0x87: {  	_ =	shalt  }
.Lfunc_end0:
.L_simem_size_0:
called_computation_lowered:
.L_overlay_start_0:
0x88: {  	s2 =	sld [smem:$0x3FD9]  }
0x89: {  	s3 =	sld [smem:$0x3FFE];
	_ =	sdelay $0x1  }
0x8a: {  	s1 =	srdreg.scid  }
0x8b: {  	s0 =	sand.u32 $0x1, s1  }
0x8c: {  	s18 =	sshll.u32 s0, $0xA;
	s2 =	sadd.s32 s3, s2  }
0x8d: {  	s2 =	sadd.s32 s2, s18  }
0x8e: {  	[smem:$0x3FC7] =	sst s2  }
0x8f: {  	_ = 	snop  }
0x90: {  	s2 =	sld [smem:$0x3FC9]  }
0x91: {  	s19 =	sld [smem:$0x3FD0];
	(tm) =	ssettm $0x1  }
0x92: {  	s4 =	sld [smem:$0x3FFB];
	_ =	sdelay $0x3  }
0x93: {  	_ =	strace s4  }
0x94: {  	s4 =	sld [smem:$0x3FFC];
	_ =	sdelay $0x3  }
0x95: {  	_ =	strace s4  }
0x96: {  	s4 =	sld [smem:$0x3FFD];
	_ =	sdelay $0x3  }
0x97: {  	_ =	strace s4  }
0x98: {  	_ =	strace $0x8FFFFFFF  }
0x99: {  	s20 =	sld [smem:$0x3FDB];
	_ =	sdelay $0x1  }
0x9a: {  	s5 =	simm.s32 $_scs_section_size  }
0x9b: {  	s6 =	simm.s32 $_size__tile_overlayer_lowered;
	s7 =	simm.s32 $_tile_overlayer_lowered  }
0x9c: {  	s23 =	simm.s32 $0x1BFF;
	s22 =	sshll.u32 s7, $0x1;
	s4 =	sadd.s32 s5, s20  }
0x9d: {  	s8 =	simm.s32 $0x0;
	s21 =	sshll.u32 s6, $0x1;
	s6 =	sadd.s32 s22, s4  }
0x9e: {  	[timem:s8], [sflag:s23] =	dma.local [hbm:s6], s21  }
0x9f: {  	_ =	swait.ge [sflag:s23], s21  }
0xa0: {  	s5 =	ssub.s32 $0x0, s21;
	[sflag:s23] =	ssyncset.done $0x0  }
0xa1: {  	[sflag:s23] =	ssyncadd.s32 s5;
	_ =	sdelay $0x1  }
0xa2: {  	s24 =	simm.s32 $0x1B8B  }
0xa3: {  	_ =	swait.ge [sflag:s24], $0x1  }
0xa4: {  	[sflag:s24] =	ssyncset.done $0x0  }
0xa5: {  	s25 =	simm.s32 $0x1B8E;
	[sflag:s24] =	ssyncadd.s32 $0xFFFFFFFF  }
0xa6: {  	s26 =	simm.s32 $execute0_lowered;
	[smem:$0x3FD2] =	sst s25  }
0xa7: {  	s5 =	sshll.u32 s26, $0x1;
	_ =	strace $0x80000046;
	[dreg:$0x1] =	wrdreg $0xFFFFFFFF  }
0xa8: {  	s28 =	simm.s32 $_size_execute0_lowered;
	s4 =	sadd.s32 s4, s5;
	[dreg:$0x0] =	wrdreg $0x0  }
0xa9: {  	s5 =	sshll.u32 s28, $0x1;
	[dreg:$0x2] =	wrdreg s4  }
0xaa: {  	[dreg:$0x3] =	wrdreg s5  }
0xab: {  	[dreg:$0x4] =	wrdreg $0xC0  }
0xac: {  	_ =	task [dreg:s8], $0x5FFFF  }
0xad: {  	[dreg:$0x1] =	wrdreg $0xFFFFFFFF  }
0xae: {  	[dreg:$0x0] =	wrdreg $0x60  }
0xaf: {  	[dreg:$0x2] =	wrdreg s2  }
0xb0: {  	[dreg:$0x3] =	wrdreg s19  }
0xb1: {  	[dreg:$0x4] =	wrdreg $0x9  }
0xb2: {  	_ =	task.clear_ibuf [dreg:s8], $0x5FFFF;
	_ =	strace $0x90000046  }
0xb3: {  	s29 =	simm.s32 $0x9;
	_ =	strace $0x80000048  }
0xb4: {  	_ =	swait.ge [sflag:s29], $0x1  }
0xb5: {  	[sflag:s29] =	ssyncadd.s32 $0xFFFFFFFF  }
0xb6: {  	_ =	strace $0x90000048  }
0xb7: {  	_ =	sfence  }
0xb8: {  	s30 =	sld [smem:$0x0];
	_ =	sdelay $0x2  }
0xb9: {  	s31 =	sshll.u32 s1, $0xD;
	s1 =	sshrl.u32 s1, $0x2  }
0xba: {  	s3 =	sand.u32 $0x4000, s31;
	s1 =	sadd.s32 s1, s30  }
0xbb: {  	s0 =	sor.u32 s3, s0;
	s1 =	sshll.u32 s1, $0x11  }
0xbc: {  	s0 =	sor.u32 s1, s0  }
0xbd: {  	s0 =	sadd.s32 $0x8F2B, s0  }
0xbe: {  	[sflag:s0] =	ssyncadd.remote.s32 $0x1  }
0xbf: {  	_ =	sfence.sel $0xFFFF  }
0xc0: {  	[dreg:$0x0] =	wrdreg $0xFFFFFFFF;
	(pc) =	sbr.abs _section_cstart, $3  }
0xc1: {  	[dreg:$0x1] =	wrdreg $0xFFFFFFFF  }
0xc2: {  	_ =	task.clear_ibuf [dreg:s8], $0x2FFFF;
	_ =	strace $0x9FFFFFFF  }
0xc3: {  	(tm) =	ssettm $0x7FFFFFFF  }
tec
execute0_lowered:
.L_overlay_start_1:
0x0: {  	(tag) =	ssettag $0x1  }
0x1: {  	s3 =	rddreg [dreg:$0x0]  }
0x2: {  	s0 =	rddreg [dreg:$0x1];
	s2 =	simm.s32 $0x0  }
0x3: {  	s16 =	simm.s32 $0x400;
	[smem:$0x7FF] =	sst s2  }
0x4: {  	s18 =	simm.s32 $0x800;
	_ =	strace $0x80000047;
	[dreg:$0x8] =	wrdreg s16  }
0x5: {  	s19 =	simm.s32 $0xC00;
	[dreg:$0x9] =	wrdreg s18  }
0x6: {  	s20 =	simm.s32 $0x1000;
	[dreg:$0xa] =	wrdreg s19  }
0x7: {  	s21 =	simm.s32 $0x1400;
	[dreg:$0xb] =	wrdreg s20  }
0x8: {  	s22 =	simm.s32 $0x1800;
	[dreg:$0xc] =	wrdreg s21  }
0x9: {  	s23 =	simm.s32 $0x1C00;
	[dreg:$0xd] =	wrdreg s22  }
0xa: {  	s24 =	simm.s32 $0x2000;
	[dreg:$0xe] =	wrdreg s23  }
0xb: {  	s25 =	simm.s32 $0x2400;
	[dreg:$0xf] =	wrdreg s24  }
0xc: {  	s26 =	simm.s32 $0x2800;
	[dreg:$0x10] =	wrdreg s25  }
0xd: {  	s28 =	simm.s32 $0x2C00;
	[dreg:$0x11] =	wrdreg s26  }
0xe: {  	s29 =	simm.s32 $0x3000;
	[dreg:$0x12] =	wrdreg s28  }
0xf: {  	s30 =	simm.s32 $0x3400;
	[dreg:$0x13] =	wrdreg s29  }
0x10: {  	s31 =	simm.s32 $0x3800;
	[dreg:$0x14] =	wrdreg s30  }
0x11: {  	s8 =	simm.s32 $0x4800;
	[dreg:$0x15] =	wrdreg s31  }
0x12: {  	s9 =	simm.s32 $0x4C00;
	[dreg:$0x19] =	wrdreg s8  }
0x13: {  	[dreg:$0x1a] =	wrdreg s9;
	s16 =	simm.s32 $0x6800  }
0x14: {  	s5 =	stileid.u32;
	s18 =	simm.s32 $0x6C00;
	[smem:$0x7F7] =	sst s16  }
0x15: {  	s1 =	srdreg.scid;
	s19 =	simm.s32 $0x7000;
	[smem:$0x7F8] =	sst s18  }
0x16: {  	s4 =	sshll.u32 s5, $0x9;
	s20 =	simm.s32 $0x7400;
	[smem:$0x7F9] =	sst s19  }
0x17: {  	s7 =	sand.u32 $0x1, s1;
	s21 =	simm.s32 $0x7800;
	[smem:$0x7FA] =	sst s20  }
0x18: {  	s10 =	sshll.u32 s5, $0x6;
	s22 =	simm.s32 $0x7C00;
	[smem:$0x7FB] =	sst s21  }
0x19: {  	s4 =	sand.u32 $0x1C00, s4;
	s23 =	simm.s32 $0x8000;
	[smem:$0x7FC] =	sst s22  }
0x1a: {  	s11 =	sshll.u32 s7, $0x5;
	s25 =	simm.s32 $0x8400;
	[smem:$0x7FD] =	sst s23  }
0x1b: {  	s1 =	sor.u32 s11, s10;
	s10 =	simm.s32 $0x5000;
	[smem:$0x7F5] =	sst s25  }
0x1c: {  	s6 =	sshrl.u32 s4, $0x3;
	s11 =	simm.s32 $0x5400;
	[dreg:$0x1b] =	wrdreg s10  }
0x1d: {  	s12 =	sadd.s32 s6, s3;
	s6 =	simm.s32 $0x4400;
	[dreg:$0x1c] =	wrdreg s11  }
0x1e: {  	s17 =	sand.u32 $0x60, s1;
	s5 =	sadd.s32 $0x600000, s12;
	[dreg:$0x18] =	wrdreg s6  }
0x1f: {  	s13 =	sor.u32 $0x10, s17;
	[dreg:$0x3] =	wrdreg s5  }
0x20: {  	s14 =	sor.u32 $0x400, s17;
	[dreg:$0x4] =	wrdreg s13  }
0x21: {  	s1 =	sshrl.u32 s1, $0x3;
	s15 =	sor.u32 $0x410, s17;
	[dreg:$0x5] =	wrdreg s14  }
0x22: {  	s0 =	sadd.s32 s0, s1;
	[dreg:$0x6] =	wrdreg s15  }
0x23: {  	s1 =	simm.s32 $0x3C00;
	[dreg:$0x7] =	wrdreg s0  }
0x24: {  	s12 =	simm.s32 $0x5800;
	[dreg:$0x16] =	wrdreg s1  }
0x25: {  	s5 =	simm.s32 $0x4000;
	[dreg:$0x1d] =	wrdreg s12  }
0x26: {  	s13 =	simm.s32 $0x5C00;
	[dreg:$0x17] =	wrdreg s5  }
0x27: {  	s14 =	simm.s32 $0x6000;
	[dreg:$0x1e] =	wrdreg s13  }
0x28: {  	s15 =	simm.s32 $0x6400;
	[dreg:$0x1f] =	wrdreg s14  }
0x29: {  	[smem:$0x7F6] =	sst s15  }
0x2a: {  	s6 =	simm.s32 $0x1;
	s24 =	rddreg [dreg:$0x3]  }
0x2b: {  	[tilespmem:s2], [sflag:$0x1] =	stream.linear.gather [hbm4b:s24+s2], $0x400, $0x38;
	[tilespmem:$0x8480] =	vst v63  }
0x2c: {  	_ =	swait.ge [sflag:s6], $0x400  }
0x2d: {  	[sflag:s6] =	ssyncset.done $0x0  }
0x2e: {  	[sflag:s6] =	ssyncadd.s32 $0xFFFFFC00  }
0x2f: {  	v0 =	vld [tilespmem:s17+$0x0]  }
0x30: {  	v1 =	vld [tilespmem:s17+$0x80];
	_ =	sdelay $0x3  }
0x31: {  	(erf) = vrcp.f32 v0  }
0x32: {  	(erf) = vrcp.f32 v1;
	_ =	sdelay $0x3  }
0x33: {  	v0 =	vld [tilespmem:s17+$0x200]  }
0x34: {  	v1 =	vld [tilespmem:s17+$0x280]  }
0x35: {  	v2 =	vld [tilespmem:s17+$0x100]  }
0x36: {  	v3 =	vld [tilespmem:s17+$0x180]  }
0x37: {  	v4 =	vpop (erf)  }
0x38: {  	v0 =	vmul.f32 v4, v0;
	v4 =	vpop (erf)  }
0x39: {  	v1 =	vmul.f32 v4, v1  }
0x3a: {  	v0 =	vadd.f32 v0, v2  }
0x3b: {  	v1 =	vadd.f32 v1, v3  }
0x3c: {  	v0 =	vtrunc.f32 v0  }
0x3d: {  	v2 =	vcvt.f32.s32 v0;
	v0 =	vtrunc.f32 v1  }
0x3e: {  	v3 =	vcvt.f32.s32 v0  }
0x3f: {  	v0 =	vshll.u32 v2, $0x7  }
0x40: {  	v0 =	vadd.s32 v3, v0  }
0x41: {  	vm0 =	vgt.s32 v0, $0x0  }
0x42: {  	v0 =	vnsel vm0, $0x0, v0  }
0x43: {  	v5 =	vmin.u32 v0, $0x3FFF  }
0x44: {  	v0 =	vand.u32 $0x3FF8, v5  }
0x45: {  	v4 =	vshll.u32 v0, $0xA  }
0x46: {  	(v2sf) =	vpush v4, $0x0;
	_ =	sdelay $0x2  }
0x47: {  	(v2sf) =	vpush v4, $0x1;
	_ =	sdelay $0x3  }
0x48: {  	(v2sf) =	vpush v4, $0x2;
	_ =	sdelay $0x3  }
0x49: {  	(v2sf) =	vpush v4, $0x3;
	_ =	sdelay $0x2  }
0x4a: {  	v6 =	vld [tilespmem:s17+$0x290]  }
0x4b: {  	v7 =	vld [tilespmem:s17+$0x210];
	s28 =	spop (v2sf)  }
0x4c: {  	v8 =	vld [tilespmem:s17+$0x110];
	s0 =	sor.u32 s4, s28  }
0x4d: {  	s26 =	rddreg [dreg:$0x4];
	v9 =	vld [tilespmem:s17+$0x190];
	(v2sf) =	vpush v4, $0x4;
	s0 =	sshrl.u32 s0, $0x3  }
0x4e: {  	s29 =	rddreg [dreg:$0x8];
	v1 =	vld [tilespmem:s17+$0x90];
	s30 =	spop (v2sf);
	s0 =	sadd.s32 s3, s0  }
0x4f: {  	v0 =	vld [tilespmem:s26+$0x0];
	[tilespmem:s29], [sflag:$0x1] =	stream.linear.gather [hbm4b:s0+s2], $0x400, $0x38  }
0x50: {  	(v2sf) =	vpush v4, $0x5;
	s0 =	sor.u32 s4, s30  }
0x51: {  	s0 =	sshrl.u32 s0, $0x3  }
0x52: {  	s31 =	rddreg [dreg:$0x9];
	s1 =	spop (v2sf);
	s0 =	sadd.s32 s3, s0  }
0x53: {  	[tilespmem:s31], [sflag:$0x1] =	stream.linear.gather [hbm4b:s0+s2], $0x400, $0x38;
	[tilespmem:$0x8480] =	vst v63  }
0x54: {  	(v2sf) =	vpush v4, $0x6;
	s0 =	sor.u32 s4, s1  }
0x55: {  	s0 =	sshrl.u32 s0, $0x3  }
0x56: {  	s5 =	rddreg [dreg:$0xa];
	s8 =	spop (v2sf);
	s0 =	sadd.s32 s3, s0  }
0x57: {  	[tilespmem:s5], [sflag:$0x1] =	stream.linear.gather [hbm4b:s0+s2], $0x400, $0x38;
	[tilespmem:$0x8480] =	vst v63  }
0x58: {  	(v2sf) =	vpush v4, $0x7;
	s0 =	sor.u32 s4, s8  }
0x59: {  	s0 =	sshrl.u32 s0, $0x3  }
0x5a: {  	s9 =	rddreg [dreg:$0xb];
	s0 =	sadd.s32 s3, s0  }
0x5b: {  	[tilespmem:s9], [sflag:$0x1] =	stream.linear.gather [hbm4b:s0+s2], $0x400, $0x38;
	[tilespmem:$0x8480] =	vst v63  }
0x5c: {  	s10 =	spop (v2sf)  }
0x5d: {  	s0 =	sor.u32 s4, s10  }
0x5e: {  	(v2sf) =	vpush v4, $0x8;
	s0 =	sshrl.u32 s0, $0x3  }
0x5f: {  	s11 =	rddreg [dreg:$0xc];
	s12 =	spop (v2sf);
	s0 =	sadd.s32 s3, s0  }
0x60: {  	[tilespmem:s11], [sflag:$0x1] =	stream.linear.gather [hbm4b:s0+s2], $0x400, $0x38;
	[tilespmem:$0x8480] =	vst v63  }
0x61: {  	(v2sf) =	vpush v4, $0x9;
	s0 =	sor.u32 s4, s12  }
0x62: {  	s0 =	sshrl.u32 s0, $0x3  }
0x63: {  	s13 =	rddreg [dreg:$0xd];
	s14 =	spop (v2sf);
	s0 =	sadd.s32 s3, s0  }
0x64: {  	[tilespmem:s13], [sflag:$0x1] =	stream.linear.gather [hbm4b:s0+s2], $0x400, $0x38;
	[tilespmem:$0x8480] =	vst v63  }
0x65: {  	(v2sf) =	vpush v4, $0xA;
	s0 =	sor.u32 s4, s14  }
0x66: {  	s0 =	sshrl.u32 s0, $0x3  }
0x67: {  	s15 =	rddreg [dreg:$0xe];
	s16 =	spop (v2sf);
	s0 =	sadd.s32 s3, s0  }
0x68: {  	(erf) = vrcp.f32 v0;
	[tilespmem:s15], [sflag:$0x1] =	stream.linear.gather [hbm4b:s0+s2], $0x400, $0x38;
	[tilespmem:$0x8480] =	vst v63  }
0x69: {  	(erf) = vrcp.f32 v1;
	(v2sf) =	vpush v4, $0xB;
	s0 =	sor.u32 s4, s16  }
0x6a: {  	s0 =	sshrl.u32 s0, $0x3  }
0x6b: {  	s18 =	rddreg [dreg:$0xf];
	s0 =	sadd.s32 s3, s0  }
0x6c: {  	[tilespmem:s18], [sflag:$0x1] =	stream.linear.gather [hbm4b:s0+s2], $0x400, $0x38;
	[tilespmem:$0x8480] =	vst v63  }
0x6d: {  	s19 =	spop (v2sf)  }
0x6e: {  	s0 =	sor.u32 s4, s19  }
0x6f: {  	(v2sf) =	vpush v4, $0xC;
	s0 =	sshrl.u32 s0, $0x3  }
0x70: {  	s20 =	rddreg [dreg:$0x10];
	s21 =	spop (v2sf);
	s0 =	sadd.s32 s3, s0  }
0x71: {  	v0 =	vpop (erf);
	[tilespmem:s20], [sflag:$0x1] =	stream.linear.gather [hbm4b:s0+s2], $0x400, $0x38;
	[tilespmem:$0x8480] =	vst v63  }
0x72: {  	v0 =	vmul.f32 v0, v7;
	v1 =	vpop (erf);
	(v2sf) =	vpush v4, $0xD;
	s0 =	sor.u32 s4, s21  }
0x73: {  	v1 =	vmul.f32 v1, v6;
	s0 =	sshrl.u32 s0, $0x3  }
0x74: {  	s22 =	rddreg [dreg:$0x11];
	v0 =	vadd.f32 v0, v8;
	s23 =	spop (v2sf);
	s0 =	sadd.s32 s3, s0  }
0x75: {  	v1 =	vadd.f32 v1, v9;
	[tilespmem:s22], [sflag:$0x1] =	stream.linear.gather [hbm4b:s0+s2], $0x400, $0x38;
	[tilespmem:$0x8480] =	vst v63  }
0x76: {  	v0 =	vtrunc.f32 v0;
	(v2sf) =	vpush v4, $0xE;
	s0 =	sor.u32 s4, s23  }
0x77: {  	v0 =	vcvt.f32.s32 v0;
	v1 =	vtrunc.f32 v1;
	s0 =	sshrl.u32 s0, $0x3  }
0x78: {  	s24 =	rddreg [dreg:$0x12];
	v1 =	vcvt.f32.s32 v1;
	s25 =	spop (v2sf);
	s0 =	sadd.s32 s3, s0  }
0x79: {  	v6 =	vshll.u32 v0, $0x7;
	[tilespmem:s24], [sflag:$0x1] =	stream.linear.gather [hbm4b:s0+s2], $0x400, $0x38;
	[tilespmem:$0x8480] =	vst v63  }
0x7a: {  	v6 =	vadd.s32 v1, v6;
	(v2sf) =	vpush v4, $0xF;
	s0 =	sor.u32 s4, s25  }
0x7b: {  	vm0 =	vgt.s32 v6, $0x0;
	s0 =	sshrl.u32 s0, $0x3  }
0x7c: {  	s26 =	rddreg [dreg:$0x13];
	v4 =	vnsel vm0, $0x0, v6;
	s0 =	sadd.s32 s3, s0  }
0x7d: {  	v4 =	vmin.u32 v4, $0x3FFF;
	[tilespmem:s26], [sflag:$0x1] =	stream.linear.gather [hbm4b:s0+s2], $0x400, $0x38;
	[tilespmem:$0x8480] =	vst v63  }
0x7e: {  	v6 =	vand.u32 $0x3FF8, v4;
	s28 =	spop (v2sf)  }
0x7f: {  	v6 =	vshll.u32 v6, $0xA;
	s0 =	sor.u32 s4, s28  }
0x80: {  	(v2sf) =	vpush v6, $0x0;
	s0 =	sshrl.u32 s0, $0x3  }
0x81: {  	s29 =	rddreg [dreg:$0x14];
	s30 =	spop (v2sf);
	s0 =	sadd.s32 s3, s0  }
0x82: {  	[tilespmem:s29], [sflag:$0x1] =	stream.linear.gather [hbm4b:s0+s2], $0x400, $0x38;
	[tilespmem:$0x8480] =	vst v63  }
0x83: {  	(v2sf) =	vpush v6, $0x1;
	s0 =	sor.u32 s4, s30  }
0x84: {  	s0 =	sshrl.u32 s0, $0x3  }
0x85: {  	s31 =	rddreg [dreg:$0x15];
	s1 =	spop (v2sf);
	s0 =	sadd.s32 s3, s0  }
0x86: {  	[tilespmem:s31], [sflag:$0x1] =	stream.linear.gather [hbm4b:s0+s2], $0x400, $0x38;
	[tilespmem:$0x8480] =	vst v63  }
0x87: {  	(v2sf) =	vpush v6, $0x2;
	s0 =	sor.u32 s4, s1  }
0x88: {  	s0 =	sshrl.u32 s0, $0x3  }
0x89: {  	s5 =	rddreg [dreg:$0x16];
	s8 =	spop (v2sf);
	s0 =	sadd.s32 s3, s0  }
0x8a: {  	[tilespmem:s5], [sflag:$0x1] =	stream.linear.gather [hbm4b:s0+s2], $0x400, $0x38;
	[tilespmem:$0x8480] =	vst v63  }
0x8b: {  	(v2sf) =	vpush v6, $0x3;
	s0 =	sor.u32 s4, s8  }
0x8c: {  	s0 =	sshrl.u32 s0, $0x3  }
0x8d: {  	s9 =	rddreg [dreg:$0x17];
	s0 =	sadd.s32 s3, s0  }
0x8e: {  	[tilespmem:s9], [sflag:$0x1] =	stream.linear.gather [hbm4b:s0+s2], $0x400, $0x38;
	[tilespmem:$0x8480] =	vst v63  }
0x8f: {  	s10 =	spop (v2sf)  }
0x90: {  	s0 =	sor.u32 s4, s10  }
0x91: {  	(v2sf) =	vpush v6, $0x4;
	s0 =	sshrl.u32 s0, $0x3  }
0x92: {  	s11 =	rddreg [dreg:$0x18];
	s12 =	spop (v2sf);
	s0 =	sadd.s32 s3, s0  }
0x93: {  	[tilespmem:s11], [sflag:$0x1] =	stream.linear.gather [hbm4b:s0+s2], $0x400, $0x38;
	[tilespmem:$0x8480] =	vst v63  }
0x94: {  	(v2sf) =	vpush v6, $0x5;
	s0 =	sor.u32 s4, s12  }
0x95: {  	s0 =	sshrl.u32 s0, $0x3  }
0x96: {  	s13 =	rddreg [dreg:$0x19];
	s14 =	spop (v2sf);
	s0 =	sadd.s32 s3, s0  }
0x97: {  	[tilespmem:s13], [sflag:$0x1] =	stream.linear.gather [hbm4b:s0+s2], $0x400, $0x38;
	[tilespmem:$0x8480] =	vst v63  }
0x98: {  	(v2sf) =	vpush v6, $0x6;
	s0 =	sor.u32 s4, s14  }
0x99: {  	s0 =	sshrl.u32 s0, $0x3  }
0x9a: {  	s15 =	rddreg [dreg:$0x1a];
	s16 =	spop (v2sf);
	s0 =	sadd.s32 s3, s0  }
0x9b: {  	[tilespmem:s15], [sflag:$0x1] =	stream.linear.gather [hbm4b:s0+s2], $0x400, $0x38;
	[tilespmem:$0x8480] =	vst v63  }
0x9c: {  	(v2sf) =	vpush v6, $0x7;
	s0 =	sor.u32 s4, s16  }
0x9d: {  	s0 =	sshrl.u32 s0, $0x3  }
0x9e: {  	s18 =	rddreg [dreg:$0x1b];
	s0 =	sadd.s32 s3, s0  }
0x9f: {  	[tilespmem:s18], [sflag:$0x1] =	stream.linear.gather [hbm4b:s0+s2], $0x400, $0x38;
	[tilespmem:$0x8480] =	vst v63  }
0xa0: {  	s19 =	spop (v2sf)  }
0xa1: {  	s0 =	sor.u32 s4, s19  }
0xa2: {  	(v2sf) =	vpush v6, $0x8;
	s0 =	sshrl.u32 s0, $0x3  }
0xa3: {  	s20 =	rddreg [dreg:$0x1c];
	s21 =	spop (v2sf);
	s0 =	sadd.s32 s3, s0  }
0xa4: {  	[tilespmem:s20], [sflag:$0x1] =	stream.linear.gather [hbm4b:s0+s2], $0x400, $0x38;
	[tilespmem:$0x8480] =	vst v63  }
0xa5: {  	(v2sf) =	vpush v6, $0x9;
	s0 =	sor.u32 s4, s21  }
0xa6: {  	s0 =	sshrl.u32 s0, $0x3  }
0xa7: {  	s22 =	rddreg [dreg:$0x1d];
	s23 =	spop (v2sf);
	s0 =	sadd.s32 s3, s0  }
0xa8: {  	[tilespmem:s22], [sflag:$0x1] =	stream.linear.gather [hbm4b:s0+s2], $0x400, $0x38;
	[tilespmem:$0x8480] =	vst v63  }
0xa9: {  	(v2sf) =	vpush v6, $0xA;
	s0 =	sor.u32 s4, s23  }
0xaa: {  	s0 =	sshrl.u32 s0, $0x3  }
0xab: {  	s24 =	rddreg [dreg:$0x1e];
	s25 =	spop (v2sf);
	s0 =	sadd.s32 s3, s0  }
0xac: {  	[tilespmem:s24], [sflag:$0x1] =	stream.linear.gather [hbm4b:s0+s2], $0x400, $0x38;
	[tilespmem:$0x8480] =	vst v63  }
0xad: {  	(v2sf) =	vpush v6, $0xB;
	s0 =	sor.u32 s4, s25  }
0xae: {  	s0 =	sshrl.u32 s0, $0x3  }
0xaf: {  	s26 =	rddreg [dreg:$0x1f];
	s0 =	sadd.s32 s3, s0  }
0xb0: {  	[tilespmem:s26], [sflag:$0x1] =	stream.linear.gather [hbm4b:s0+s2], $0x400, $0x38;
	[tilespmem:$0x8480] =	vst v63  }
0xb1: {  	s28 =	spop (v2sf)  }
0xb2: {  	s29 =	sld [smem:$0x7F6];
	s0 =	sor.u32 s4, s28  }
0xb3: {  	(v2sf) =	vpush v6, $0xC;
	s0 =	sshrl.u32 s0, $0x3  }
0xb4: {  	s30 =	spop (v2sf);
	s0 =	sadd.s32 s3, s0  }
0xb5: {  	[tilespmem:s29], [sflag:$0x1] =	stream.linear.gather [hbm4b:s0+s2], $0x400, $0x38;
	[tilespmem:$0x8480] =	vst v63  }
0xb6: {  	s31 =	sld [smem:$0x7F7];
	(v2sf) =	vpush v6, $0xD;
	s0 =	sor.u32 s4, s30  }
0xb7: {  	s0 =	sshrl.u32 s0, $0x3  }
0xb8: {  	s1 =	spop (v2sf);
	s0 =	sadd.s32 s3, s0  }
0xb9: {  	[tilespmem:s31], [sflag:$0x1] =	stream.linear.gather [hbm4b:s0+s2], $0x400, $0x38;
	[tilespmem:$0x8480] =	vst v63  }
0xba: {  	s5 =	sld [smem:$0x7F8];
	(v2sf) =	vpush v6, $0xE;
	s0 =	sor.u32 s4, s1  }
0xbb: {  	s0 =	sshrl.u32 s0, $0x3  }
0xbc: {  	s8 =	spop (v2sf);
	s0 =	sadd.s32 s3, s0  }
0xbd: {  	[tilespmem:s5], [sflag:$0x1] =	stream.linear.gather [hbm4b:s0+s2], $0x400, $0x38;
	[tilespmem:$0x8480] =	vst v63  }
0xbe: {  	s9 =	sld [smem:$0x7F9];
	(v2sf) =	vpush v6, $0xF;
	s0 =	sor.u32 s4, s8  }
0xbf: {  	s0 =	sshrl.u32 s0, $0x3  }
0xc0: {  	s0 =	sadd.s32 s3, s0  }
0xc1: {  	[tilespmem:s9], [sflag:$0x1] =	stream.linear.gather [hbm4b:s0+s2], $0x400, $0x38;
	[tilespmem:$0x8480] =	vst v63  }
0xc2: {  	s10 =	spop (v2sf)  }
0xc3: {  	s11 =	sld [smem:$0x7FA];
	s0 =	sor.u32 s4, s10  }
0xc4: {  	s0 =	sshrl.u32 s0, $0x3  }
0xc5: {  	s12 =	spop (v2sf);
	s0 =	sadd.s32 s3, s0  }
0xc6: {  	[tilespmem:s11], [sflag:$0x1] =	stream.linear.gather [hbm4b:s0+s2], $0x400, $0x38;
	[tilespmem:$0x8480] =	vst v63  }
0xc7: {  	s13 =	sld [smem:$0x7FB];
	s0 =	sor.u32 s4, s12  }
0xc8: {  	s0 =	sshrl.u32 s0, $0x3  }
0xc9: {  	s14 =	spop (v2sf);
	s0 =	sadd.s32 s3, s0  }
0xca: {  	[tilespmem:s13], [sflag:$0x1] =	stream.linear.gather [hbm4b:s0+s2], $0x400, $0x38;
	[tilespmem:$0x8480] =	vst v63  }
0xcb: {  	s15 =	sld [smem:$0x7FC];
	s0 =	sor.u32 s4, s14  }
0xcc: {  	s0 =	sshrl.u32 s0, $0x3  }
0xcd: {  	s16 =	spop (v2sf);
	s0 =	sadd.s32 s3, s0  }
0xce: {  	[tilespmem:s15], [sflag:$0x1] =	stream.linear.gather [hbm4b:s0+s2], $0x400, $0x38;
	[tilespmem:$0x8480] =	vst v63  }
0xcf: {  	s18 =	sld [smem:$0x7FD];
	s0 =	sor.u32 s4, s16  }
0xd0: {  	s0 =	sshrl.u32 s0, $0x3  }
0xd1: {  	s0 =	sadd.s32 s3, s0  }
0xd2: {  	[tilespmem:s18], [sflag:$0x1] =	stream.linear.gather [hbm4b:s0+s2], $0x400, $0x38;
	[tilespmem:$0x8480] =	vst v63  }
0xd3: {  	v5 =	vand.u32 $0x7, v5;
	_ =	swait.ge [sflag:s6], $0x400  }
0xd4: {  	v5 =	vshll.u32 v5, $0x7;
	s19 =	rddreg [dreg:$0x5]  }
0xd5: {  	v5 =	vadd.s32 s19, v5  }
0xd6: {  	(v2sf) =	vpush v5, $0x0;
	_ =	sdelay $0x2  }
0xd7: {  	(v2sf) =	vpush v5, $0x1;
	_ =	sdelay $0x2  }
0xd8: {  	(v2sf) =	vpush v5, $0x2;
	_ =	sdelay $0x2  }
0xd9: {  	(v2sf) =	vpush v5, $0x3;
	_ =	sdelay $0x5  }
0xda: {  	[sflag:s6] =	ssyncset.done $0x0;
	s20 =	spop (v2sf);
	(v2sf) =	vpush v5, $0x4  }
0xdb: {  	[sflag:s6] =	ssyncadd.s32 $0xFFFFFC00  }
0xdc: {  	v6 =	vld [tilespmem:s20+$0x0];
	_ =	swait.ge [sflag:s6], $0x400  }
0xdd: {  	[sflag:s6] =	ssyncset.done $0x0;
	s21 =	spop (v2sf);
	(v2sf) =	vpush v5, $0x5  }
0xde: {  	[sflag:s6] =	ssyncadd.s32 $0xFFFFFC00  }
0xdf: {  	v7 =	vld [tilespmem:s21+$0x400];
	_ =	swait.ge [sflag:s6], $0x400  }
0xe0: {  	[sflag:s6] =	ssyncset.done $0x0;
	s22 =	spop (v2sf);
	(v2sf) =	vpush v5, $0x6  }
0xe1: {  	[sflag:s6] =	ssyncadd.s32 $0xFFFFFC00  }
0xe2: {  	v52 =	vld [tilespmem:s22+$0x800];
	_ =	swait.ge [sflag:s6], $0x400  }
0xe3: {  	s23 =	spop (v2sf);
	(v2sf) =	vpush v5, $0x7;
	_ =	sdelay $0x2  }
0xe4: {  	[sflag:s6] =	ssyncset.done $0x0  }
0xe5: {  	[sflag:s6] =	ssyncadd.s32 $0xFFFFFC00  }
0xe6: {  	v53 =	vld [tilespmem:s23+$0xC00];
	_ =	swait.ge [sflag:s6], $0x400  }
0xe7: {  	[sflag:s6] =	ssyncset.done $0x0;
	s24 =	spop (v2sf);
	(v2sf) =	vpush v5, $0x8  }
0xe8: {  	[sflag:s6] =	ssyncadd.s32 $0xFFFFFC00  }
0xe9: {  	v10 =	vld [tilespmem:s24+$0x1000];
	_ =	swait.ge [sflag:s6], $0x400  }
0xea: {  	[sflag:s6] =	ssyncset.done $0x0;
	s25 =	spop (v2sf);
	(v2sf) =	vpush v5, $0x9  }
0xeb: {  	[sflag:s6] =	ssyncadd.s32 $0xFFFFFC00  }
0xec: {  	v11 =	vld [tilespmem:s25+$0x1400];
	_ =	swait.ge [sflag:s6], $0x400  }
0xed: {  	[sflag:s6] =	ssyncset.done $0x0;
	s26 =	spop (v2sf);
	(v2sf) =	vpush v5, $0xA  }
0xee: {  	[sflag:s6] =	ssyncadd.s32 $0xFFFFFC00  }
0xef: {  	v12 =	vld [tilespmem:s26+$0x1800];
	_ =	swait.ge [sflag:s6], $0x400  }
0xf0: {  	s28 =	spop (v2sf);
	(v2sf) =	vpush v5, $0xB;
	_ =	sdelay $0x2  }
0xf1: {  	[sflag:s6] =	ssyncset.done $0x0  }
0xf2: {  	[sflag:s6] =	ssyncadd.s32 $0xFFFFFC00  }
0xf3: {  	v13 =	vld [tilespmem:s28+$0x1C00];
	_ =	swait.ge [sflag:s6], $0x400  }
0xf4: {  	[sflag:s6] =	ssyncset.done $0x0;
	s29 =	spop (v2sf);
	(v2sf) =	vpush v5, $0xC  }
0xf5: {  	[sflag:s6] =	ssyncadd.s32 $0xFFFFFC00  }
0xf6: {  	v14 =	vld [tilespmem:s29+$0x2000];
	_ =	swait.ge [sflag:s6], $0x400  }
0xf7: {  	[sflag:s6] =	ssyncset.done $0x0;
	s30 =	spop (v2sf);
	(v2sf) =	vpush v5, $0xD  }
0xf8: {  	[sflag:s6] =	ssyncadd.s32 $0xFFFFFC00  }
0xf9: {  	v15 =	vld [tilespmem:s30+$0x2400];
	_ =	swait.ge [sflag:s6], $0x400  }
0xfa: {  	[sflag:s6] =	ssyncset.done $0x0;
	s31 =	spop (v2sf);
	(v2sf) =	vpush v5, $0xE  }
0xfb: {  	[sflag:s6] =	ssyncadd.s32 $0xFFFFFC00  }
0xfc: {  	v16 =	vld [tilespmem:s31+$0x2800];
	_ =	swait.ge [sflag:s6], $0x400  }
0xfd: {  	s1 =	spop (v2sf);
	(v2sf) =	vpush v5, $0xF;
	_ =	sdelay $0x1  }
0xfe: {  	[sflag:s6] =	ssyncset.done $0x0  }
0xff: {  	[sflag:s6] =	ssyncadd.s32 $0xFFFFFC00  }
0x100: {  	v5 =	vld [tilespmem:s1+$0x2C00];
	_ =	swait.ge [sflag:s6], $0x400  }
0x101: {  	[sflag:s6] =	ssyncset.done $0x0  }
0x102: {  	vm0 =	vmmov $0x1;
	[sflag:s6] =	ssyncadd.s32 $0xFFFFFC00;
	s5 =	spop (v2sf)  }
0x103: {  	vm1 =	vmmov $0x3;
	v6 =	vsel vm0, v6, v7;
	v17 =	vld [tilespmem:s5+$0x3000];
	_ =	swait.ge [sflag:s6], $0x400  }
0x104: {  	vm2 =	vmmov $0x7;
	v6 =	vsel vm1, v6, v52;
	[sflag:s6] =	ssyncset.done $0x0  }
0x105: {  	vm3 =	vmmov $0xf;
	v6 =	vsel vm2, v6, v53;
	s8 =	spop (v2sf);
	[sflag:s6] =	ssyncadd.s32 $0xFFFFFC00  }
0x106: {  	vm4 =	vmmov $0x1f;
	v6 =	vsel vm3, v6, v10;
	v7 =	vld [tilespmem:s8+$0x3400];
	_ =	swait.ge [sflag:s6], $0x400  }
0x107: {  	vm5 =	vmmov $0x3f;
	v6 =	vsel vm4, v6, v11;
	[sflag:s6] =	ssyncset.done $0x0  }
0x108: {  	vm6 =	vmmov $0x7f;
	v6 =	vsel vm5, v6, v12;
	s9 =	spop (v2sf);
	[sflag:s6] =	ssyncadd.s32 $0xFFFFFC00  }
0x109: {  	vm7 =	vmmov $0xff;
	v6 =	vsel vm6, v6, v13;
	v54 =	vld [tilespmem:s9+$0x3800];
	_ =	swait.ge [sflag:s6], $0x400  }
0x10a: {  	vm8 =	vmmov $0x1ff;
	v6 =	vsel vm7, v6, v14;
	[sflag:s6] =	ssyncset.done $0x0  }
0x10b: {  	vm9 =	vmmov $0x3ff;
	v6 =	vsel vm8, v6, v15;
	s10 =	spop (v2sf);
	[sflag:s6] =	ssyncadd.s32 $0xFFFFFC00  }
0x10c: {  	vm10 =	vmmov $0x7ff;
	v6 =	vsel vm9, v6, v16;
	v55 =	vld [tilespmem:s10+$0x3C00]  }
0x10d: {  	vm12 =	vmmov $0xfff;
	v5 =	vsel vm10, v6, v5  }
0x10e: {  	vm13 =	vmmov $0x1fff;
	v5 =	vsel vm12, v5, v17  }
0x10f: {  	vm14 =	vmmov $0x3fff;
	v5 =	vsel vm13, v5, v7  }
0x110: {  	vm11 =	vmmov $0x7fff;
	v2 =	vor.u32 v2, v3;
	v3 =	vsel vm14, v5, v54  }
0x111: {  	vm15 =	vlt.u32 v2, $0x80;
	v2 =	vsel vm11, v3, v55  }
0x112: {  	v2 =	vnsel vm15, $0xBDCCCCCD, v2  }
0x113: {  	[tilespmem:$0x8400] =	vst v2  }
0x114: {  	v2 =	vand.u32 $0x7, v4;
	_ =	swait.ge [sflag:s6], $0x400  }
0x115: {  	v2 =	vshll.u32 v2, $0x7;
	s11 =	rddreg [dreg:$0x6]  }
0x116: {  	v2 =	vadd.s32 s11, v2  }
0x117: {  	(v2sf) =	vpush v2, $0x0;
	_ =	sdelay $0x2  }
0x118: {  	(v2sf) =	vpush v2, $0x1;
	_ =	sdelay $0x2  }
0x119: {  	(v2sf) =	vpush v2, $0x2;
	_ =	sdelay $0x2  }
0x11a: {  	(v2sf) =	vpush v2, $0x3;
	_ =	sdelay $0x5  }
0x11b: {  	[sflag:s6] =	ssyncset.done $0x0;
	s12 =	spop (v2sf);
	(v2sf) =	vpush v2, $0x4  }
0x11c: {  	[sflag:s6] =	ssyncadd.s32 $0xFFFFFC00  }
0x11d: {  	v3 =	vld [tilespmem:s12+$0x4000];
	_ =	swait.ge [sflag:s6], $0x400  }
0x11e: {  	[sflag:s6] =	ssyncset.done $0x0;
	s13 =	spop (v2sf);
	(v2sf) =	vpush v2, $0x5  }
0x11f: {  	[sflag:s6] =	ssyncadd.s32 $0xFFFFFC00  }
0x120: {  	v4 =	vld [tilespmem:s13+$0x4400];
	_ =	swait.ge [sflag:s6], $0x400  }
0x121: {  	[sflag:s6] =	ssyncset.done $0x0;
	s14 =	spop (v2sf);
	(v2sf) =	vpush v2, $0x6  }
0x122: {  	[sflag:s6] =	ssyncadd.s32 $0xFFFFFC00  }
0x123: {  	v5 =	vld [tilespmem:s14+$0x4800];
	_ =	swait.ge [sflag:s6], $0x400  }
0x124: {  	s15 =	spop (v2sf);
	(v2sf) =	vpush v2, $0x7;
	_ =	sdelay $0x2  }
0x125: {  	[sflag:s6] =	ssyncset.done $0x0  }
0x126: {  	[sflag:s6] =	ssyncadd.s32 $0xFFFFFC00  }
0x127: {  	v6 =	vld [tilespmem:s15+$0x4C00];
	_ =	swait.ge [sflag:s6], $0x400  }
0x128: {  	[sflag:s6] =	ssyncset.done $0x0;
	s16 =	spop (v2sf);
	(v2sf) =	vpush v2, $0x8  }
0x129: {  	[sflag:s6] =	ssyncadd.s32 $0xFFFFFC00  }
0x12a: {  	v7 =	vld [tilespmem:s16+$0x5000];
	_ =	swait.ge [sflag:s6], $0x400  }
0x12b: {  	[sflag:s6] =	ssyncset.done $0x0;
	s18 =	spop (v2sf);
	(v2sf) =	vpush v2, $0x9  }
0x12c: {  	[sflag:s6] =	ssyncadd.s32 $0xFFFFFC00  }
0x12d: {  	v56 =	vld [tilespmem:s18+$0x5400];
	_ =	swait.ge [sflag:s6], $0x400  }
0x12e: {  	[sflag:s6] =	ssyncset.done $0x0;
	s19 =	spop (v2sf);
	(v2sf) =	vpush v2, $0xA  }
0x12f: {  	[sflag:s6] =	ssyncadd.s32 $0xFFFFFC00  }
0x130: {  	v57 =	vld [tilespmem:s19+$0x5800];
	_ =	swait.ge [sflag:s6], $0x400  }
0x131: {  	s20 =	spop (v2sf);
	(v2sf) =	vpush v2, $0xB;
	_ =	sdelay $0x2  }
0x132: {  	[sflag:s6] =	ssyncset.done $0x0  }
0x133: {  	[sflag:s6] =	ssyncadd.s32 $0xFFFFFC00  }
0x134: {  	v58 =	vld [tilespmem:s20+$0x5C00];
	_ =	swait.ge [sflag:s6], $0x400  }
0x135: {  	[sflag:s6] =	ssyncset.done $0x0;
	s21 =	spop (v2sf);
	(v2sf) =	vpush v2, $0xC  }
0x136: {  	[sflag:s6] =	ssyncadd.s32 $0xFFFFFC00  }
0x137: {  	v59 =	vld [tilespmem:s21+$0x6000];
	_ =	swait.ge [sflag:s6], $0x400  }
0x138: {  	[sflag:s6] =	ssyncset.done $0x0;
	s22 =	spop (v2sf);
	(v2sf) =	vpush v2, $0xD  }
0x139: {  	[sflag:s6] =	ssyncadd.s32 $0xFFFFFC00  }
0x13a: {  	v60 =	vld [tilespmem:s22+$0x6400];
	_ =	swait.ge [sflag:s6], $0x400  }
0x13b: {  	[sflag:s6] =	ssyncset.done $0x0;
	s23 =	spop (v2sf);
	(v2sf) =	vpush v2, $0xE  }
0x13c: {  	[sflag:s6] =	ssyncadd.s32 $0xFFFFFC00  }
0x13d: {  	v61 =	vld [tilespmem:s23+$0x6800];
	_ =	swait.ge [sflag:s6], $0x400  }
0x13e: {  	s24 =	spop (v2sf);
	(v2sf) =	vpush v2, $0xF;
	_ =	sdelay $0x1  }
0x13f: {  	[sflag:s6] =	ssyncset.done $0x0  }
0x140: {  	[sflag:s6] =	ssyncadd.s32 $0xFFFFFC00  }
0x141: {  	v62 =	vld [tilespmem:s24+$0x6C00];
	_ =	swait.ge [sflag:s6], $0x400  }
0x142: {  	v2 =	vsel vm0, v3, v4;
	[sflag:s6] =	ssyncset.done $0x0  }
0x143: {  	v2 =	vsel vm1, v2, v5;
	[sflag:s6] =	ssyncadd.s32 $0xFFFFFC00;
	s25 =	spop (v2sf)  }
0x144: {  	s28 =	ssub.s32 $0x2, s7;
	v2 =	vsel vm2, v2, v6;
	v63 =	vld [tilespmem:s25+$0x7000];
	_ =	swait.ge [sflag:s6], $0x400  }
0x145: {  	s30 =	sshrl.u32 s28, $0x1;
	v3 =	vsel vm3, v2, v7;
	[sflag:s6] =	ssyncset.done $0x0  }
0x146: {  	s0 =	ssub.s32 s28, s30;
	v3 =	vsel vm4, v3, v56;
	s26 =	spop (v2sf);
	[sflag:s6] =	ssyncadd.s32 $0xFFFFFC00  }
0x147: {  	s0 =	smax.u32 s0, $0x1;
	v3 =	vsel vm5, v3, v57;
	v2 =	vld [tilespmem:s26+$0x7400];
	_ =	swait.ge [sflag:s6], $0x400  }
0x148: {  	p0 =	sne.s32 s0, $0x1;
	v4 =	vsel vm6, v3, v58;
	[sflag:s6] =	ssyncset.done $0x0  }
.Ltmp0:
0x149: {  	v4 =	vsel vm7, v4, v59;
	s29 =	spop (v2sf);
	[sflag:s6] =	ssyncadd.s32 $0xFFFFFC00;
	(pc) =	sbr.rel @!p0 .LBB2_2-.Ltmp0, $4  }
0x14a: {  	v4 =	vsel vm8, v4, v60;
	v3 =	vld [tilespmem:s29+$0x7800];
	_ =	swait.ge [sflag:s6], $0x400  }
0x14b: {  	v4 =	vsel vm9, v4, v61;
	[sflag:s6] =	ssyncset.done $0x0  }
0x14c: {  	v5 =	vsel vm10, v4, v62;
	s31 =	spop (v2sf);
	[sflag:s6] =	ssyncadd.s32 $0xFFFFFC00  }
0x14d: {  	v0 =	vor.u32 v0, v1;
	s8 =	sadd.s32 $0xFFFFFFFF, s0;
	v1 =	vsel vm12, v5, v63;
	v4 =	vld [tilespmem:s31+$0x7C00]  }
.LBB2_1:
0x14e: {  	_ =	sdelay $0x1  }
0x14f: {  	v1 =	vsel vm13, v1, v2  }
0x150: {  	v1 =	vsel vm14, v1, v3  }
0x151: {  	s0 =	sld [smem:$0x7F5];
	vm15 =	vlt.u32 v0, $0x80;
	v0 =	vsel vm11, v1, v4  }
0x152: {  	v0 =	vnsel vm15, $0xBDCCCCCD, v0  }
0x153: {  	s1 =	rddreg [dreg:$0x7];
	s28 =	simm.s32 $0x2;
	[tilespmem:$0x8410] =	vst v0  }
0x154: {  	[hbm4b:s1+s2] =	stream.linear.scatter [tilespmem:s0], [sflag:$0x2], $0x20, $0x38;
	[tilespmem:$0x8480] =	vst v63  }
0x155: {  	_ =	swait.ge [sflag:s28], $0x20  }
0x156: {  	[sflag:s28] =	ssyncset.done $0x0  }
0x157: {  	s29 =	rddreg [dreg:$0x3];
	[sflag:s28] =	ssyncadd.s32 $0xFFFFFFE0  }
0x158: {  	[tilespmem:s2], [sflag:$0x1] =	stream.linear.gather [hbm4b:s29+s2], $0x400, $0x38;
	[tilespmem:$0x8480] =	vst v63  }
0x159: {  	_ =	swait.ge [sflag:s6], $0x400  }
0x15a: {  	[sflag:s6] =	ssyncset.done $0x0  }
0x15b: {  	[sflag:s6] =	ssyncadd.s32 $0xFFFFFC00  }
0x15c: {  	v0 =	vld [tilespmem:s17+$0x0]  }
0x15d: {  	v1 =	vld [tilespmem:s17+$0x80];
	_ =	sdelay $0x1  }
0x15e: {  	s30 =	rddreg [dreg:$0x4]  }
0x15f: {  	v2 =	vld [tilespmem:s30+$0x0]  }
0x160: {  	(erf) = vrcp.f32 v0  }
0x161: {  	v3 =	vld [tilespmem:s17+$0x90];
	(erf) = vrcp.f32 v1;
	_ =	sdelay $0x1  }
0x162: {  	s31 =	sld [smem:$0x7FD]  }
0x163: {  	s1 =	sld [smem:$0x7FB];
	(erf) = vrcp.f32 v2  }
0x164: {  	s5 =	sld [smem:$0x7FA];
	v2 =	vld [tilespmem:s17+$0x200]  }
0x165: {  	s7 =	sld [smem:$0x7F9];
	(erf) = vrcp.f32 v3;
	v3 =	vld [tilespmem:s17+$0x280]  }
0x166: {  	s9 =	sld [smem:$0x7F8];
	v4 =	vld [tilespmem:s17+$0x100]  }
0x167: {  	s10 =	sld [smem:$0x7F7];
	v5 =	vld [tilespmem:s17+$0x180]  }
0x168: {  	s11 =	sld [smem:$0x7F6];
	v1 =	vld [tilespmem:s17+$0x210];
	v7 =	vpop (erf)  }
0x169: {  	s12 =	rddreg [dreg:$0x1f];
	v6 =	vld [tilespmem:s17+$0x110];
	v2 =	vmul.f32 v7, v2;
	v8 =	vpop (erf)  }
0x16a: {  	s13 =	rddreg [dreg:$0x1e];
	v0 =	vld [tilespmem:s17+$0x290];
	v3 =	vmul.f32 v8, v3  }
0x16b: {  	s18 =	rddreg [dreg:$0x1d];
	v2 =	vadd.f32 v2, v4  }
0x16c: {  	s19 =	rddreg [dreg:$0x1c];
	v7 =	vld [tilespmem:s17+$0x190];
	v62 =	vpop (erf);
	v3 =	vadd.f32 v3, v5  }
0x16d: {  	s20 =	rddreg [dreg:$0x1b];
	v1 =	vmul.f32 v62, v1;
	v2 =	vtrunc.f32 v2  }
0x16e: {  	s21 =	rddreg [dreg:$0x1a];
	v4 =	vpop (erf);
	v2 =	vcvt.f32.s32 v2;
	v3 =	vtrunc.f32 v3  }
0x16f: {  	s23 =	rddreg [dreg:$0x18];
	v0 =	vmul.f32 v4, v0;
	v1 =	vadd.f32 v1, v6;
	v3 =	vcvt.f32.s32 v3  }
0x170: {  	s25 =	rddreg [dreg:$0x16];
	v4 =	vshll.u32 v2, $0x7  }
0x171: {  	s26 =	rddreg [dreg:$0x15];
	v0 =	vadd.f32 v0, v7;
	v1 =	vtrunc.f32 v1;
	v4 =	vadd.s32 v3, v4  }
0x172: {  	s28 =	rddreg [dreg:$0x14];
	v5 =	vcvt.f32.s32 v1;
	vm15 =	vgt.s32 v4, $0x0  }
0x173: {  	s29 =	rddreg [dreg:$0x13];
	v0 =	vtrunc.f32 v0;
	v1 =	vor.u32 v2, v3;
	v3 =	vnsel vm15, $0x0, v4  }
0x174: {  	s0 =	rddreg [dreg:$0x10];
	v0 =	vcvt.f32.s32 v0;
	v3 =	vmin.u32 v3, $0x3FFF  }
0x175: {  	s14 =	rddreg [dreg:$0x8];
	v2 =	vshll.u32 v5, $0x7;
	v4 =	vand.u32 $0x3FF8, v3  }
0x176: {  	[smem:$0x7ED] =	sst s12;
	v2 =	vadd.s32 v0, v2;
	v0 =	vor.u32 v5, v0;
	v5 =	vshll.u32 v4, $0xA  }
0x177: {  	[smem:$0x7EC] =	sst s13;
	(v2sf) =	vpush v5, $0x0  }
0x178: {  	s12 =	rddreg [dreg:$0x9];
	(v2sf) =	vpush v5, $0x1  }
0x179: {  	s30 =	rddreg [dreg:$0x12];
	(v2sf) =	vpush v5, $0x2  }
0x17a: {  	[smem:$0x7F4] =	sst s31  }
0x17b: {  	[smem:$0x7F3] =	sst s1  }
0x17c: {  	[smem:$0x7F2] =	sst s5;
	(v2sf) =	vpush v5, $0x3  }
0x17d: {  	[smem:$0x7F1] =	sst s7  }
0x17e: {  	[smem:$0x7F0] =	sst s9;
	(v2sf) =	vpush v5, $0x4  }
0x17f: {  	[smem:$0x7EF] =	sst s10;
	(v2sf) =	vpush v5, $0x5  }
0x180: {  	[smem:$0x7EE] =	sst s11  }
0x181: {  	s31 =	rddreg [dreg:$0x11]  }
0x182: {  	s1 =	rddreg [dreg:$0xf]  }
0x183: {  	s7 =	rddreg [dreg:$0xe];
	(v2sf) =	vpush v5, $0x6  }
0x184: {  	s5 =	rddreg [dreg:$0xd]  }
0x185: {  	s9 =	rddreg [dreg:$0xc];
	(v2sf) =	vpush v5, $0x7  }
0x186: {  	s10 =	rddreg [dreg:$0xb];
	s13 =	spop (v2sf)  }
0x187: {  	s11 =	rddreg [dreg:$0xa];
	(v2sf) =	vpush v5, $0x8;
	s13 =	sor.u32 s4, s13;
	s15 =	spop (v2sf)  }
0x188: {  	s13 =	sshrl.u32 s13, $0x3;
	s15 =	sor.u32 s4, s15;
	s16 =	spop (v2sf)  }
0x189: {  	s13 =	sadd.s32 s3, s13;
	s15 =	sshrl.u32 s15, $0x3;
	s16 =	sor.u32 s4, s16  }
0x18a: {  	(v2sf) =	vpush v5, $0x9;
	[tilespmem:s14], [sflag:$0x1] =	stream.linear.gather [hbm4b:s13+s2], $0x400, $0x38;
	[tilespmem:$0x8480] =	vst v63  }
0x18b: {  	s14 =	sadd.s32 s3, s15;
	s15 =	sshrl.u32 s16, $0x3;
	s16 =	spop (v2sf)  }
0x18c: {  	(v2sf) =	vpush v5, $0xA;
	[tilespmem:s12], [sflag:$0x1] =	stream.linear.gather [hbm4b:s14+s2], $0x400, $0x38;
	[tilespmem:$0x8480] =	vst v63  }
0x18d: {  	s14 =	sadd.s32 s3, s15;
	s15 =	sor.u32 s4, s16;
	s16 =	spop (v2sf)  }
0x18e: {  	(v2sf) =	vpush v5, $0xB;
	s13 =	sshrl.u32 s15, $0x3;
	s15 =	sor.u32 s4, s16;
	s16 =	spop (v2sf)  }
0x18f: {  	[tilespmem:s11], [sflag:$0x1] =	stream.linear.gather [hbm4b:s14+s2], $0x400, $0x38;
	[tilespmem:$0x8480] =	vst v63  }
0x190: {  	s11 =	sadd.s32 s3, s13;
	s12 =	sshrl.u32 s15, $0x3;
	s13 =	sor.u32 s4, s16  }
0x191: {  	(v2sf) =	vpush v5, $0xC;
	[tilespmem:s10], [sflag:$0x1] =	stream.linear.gather [hbm4b:s11+s2], $0x400, $0x38;
	[tilespmem:$0x8480] =	vst v63  }
0x192: {  	s15 =	spop (v2sf);
	(v2sf) =	vpush v5, $0xD;
	s14 =	sshrl.u32 s13, $0x3;
	s10 =	sadd.s32 s3, s12  }
0x193: {  	[tilespmem:s9], [sflag:$0x1] =	stream.linear.gather [hbm4b:s10+s2], $0x400, $0x38;
	[tilespmem:$0x8480] =	vst v63  }
0x194: {  	s16 =	spop (v2sf);
	(v2sf) =	vpush v5, $0xE;
	s11 =	sadd.s32 s3, s14;
	s12 =	sor.u32 s4, s15  }
0x195: {  	vm15 =	vgt.s32 v2, $0x0;
	[tilespmem:s5], [sflag:$0x1] =	stream.linear.gather [hbm4b:s11+s2], $0x400, $0x38;
	[tilespmem:$0x8480] =	vst v63  }
0x196: {  	v2 =	vnsel vm15, $0x0, v2;
	s15 =	sor.u32 s4, s16;
	s14 =	sshrl.u32 s12, $0x3;
	s16 =	spop (v2sf)  }
0x197: {  	v2 =	vmin.u32 v2, $0x3FFF;
	s13 =	sadd.s32 s3, s14;
	s14 =	sshrl.u32 s15, $0x3;
	s15 =	sor.u32 s4, s16  }
0x198: {  	v4 =	vand.u32 $0x3FF8, v2;
	(v2sf) =	vpush v5, $0xF;
	[tilespmem:s7], [sflag:$0x1] =	stream.linear.gather [hbm4b:s13+s2], $0x400, $0x38;
	[tilespmem:$0x8480] =	vst v63  }
0x199: {  	v4 =	vshll.u32 v4, $0xA;
	s16 =	sadd.s32 s3, s14;
	s11 =	sshrl.u32 s15, $0x3;
	s12 =	spop (v2sf)  }
0x19a: {  	(v2sf) =	vpush v4, $0x0;
	[tilespmem:s1], [sflag:$0x1] =	stream.linear.gather [hbm4b:s16+s2], $0x400, $0x38;
	[tilespmem:$0x8480] =	vst v63  }
0x19b: {  	s7 =	sadd.s32 s3, s11;
	s9 =	sor.u32 s4, s12;
	s13 =	spop (v2sf)  }
0x19c: {  	[tilespmem:s0], [sflag:$0x1] =	stream.linear.gather [hbm4b:s7+s2], $0x400, $0x38;
	[tilespmem:$0x8480] =	vst v63  }
0x19d: {  	(v2sf) =	vpush v4, $0x1;
	s14 =	sshrl.u32 s9, $0x3;
	s15 =	sor.u32 s4, s13;
	s16 =	spop (v2sf)  }
0x19e: {  	s7 =	sadd.s32 s3, s14;
	s10 =	sshrl.u32 s15, $0x3;
	s11 =	sor.u32 s4, s16  }
0x19f: {  	(v2sf) =	vpush v4, $0x2;
	[tilespmem:s31], [sflag:$0x1] =	stream.linear.gather [hbm4b:s7+s2], $0x400, $0x38;
	[tilespmem:$0x8480] =	vst v63  }
0x1a0: {  	s12 =	sadd.s32 s3, s10;
	s14 =	spop (v2sf);
	s13 =	sshrl.u32 s11, $0x3  }
0x1a1: {  	s5 =	sor.u32 s4, s14;
	s15 =	spop (v2sf);
	s1 =	sadd.s32 s3, s13  }
0x1a2: {  	(v2sf) =	vpush v4, $0x3;
	[tilespmem:s30], [sflag:$0x1] =	stream.linear.gather [hbm4b:s12+s2], $0x400, $0x38;
	[tilespmem:$0x8480] =	vst v63  }
0x1a3: {  	s16 =	sshrl.u32 s5, $0x3;
	s30 =	sor.u32 s4, s15;
	s31 =	spop (v2sf)  }
0x1a4: {  	(v2sf) =	vpush v4, $0x4;
	[tilespmem:s29], [sflag:$0x1] =	stream.linear.gather [hbm4b:s1+s2], $0x400, $0x38;
	[tilespmem:$0x8480] =	vst v63  }
0x1a5: {  	(v2sf) =	vpush v4, $0x5;
	s0 =	sadd.s32 s3, s16;
	s5 =	sshrl.u32 s30, $0x3;
	s9 =	sor.u32 s4, s31  }
0x1a6: {  	[tilespmem:s28], [sflag:$0x1] =	stream.linear.gather [hbm4b:s0+s2], $0x400, $0x38;
	[tilespmem:$0x8480] =	vst v63  }
0x1a7: {  	s10 =	sadd.s32 s3, s5;
	s11 =	sshrl.u32 s9, $0x3;
	s12 =	spop (v2sf)  }
0x1a8: {  	[tilespmem:s26], [sflag:$0x1] =	stream.linear.gather [hbm4b:s10+s2], $0x400, $0x38;
	[tilespmem:$0x8480] =	vst v63  }
0x1a9: {  	s1 =	sadd.s32 s3, s11;
	s5 =	sor.u32 s4, s12;
	s13 =	spop (v2sf)  }
0x1aa: {  	[tilespmem:s25], [sflag:$0x1] =	stream.linear.gather [hbm4b:s1+s2], $0x400, $0x38;
	[tilespmem:$0x8480] =	vst v63  }
0x1ab: {  	s24 =	rddreg [dreg:$0x17];
	(v2sf) =	vpush v4, $0x6;
	s14 =	sshrl.u32 s5, $0x3;
	s15 =	sor.u32 s4, s13  }
0x1ac: {  	s0 =	sadd.s32 s3, s14;
	s16 =	spop (v2sf);
	s25 =	sshrl.u32 s15, $0x3  }
0x1ad: {  	(v2sf) =	vpush v4, $0x7;
	[tilespmem:s24], [sflag:$0x1] =	stream.linear.gather [hbm4b:s0+s2], $0x400, $0x38;
	[tilespmem:$0x8480] =	vst v63  }
0x1ae: {  	s26 =	sor.u32 s4, s16;
	s28 =	sadd.s32 s3, s25;
	s30 =	spop (v2sf)  }
0x1af: {  	(v2sf) =	vpush v4, $0x8;
	[tilespmem:s23], [sflag:$0x1] =	stream.linear.gather [hbm4b:s28+s2], $0x400, $0x38;
	[tilespmem:$0x8480] =	vst v63  }
0x1b0: {  	s22 =	rddreg [dreg:$0x19];
	s29 =	sshrl.u32 s26, $0x3;
	s5 =	sor.u32 s4, s30  }
0x1b1: {  	(v2sf) =	vpush v4, $0x9;
	s1 =	sadd.s32 s3, s29;
	s31 =	spop (v2sf);
	s9 =	sshrl.u32 s5, $0x3  }
0x1b2: {  	[tilespmem:s22], [sflag:$0x1] =	stream.linear.gather [hbm4b:s1+s2], $0x400, $0x38;
	[tilespmem:$0x8480] =	vst v63  }
0x1b3: {  	s10 =	sor.u32 s4, s31;
	s11 =	spop (v2sf);
	s0 =	sadd.s32 s3, s9  }
0x1b4: {  	(v2sf) =	vpush v4, $0xA;
	s12 =	sshrl.u32 s10, $0x3;
	s13 =	sor.u32 s4, s11;
	s16 =	spop (v2sf)  }
0x1b5: {  	[tilespmem:s21], [sflag:$0x1] =	stream.linear.gather [hbm4b:s0+s2], $0x400, $0x38;
	[tilespmem:$0x8480] =	vst v63  }
0x1b6: {  	(v2sf) =	vpush v4, $0xB;
	s14 =	sadd.s32 s3, s12;
	s15 =	sshrl.u32 s13, $0x3;
	s5 =	sor.u32 s4, s16  }
0x1b7: {  	[tilespmem:s20], [sflag:$0x1] =	stream.linear.gather [hbm4b:s14+s2], $0x400, $0x38;
	[tilespmem:$0x8480] =	vst v63  }
0x1b8: {  	s10 =	sld [smem:$0x7EC];
	s1 =	sadd.s32 s3, s15;
	s22 =	sshrl.u32 s5, $0x3  }
0x1b9: {  	(v2sf) =	vpush v4, $0xC;
	[tilespmem:s19], [sflag:$0x1] =	stream.linear.gather [hbm4b:s1+s2], $0x400, $0x38;
	[tilespmem:$0x8480] =	vst v63  }
0x1ba: {  	s0 =	sadd.s32 s3, s22;
	s14 =	sld [smem:$0x7ED];
	s21 =	spop (v2sf)  }
0x1bb: {  	[tilespmem:s18], [sflag:$0x1] =	stream.linear.gather [hbm4b:s0+s2], $0x400, $0x38;
	[tilespmem:$0x8480] =	vst v63  }
0x1bc: {  	s23 =	sor.u32 s4, s21;
	s18 =	sld [smem:$0x7EE];
	s24 =	spop (v2sf)  }
0x1bd: {  	(v2sf) =	vpush v4, $0xD;
	s25 =	sshrl.u32 s23, $0x3;
	s23 =	sld [smem:$0x7EF];
	s26 =	sor.u32 s4, s24  }
0x1be: {  	s28 =	sadd.s32 s3, s25;
	s29 =	sshrl.u32 s26, $0x3;
	s30 =	spop (v2sf)  }
0x1bf: {  	[tilespmem:s10], [sflag:$0x1] =	stream.linear.gather [hbm4b:s28+s2], $0x400, $0x38;
	[tilespmem:$0x8480] =	vst v63  }
0x1c0: {  	(v2sf) =	vpush v4, $0xE;
	s1 =	sadd.s32 s3, s29;
	s5 =	sor.u32 s4, s30;
	s31 =	spop (v2sf)  }
0x1c1: {  	(v2sf) =	vpush v4, $0xF;
	[tilespmem:s14], [sflag:$0x1] =	stream.linear.gather [hbm4b:s1+s2], $0x400, $0x38;
	[tilespmem:$0x8480] =	vst v63  }
0x1c2: {  	s28 =	sld [smem:$0x7F0];
	s11 =	sshrl.u32 s5, $0x3;
	s12 =	sor.u32 s4, s31  }
0x1c3: {  	s13 =	spop (v2sf);
	s0 =	sadd.s32 s3, s11;
	s31 =	sld [smem:$0x7F1]  }
0x1c4: {  	[tilespmem:s18], [sflag:$0x1] =	stream.linear.gather [hbm4b:s0+s2], $0x400, $0x38;
	[tilespmem:$0x8480] =	vst v63  }
0x1c5: {  	s15 =	sshrl.u32 s12, $0x3;
	s16 =	sor.u32 s4, s13;
	s21 =	spop (v2sf)  }
0x1c6: {  	s19 =	sadd.s32 s3, s15;
	s20 =	sshrl.u32 s16, $0x3;
	s5 =	sor.u32 s4, s21  }
0x1c7: {  	[tilespmem:s23], [sflag:$0x1] =	stream.linear.gather [hbm4b:s19+s2], $0x400, $0x38;
	[tilespmem:$0x8480] =	vst v63  }
0x1c8: {  	s22 =	spop (v2sf);
	s1 =	sadd.s32 s3, s20;
	s24 =	sshrl.u32 s5, $0x3  }
0x1c9: {  	[tilespmem:s28], [sflag:$0x1] =	stream.linear.gather [hbm4b:s1+s2], $0x400, $0x38;
	[tilespmem:$0x8480] =	vst v63  }
0x1ca: {  	s13 =	sld [smem:$0x7F2];
	s25 =	sor.u32 s4, s22;
	s0 =	sadd.s32 s3, s24  }
0x1cb: {  	[tilespmem:s31], [sflag:$0x1] =	stream.linear.gather [hbm4b:s0+s2], $0x400, $0x38;
	[tilespmem:$0x8480] =	vst v63  }
0x1cc: {  	s29 =	sshrl.u32 s25, $0x3;
	s26 =	spop (v2sf)  }
0x1cd: {  	s16 =	sld [smem:$0x7F3];
	s9 =	sadd.s32 s3, s29;
	s30 =	sor.u32 s4, s26  }
0x1ce: {  	[tilespmem:s13], [sflag:$0x1] =	stream.linear.gather [hbm4b:s9+s2], $0x400, $0x38;
	[tilespmem:$0x8480] =	vst v63  }
0x1cf: {  	s15 =	sld [smem:$0x7FC];
	s10 =	sshrl.u32 s30, $0x3;
	s11 =	spop (v2sf)  }
0x1d0: {  	s1 =	sadd.s32 s3, s10;
	s5 =	sor.u32 s4, s11;
	s12 =	spop (v2sf)  }
0x1d1: {  	[tilespmem:s16], [sflag:$0x1] =	stream.linear.gather [hbm4b:s1+s2], $0x400, $0x38;
	[tilespmem:$0x8480] =	vst v63  }
0x1d2: {  	s14 =	sshrl.u32 s5, $0x3;
	s7 =	sor.u32 s4, s12  }
0x1d3: {  	s20 =	sld [smem:$0x7F4];
	s0 =	sadd.s32 s3, s14;
	s18 =	sshrl.u32 s7, $0x3  }
0x1d4: {  	[tilespmem:s15], [sflag:$0x1] =	stream.linear.gather [hbm4b:s0+s2], $0x400, $0x38;
	[tilespmem:$0x8480] =	vst v63  }
0x1d5: {  	s19 =	sadd.s32 s3, s18  }
0x1d6: {  	[tilespmem:s20], [sflag:$0x1] =	stream.linear.gather [hbm4b:s19+s2], $0x400, $0x38;
	[tilespmem:$0x8480] =	vst v63  }
0x1d7: {  	v3 =	vand.u32 $0x7, v3;
	_ =	swait.ge [sflag:s6], $0x400  }
0x1d8: {  	v3 =	vshll.u32 v3, $0x7;
	s21 =	rddreg [dreg:$0x5]  }
0x1d9: {  	v3 =	vadd.s32 s21, v3  }
0x1da: {  	(v2sf) =	vpush v3, $0x0;
	_ =	sdelay $0x2  }
0x1db: {  	(v2sf) =	vpush v3, $0x1;
	_ =	sdelay $0x2  }
0x1dc: {  	(v2sf) =	vpush v3, $0x2;
	_ =	sdelay $0x2  }
0x1dd: {  	(v2sf) =	vpush v3, $0x3;
	_ =	sdelay $0x5  }
0x1de: {  	[sflag:s6] =	ssyncset.done $0x0;
	s22 =	spop (v2sf);
	(v2sf) =	vpush v3, $0x4  }
0x1df: {  	[sflag:s6] =	ssyncadd.s32 $0xFFFFFC00  }
0x1e0: {  	v4 =	vld [tilespmem:s22+$0x0];
	_ =	swait.ge [sflag:s6], $0x400  }
0x1e1: {  	[sflag:s6] =	ssyncset.done $0x0;
	s23 =	spop (v2sf);
	(v2sf) =	vpush v3, $0x5  }
0x1e2: {  	[sflag:s6] =	ssyncadd.s32 $0xFFFFFC00  }
0x1e3: {  	v5 =	vld [tilespmem:s23+$0x400];
	_ =	swait.ge [sflag:s6], $0x400  }
0x1e4: {  	[sflag:s6] =	ssyncset.done $0x0;
	s24 =	spop (v2sf);
	(v2sf) =	vpush v3, $0x6  }
0x1e5: {  	[sflag:s6] =	ssyncadd.s32 $0xFFFFFC00  }
0x1e6: {  	v6 =	vld [tilespmem:s24+$0x800];
	_ =	swait.ge [sflag:s6], $0x400  }
0x1e7: {  	s25 =	spop (v2sf);
	(v2sf) =	vpush v3, $0x7;
	_ =	sdelay $0x2  }
0x1e8: {  	[sflag:s6] =	ssyncset.done $0x0  }
0x1e9: {  	[sflag:s6] =	ssyncadd.s32 $0xFFFFFC00  }
0x1ea: {  	v4 =	vsel vm0, v4, v5;
	v5 =	vld [tilespmem:s25+$0xC00];
	_ =	swait.ge [sflag:s6], $0x400  }
0x1eb: {  	[sflag:s6] =	ssyncset.done $0x0;
	s26 =	spop (v2sf);
	(v2sf) =	vpush v3, $0x8  }
0x1ec: {  	[sflag:s6] =	ssyncadd.s32 $0xFFFFFC00  }
0x1ed: {  	v7 =	vld [tilespmem:s26+$0x1000];
	_ =	swait.ge [sflag:s6], $0x400  }
0x1ee: {  	[sflag:s6] =	ssyncset.done $0x0;
	s28 =	spop (v2sf);
	(v2sf) =	vpush v3, $0x9  }
0x1ef: {  	[sflag:s6] =	ssyncadd.s32 $0xFFFFFC00  }
0x1f0: {  	v63 =	vld [tilespmem:s28+$0x1400];
	_ =	swait.ge [sflag:s6], $0x400  }
0x1f1: {  	[sflag:s6] =	ssyncset.done $0x0;
	s29 =	spop (v2sf);
	(v2sf) =	vpush v3, $0xA  }
0x1f2: {  	[sflag:s6] =	ssyncadd.s32 $0xFFFFFC00  }
0x1f3: {  	v9 =	vld [tilespmem:s29+$0x1800];
	_ =	swait.ge [sflag:s6], $0x400  }
0x1f4: {  	s30 =	spop (v2sf);
	(v2sf) =	vpush v3, $0xB;
	_ =	sdelay $0x2  }
0x1f5: {  	[sflag:s6] =	ssyncset.done $0x0  }
0x1f6: {  	[sflag:s6] =	ssyncadd.s32 $0xFFFFFC00  }
0x1f7: {  	v10 =	vld [tilespmem:s30+$0x1C00];
	_ =	swait.ge [sflag:s6], $0x400  }
0x1f8: {  	[sflag:s6] =	ssyncset.done $0x0;
	s31 =	spop (v2sf);
	(v2sf) =	vpush v3, $0xC  }
0x1f9: {  	[sflag:s6] =	ssyncadd.s32 $0xFFFFFC00  }
0x1fa: {  	v11 =	vld [tilespmem:s31+$0x2000];
	_ =	swait.ge [sflag:s6], $0x400  }
0x1fb: {  	[sflag:s6] =	ssyncset.done $0x0;
	s1 =	spop (v2sf);
	(v2sf) =	vpush v3, $0xD  }
0x1fc: {  	[sflag:s6] =	ssyncadd.s32 $0xFFFFFC00  }
0x1fd: {  	v12 =	vld [tilespmem:s1+$0x2400];
	_ =	swait.ge [sflag:s6], $0x400  }
0x1fe: {  	[sflag:s6] =	ssyncset.done $0x0;
	s5 =	spop (v2sf);
	(v2sf) =	vpush v3, $0xE  }
0x1ff: {  	[sflag:s6] =	ssyncadd.s32 $0xFFFFFC00  }
0x200: {  	v13 =	vld [tilespmem:s5+$0x2800];
	_ =	swait.ge [sflag:s6], $0x400  }
0x201: {  	s7 =	spop (v2sf);
	(v2sf) =	vpush v3, $0xF;
	_ =	sdelay $0x1  }
0x202: {  	[sflag:s6] =	ssyncset.done $0x0  }
0x203: {  	[sflag:s6] =	ssyncadd.s32 $0xFFFFFC00  }
0x204: {  	v3 =	vld [tilespmem:s7+$0x2C00];
	_ =	swait.ge [sflag:s6], $0x400  }
0x205: {  	[sflag:s6] =	ssyncset.done $0x0  }
0x206: {  	[sflag:s6] =	ssyncadd.s32 $0xFFFFFC00;
	s9 =	spop (v2sf)  }
0x207: {  	v4 =	vsel vm1, v4, v6;
	v14 =	vld [tilespmem:s9+$0x3000];
	_ =	swait.ge [sflag:s6], $0x400  }
0x208: {  	v4 =	vsel vm2, v4, v5;
	[sflag:s6] =	ssyncset.done $0x0  }
0x209: {  	v4 =	vsel vm3, v4, v7;
	s10 =	spop (v2sf);
	[sflag:s6] =	ssyncadd.s32 $0xFFFFFC00  }
0x20a: {  	v4 =	vsel vm4, v4, v63;
	v5 =	vld [tilespmem:s10+$0x3400];
	_ =	swait.ge [sflag:s6], $0x400  }
0x20b: {  	v4 =	vsel vm5, v4, v9;
	[sflag:s6] =	ssyncset.done $0x0  }
0x20c: {  	v4 =	vsel vm6, v4, v10;
	s11 =	spop (v2sf);
	[sflag:s6] =	ssyncadd.s32 $0xFFFFFC00  }
0x20d: {  	v4 =	vsel vm7, v4, v11;
	v6 =	vld [tilespmem:s11+$0x3800];
	_ =	swait.ge [sflag:s6], $0x400  }
0x20e: {  	v4 =	vsel vm8, v4, v12;
	[sflag:s6] =	ssyncset.done $0x0  }
0x20f: {  	v4 =	vsel vm9, v4, v13;
	s12 =	spop (v2sf);
	[sflag:s6] =	ssyncadd.s32 $0xFFFFFC00  }
0x210: {  	v3 =	vsel vm10, v4, v3;
	v4 =	vld [tilespmem:s12+$0x3C00];
	_ =	sdelay $0x1  }
0x211: {  	v3 =	vsel vm12, v3, v14  }
0x212: {  	v3 =	vsel vm13, v3, v5  }
0x213: {  	v3 =	vsel vm14, v3, v6  }
0x214: {  	vm15 =	vlt.u32 v1, $0x80;
	v1 =	vsel vm11, v3, v4  }
0x215: {  	v1 =	vnsel vm15, $0xBDCCCCCD, v1  }
0x216: {  	[tilespmem:$0x8400] =	vst v1  }
0x217: {  	v2 =	vand.u32 $0x7, v2;
	_ =	swait.ge [sflag:s6], $0x400  }
0x218: {  	v1 =	vshll.u32 v2, $0x7;
	s13 =	rddreg [dreg:$0x6]  }
0x219: {  	v1 =	vadd.s32 s13, v1  }
0x21a: {  	(v2sf) =	vpush v1, $0x0;
	_ =	sdelay $0x2  }
0x21b: {  	(v2sf) =	vpush v1, $0x1;
	_ =	sdelay $0x2  }
0x21c: {  	(v2sf) =	vpush v1, $0x2;
	_ =	sdelay $0x2  }
0x21d: {  	(v2sf) =	vpush v1, $0x3;
	_ =	sdelay $0x5  }
0x21e: {  	[sflag:s6] =	ssyncset.done $0x0;
	s14 =	spop (v2sf);
	(v2sf) =	vpush v1, $0x4  }
0x21f: {  	[sflag:s6] =	ssyncadd.s32 $0xFFFFFC00  }
0x220: {  	v2 =	vld [tilespmem:s14+$0x4000];
	_ =	swait.ge [sflag:s6], $0x400  }
0x221: {  	[sflag:s6] =	ssyncset.done $0x0;
	s15 =	spop (v2sf);
	(v2sf) =	vpush v1, $0x5  }
0x222: {  	[sflag:s6] =	ssyncadd.s32 $0xFFFFFC00  }
0x223: {  	v3 =	vld [tilespmem:s15+$0x4400];
	_ =	swait.ge [sflag:s6], $0x400  }
0x224: {  	[sflag:s6] =	ssyncset.done $0x0;
	s16 =	spop (v2sf);
	(v2sf) =	vpush v1, $0x6  }
0x225: {  	[sflag:s6] =	ssyncadd.s32 $0xFFFFFC00  }
0x226: {  	v4 =	vld [tilespmem:s16+$0x4800];
	_ =	swait.ge [sflag:s6], $0x400  }
0x227: {  	s18 =	spop (v2sf);
	(v2sf) =	vpush v1, $0x7;
	_ =	sdelay $0x2  }
0x228: {  	[sflag:s6] =	ssyncset.done $0x0  }
0x229: {  	[sflag:s6] =	ssyncadd.s32 $0xFFFFFC00  }
0x22a: {  	v2 =	vsel vm0, v2, v3;
	v3 =	vld [tilespmem:s18+$0x4C00];
	_ =	swait.ge [sflag:s6], $0x400  }
0x22b: {  	[sflag:s6] =	ssyncset.done $0x0;
	s19 =	spop (v2sf);
	(v2sf) =	vpush v1, $0x8  }
0x22c: {  	[sflag:s6] =	ssyncadd.s32 $0xFFFFFC00  }
0x22d: {  	v5 =	vld [tilespmem:s19+$0x5000];
	_ =	swait.ge [sflag:s6], $0x400  }
0x22e: {  	[sflag:s6] =	ssyncset.done $0x0;
	s20 =	spop (v2sf);
	(v2sf) =	vpush v1, $0x9  }
0x22f: {  	[sflag:s6] =	ssyncadd.s32 $0xFFFFFC00  }
0x230: {  	v6 =	vld [tilespmem:s20+$0x5400];
	_ =	swait.ge [sflag:s6], $0x400  }
0x231: {  	[sflag:s6] =	ssyncset.done $0x0;
	s21 =	spop (v2sf);
	(v2sf) =	vpush v1, $0xA  }
0x232: {  	v2 =	vsel vm1, v2, v4;
	[sflag:s6] =	ssyncadd.s32 $0xFFFFFC00  }
0x233: {  	v2 =	vsel vm2, v2, v3;
	v3 =	vld [tilespmem:s21+$0x5800];
	_ =	swait.ge [sflag:s6], $0x400  }
0x234: {  	s22 =	spop (v2sf);
	(v2sf) =	vpush v1, $0xB;
	_ =	sdelay $0x2  }
0x235: {  	[sflag:s6] =	ssyncset.done $0x0  }
0x236: {  	[sflag:s6] =	ssyncadd.s32 $0xFFFFFC00  }
0x237: {  	v4 =	vld [tilespmem:s22+$0x5C00];
	_ =	swait.ge [sflag:s6], $0x400  }
0x238: {  	v2 =	vsel vm3, v2, v5;
	[sflag:s6] =	ssyncset.done $0x0;
	s23 =	spop (v2sf);
	(v2sf) =	vpush v1, $0xC  }
0x239: {  	v2 =	vsel vm4, v2, v6;
	[sflag:s6] =	ssyncadd.s32 $0xFFFFFC00  }
0x23a: {  	v2 =	vsel vm5, v2, v3;
	v3 =	vld [tilespmem:s23+$0x6000];
	_ =	swait.ge [sflag:s6], $0x400  }
0x23b: {  	[sflag:s6] =	ssyncset.done $0x0;
	s24 =	spop (v2sf);
	(v2sf) =	vpush v1, $0xD  }
0x23c: {  	[sflag:s6] =	ssyncadd.s32 $0xFFFFFC00  }
0x23d: {  	v5 =	vld [tilespmem:s24+$0x6400];
	_ =	swait.ge [sflag:s6], $0x400  }
0x23e: {  	[sflag:s6] =	ssyncset.done $0x0;
	s25 =	spop (v2sf);
	(v2sf) =	vpush v1, $0xE  }
0x23f: {  	[sflag:s6] =	ssyncadd.s32 $0xFFFFFC00  }
0x240: {  	v6 =	vld [tilespmem:s25+$0x6800];
	_ =	swait.ge [sflag:s6], $0x400  }
0x241: {  	s26 =	spop (v2sf);
	(v2sf) =	vpush v1, $0xF;
	_ =	sdelay $0x1  }
0x242: {  	[sflag:s6] =	ssyncset.done $0x0  }
0x243: {  	[sflag:s6] =	ssyncadd.s32 $0xFFFFFC00  }
0x244: {  	v1 =	vld [tilespmem:s26+$0x6C00];
	_ =	swait.ge [sflag:s6], $0x400  }
0x245: {  	[sflag:s6] =	ssyncset.done $0x0  }
0x246: {  	v2 =	vsel vm6, v2, v4;
	[sflag:s6] =	ssyncadd.s32 $0xFFFFFC00;
	s28 =	spop (v2sf)  }
0x247: {  	v2 =	vsel vm7, v2, v3;
	v4 =	vld [tilespmem:s28+$0x7000];
	_ =	swait.ge [sflag:s6], $0x400  }
0x248: {  	v2 =	vsel vm8, v2, v5;
	[sflag:s6] =	ssyncset.done $0x0  }
0x249: {  	v2 =	vsel vm9, v2, v6;
	s29 =	spop (v2sf);
	[sflag:s6] =	ssyncadd.s32 $0xFFFFFC00  }
0x24a: {  	v1 =	vsel vm10, v2, v1;
	v2 =	vld [tilespmem:s29+$0x7400];
	_ =	swait.ge [sflag:s6], $0x400  }
0x24b: {  	p0 =	sne.s32 s8, $0x1;
	[sflag:s6] =	ssyncset.done $0x0  }
.Ltmp1:
0x24c: {  	s30 =	spop (v2sf);
	[sflag:s6] =	ssyncadd.s32 $0xFFFFFC00;
	(pc) =	sbr.rel @p0 .LBB2_1-.Ltmp1, $4  }
0x24d: {  	v3 =	vld [tilespmem:s30+$0x7800];
	_ =	swait.ge [sflag:s6], $0x400  }
0x24e: {  	[sflag:s6] =	ssyncset.done $0x0  }
0x24f: {  	s31 =	spop (v2sf);
	[sflag:s6] =	ssyncadd.s32 $0xFFFFFC00  }
0x250: {  	s8 =	sadd.s32 $0xFFFFFFFF, s8;
	v1 =	vsel vm12, v1, v4;
	v4 =	vld [tilespmem:s31+$0x7C00]  }
.LBB2_2:
0x251: {  	_ =	sdelay $0x1  }
0x252: {  	v1 =	vsel vm13, v1, v2  }
0x253: {  	v1 =	vsel vm14, v1, v3  }
0x254: {  	s0 =	sld [smem:$0x7F5];
	vm0 =	vlt.u32 v0, $0x80;
	v63 =	vsel vm11, v1, v4  }
0x255: {  	v0 =	vnsel vm0, $0xBDCCCCCD, v63  }
0x256: {  	s1 =	rddreg [dreg:$0x7];
	s30 =	simm.s32 $0x2;
	[tilespmem:$0x8410] =	vst v0  }
0x257: {  	[hbm4b:s1+s2] =	stream.linear.scatter [tilespmem:s0], [sflag:$0x2], $0x20, $0x38;
	[tilespmem:$0x8480] =	vst v63  }
0x258: {  	_ =	swait.ge [sflag:s30], $0x20  }
0x259: {  	[sflag:s30] =	ssyncset.done $0x0  }
0x25a: {  	[sflag:s30] =	ssyncadd.s32 $0xFFFFFFE0  }
0x25b: {  	_ =	sfence.sel $0x180000  }
0x25c: {  	[bflag:$0x0] =	sbarrier.arrive $0xFFFF  }
0x25d: {  	_ =	strace $0x90000047  }
0x25e: {  	s31 =	stileid.u32;
	[bflag:$0x2] =	sbarrier.arrive $0xFFFF  }
0x25f: {  	p0 =	sne.s32 s31, $0x0;
	s0 =	rddreg [dreg:$0x2]  }
0x260: {  	s0 =	sadd.s32 @!p0 $0x100000, s0  }
0x261: {  	[sflag:s0] =	ssyncadd.tile.s32 @!p0 $0x1;
	_ =	shalt  }
.Lfunc_end2:
_tile_overlayer_lowered:
.L_overlay_start_2:
0x262: {  	(tag) =	ssettag $0x2  }
0x263: {  	s0 =	rddreg [dreg:$0x0];
	s2 =	stileid.u32  }
0x264: {  	s1 =	rddreg [dreg:$0x1];
	p0 =	sne.s32 s2, $0x0  }
0x265: {  	s3 =	rddreg [dreg:$0x2];
	[bflag:$0x3] =	sbarrier.arrive $0xFFFF;
	s2 =	simm.s32 @!p0 $0x1C02  }
0x266: {  	[timem:s3], [sflag:s2] =	dma.local @!p0 [hbm:s0], s1  }
0x267: {  	s0 =	simm.s32 @!p0 $0x2  }
0x268: {  	_ =	swait.ge @!p0 [sflag:s0], s1  }
0x269: {  	s1 =	ssub.s32 @!p0 $0x0, s1;
	[sflag:s0] =	ssyncset.done @!p0 $0x0  }
0x26a: {  	[sflag:s0] =	ssyncadd.s32 @!p0 s1  }
0x26b: {  	[bflag:$0x3] =	sbarrier.arrive $0xFFFF  }
0x26c: {  	_ =	shalt  }

</sc_bundles>
